<compile_context>
chip_gen: v7x
topology: tpu7x:2x2x1
jax: 0.10.2.dev20260603
libtpu: 0.0.44.dev20260713+nightly
codegen_flags: <defaults>
</compile_context>

<pallas_src>
import jax
import jax.numpy as jnp
from jax import lax
from jax.experimental import pallas as pl
from jax.experimental.pallas import tpu as pltpu
from jax.experimental.pallas import tpu_sc as plsc

N = 4096
D = 64
NNZ = 167772
NC = 2
NS = 16
NW = NC * NS
CHUNK = 128
NCHUNKS = 42
PER_TILE = NCHUNKS * CHUNK
NNZ_PAD = NW * PER_TILE
ROWS_PER_TILE = N // NS


def _sc_body(row_hbm, col_hbm, val_hbm, dense_hbm, out_hbm,
             row_v, col_v, val_v, in0, in1, in2, out0, out1, out2, zero_v,
             acc, dense_spm, gsem0, gsem1, gsem2, ssem0, ssem1, ssem2):
    cid = lax.axis_index("c")
    sid = lax.axis_index("s")
    wid = sid * NC + cid
    ins = (in0, in1, in2)
    outs = (out0, out1, out2)
    gsems = (gsem0, gsem1, gsem2)
    ssems = (ssem0, ssem1, ssem2)

    pltpu.make_async_copy(row_hbm.at[wid], row_v, gsem0).start()
    pltpu.make_async_copy(col_hbm.at[wid], col_v, gsem1).start()
    pltpu.make_async_copy(val_hbm.at[wid], val_v, gsem2).start()

    for r in range(16):
        for c in range(D // 16):
            zero_v[r, pl.ds(c * 16, 16)] = jnp.zeros((16,), jnp.float32)
    for z in range(ROWS_PER_TILE // 16):
        pltpu.make_async_copy(
            zero_v, acc.at[pl.ds(sid * ROWS_PER_TILE + z * 16, 16)],
            ssem0).start()
    pltpu.sync_copy(dense_hbm.at[pl.ds(sid * ROWS_PER_TILE, ROWS_PER_TILE)],
                    dense_spm.at[pl.ds(sid * ROWS_PER_TILE, ROWS_PER_TILE)])
    pltpu.make_async_copy(row_hbm.at[wid], row_v, gsem0).wait()
    pltpu.make_async_copy(col_hbm.at[wid], col_v, gsem1).wait()
    pltpu.make_async_copy(val_hbm.at[wid], val_v, gsem2).wait()
    for z in range(ROWS_PER_TILE // 16):
        pltpu.make_async_copy(
            zero_v, acc.at[pl.ds(sid * ROWS_PER_TILE + z * 16, 16)],
            ssem0).wait()
    plsc.subcore_barrier()

    def gather_start(j, b):
        pltpu.make_async_copy(
            dense_spm.at[col_v.at[j]], ins[b], gsems[b]).start()

    def gather_wait(j, b):
        pltpu.make_async_copy(
            dense_spm.at[col_v.at[j]], ins[b], gsems[b]).wait()

    def scatter_start(j, b):
        pltpu.make_async_copy(
            outs[b], acc.at[row_v.at[j]], ssems[b]).start(add=True)

    def scatter_wait(j, b):
        pltpu.make_async_copy(
            outs[b], acc.at[row_v.at[j]], ssems[b]).wait()

    def scale(j, b):
        in_v = ins[b]
        out_v = outs[b]
        jdx = jnp.full((16,), j, jnp.int32)

        def group_body(g, _):
            e0 = g * 4
            svals = [plsc.load_gather(
                val_v, [jdx, jnp.full((16,), e0 + q, jnp.int32)])
                for q in range(4)]
            rvs = [in_v[e0 + q, pl.ds(c * 16, 16)]
                   for q in range(4) for c in range(D // 16)]
            for q in range(4):
                for c in range(D // 16):
                    out_v[e0 + q, pl.ds(c * 16, 16)] = (
                        rvs[q * (D // 16) + c] * svals[q])
            return 0

        lax.fori_loop(0, CHUNK // 4, group_body, 0)

    def phase(j, b):
        gather_wait(j, b)

        @pl.when(j >= 3)
        def _():
            scatter_wait(j - 3, b)

        scale(j, b)
        scatter_start(j, b)

        @pl.when(j + 3 < NCHUNKS)
        def _():
            gather_start(j + 3, b)

    gather_start(0, 0)
    gather_start(1, 1)
    gather_start(2, 2)

    def tri_body(k, _):
        j = k * 3
        phase(j, 0)
        phase(j + 1, 1)
        phase(j + 2, 2)
        return 0

    lax.fori_loop(0, NCHUNKS // 3, tri_body, 0)
    scatter_wait(NCHUNKS - 3, 0)
    scatter_wait(NCHUNKS - 2, 1)
    scatter_wait(NCHUNKS - 1, 2)

    plsc.subcore_barrier()
    pltpu.sync_copy(acc.at[pl.ds(sid * ROWS_PER_TILE, ROWS_PER_TILE)],
                    out_hbm.at[cid, pl.ds(sid * ROWS_PER_TILE, ROWS_PER_TILE)])


def _add_partials_body(p_ref, o_ref):
    o_ref[...] = p_ref[0] + p_ref[1]


@jax.jit
def kernel(sparse_row, sparse_col, sparse_val, dense):
    pad = NNZ_PAD - NNZ
    row = jnp.concatenate(
        [sparse_row.astype(jnp.int32), jnp.zeros((pad,), jnp.int32)])
    col = jnp.concatenate(
        [sparse_col.astype(jnp.int32), jnp.zeros((pad,), jnp.int32)])
    val = jnp.concatenate(
        [sparse_val.astype(jnp.float32), jnp.zeros((pad,), jnp.float32)])
    row3 = row.reshape(NW, NCHUNKS, CHUNK)
    col3 = col.reshape(NW, NCHUNKS, CHUNK)
    val3 = val.reshape(NW, NCHUNKS, CHUNK)

    mesh = plsc.VectorSubcoreMesh(core_axis_name="c", subcore_axis_name="s")
    sc_call = pl.kernel(
        _sc_body,
        out_type=jax.ShapeDtypeStruct((NC, N, D), jnp.float32),
        mesh=mesh,
        compiler_params=pltpu.CompilerParams(
            needs_layout_passes=False, use_tc_tiling_on_sc=False),
        scratch_types=[
            pltpu.VMEM((NCHUNKS, CHUNK), jnp.int32),
            pltpu.VMEM((NCHUNKS, CHUNK), jnp.int32),
            pltpu.VMEM((NCHUNKS, CHUNK), jnp.float32),
            pltpu.VMEM((CHUNK, D), jnp.float32),
            pltpu.VMEM((CHUNK, D), jnp.float32),
            pltpu.VMEM((CHUNK, D), jnp.float32),
            pltpu.VMEM((CHUNK, D), jnp.float32),
            pltpu.VMEM((CHUNK, D), jnp.float32),
            pltpu.VMEM((CHUNK, D), jnp.float32),
            pltpu.VMEM((16, D), jnp.float32),
            pltpu.VMEM_SHARED((N, D), jnp.float32),
            pltpu.VMEM_SHARED((N, D), jnp.float32),
            pltpu.SemaphoreType.DMA,
            pltpu.SemaphoreType.DMA,
            pltpu.SemaphoreType.DMA,
            pltpu.SemaphoreType.DMA,
            pltpu.SemaphoreType.DMA,
            pltpu.SemaphoreType.DMA,
        ],
    )
    partial = sc_call(row3, col3, val3, dense.astype(jnp.float32))

    out = pl.pallas_call(
        _add_partials_body,
        out_shape=jax.ShapeDtypeStruct((N, D), jnp.float32),
    )(partial)
    return out

# --- scband reference (transcript-rebuilt; emitter-appended) ---
"""Pipeline reference for scband-stochastic-sub-sampler-45131516346504 (READ-ONLY COPY).

The authoritative reference and input builder live on the scoring server;
editing this copy changes nothing except your own understanding.
"""

import jax, jax.numpy as jnp
import numpy as np

N = 4096
NNZ = 167772
DENSE_COLS = 64
SAMPLE_PERCENTAGE = 0.02
SAMPLE_SIZE = int(round(N * N * SAMPLE_PERCENTAGE))
FILL = 0.0


def setup_inputs(seed: int = 0) -> dict:
    key = jax.random.key(seed)
    k1, k2, k3, k4 = jax.random.split(key, 4)
    sparse_row = jax.random.randint(k1, (NNZ,), 0, N)
    sparse_col = jax.random.randint(k2, (NNZ,), 0, N)
    sparse_val = jax.random.normal(k3, (NNZ,), dtype=jnp.float32)
    dense = jax.random.normal(k4, (N, DENSE_COLS), dtype=jnp.float32)
    return {"sparse_row": sparse_row, "sparse_col": sparse_col,
            "sparse_val": sparse_val, "dense": dense}


def _spmm(row, col, val, dense, n_rows):
    # sparse @ dense: gather dense rows by col, scale by value, scatter-add by row
    gathered = val[:, None] * jnp.take(dense, col, axis=0)
    return jax.ops.segment_sum(gathered, row, num_segments=n_rows)


def reference(sparse_row, sparse_col, sparse_val, dense):
    # Stochastically sample SAMPLE_SIZE linear positions in the n x n matrix
    skey = jax.random.key(1)
    lin = jax.random.randint(skey, (SAMPLE_SIZE,), 0, N * N)
    samp_row = lin // N
    samp_col = lin % N
    # accumulator starts at fill (zero) so the forward result is unchanged;
    # it exists so the backward hook can capture per-position gradients
    accumulator = jnp.full((SAMPLE_SIZE,), FILL, dtype=jnp.float32)
    # sparse_final = add(sparse, sampler)  (duplicate coordinates sum, which
    # is equivalent to torch_sparse.coalesce followed by spmm)
    row = jnp.concatenate([sparse_row, samp_row])
    col = jnp.concatenate([sparse_col, samp_col])
    val = jnp.concatenate([sparse_val, accumulator])
    # operator: spmm with the provided dense matrix
    return _spmm(row, col, val, dense, N)

if __name__ == "__main__":
    import jax
    _d = setup_inputs()
    print(jax.jit(kernel)(*tuple(_d.values())))

</pallas_src>

<mosaic_0001>
#map = affine_map<(d0, d1) -> (0, 0, 0)>
#map1 = affine_map<(d0, d1) -> (0, 0)>
module attributes {stable_mosaic.version = 14 : i64} {
  func.func @_sc_body(%arg0: i32, %arg1: i32, %arg2: memref<32x42x128xi32, #tpu.memory_space<hbm>>, %arg3: memref<32x42x128xi32, #tpu.memory_space<hbm>>, %arg4: memref<32x42x128xf32, #tpu.memory_space<hbm>>, %arg5: memref<4096x64xf32, #tpu.memory_space<hbm>>, %arg6: memref<2x4096x64xf32, #tpu.memory_space<hbm>>, %arg7: memref<42x128xi32, #tpu.memory_space<vmem>>, %arg8: memref<42x128xi32, #tpu.memory_space<vmem>>, %arg9: memref<42x128xf32, #tpu.memory_space<vmem>>, %arg10: memref<128x64xf32, #tpu.memory_space<vmem>>, %arg11: memref<128x64xf32, #tpu.memory_space<vmem>>, %arg12: memref<128x64xf32, #tpu.memory_space<vmem>>, %arg13: memref<128x64xf32, #tpu.memory_space<vmem>>, %arg14: memref<128x64xf32, #tpu.memory_space<vmem>>, %arg15: memref<128x64xf32, #tpu.memory_space<vmem>>, %arg16: memref<16x64xf32, #tpu.memory_space<vmem>>, %arg17: memref<4096x64xf32, #tpu.memory_space<vmem_shared>>, %arg18: memref<4096x64xf32, #tpu.memory_space<vmem_shared>>, %arg19: memref<!tpu.dma_semaphore, #tpu.memory_space<semaphore_mem>>, %arg20: memref<!tpu.dma_semaphore, #tpu.memory_space<semaphore_mem>>, %arg21: memref<!tpu.dma_semaphore, #tpu.memory_space<semaphore_mem>>, %arg22: memref<!tpu.dma_semaphore, #tpu.memory_space<semaphore_mem>>, %arg23: memref<!tpu.dma_semaphore, #tpu.memory_space<semaphore_mem>>, %arg24: memref<!tpu.dma_semaphore, #tpu.memory_space<semaphore_mem>>) attributes {dimension_semantics = [#tpu.dimension_semantics<core_parallel>, #tpu.dimension_semantics<subcore_parallel>], iteration_bounds = array<i64: 2, 16>, scalar_prefetch = 0 : i64, scratch_operands = 18 : i64, tpu.core_type = #tpu.core_type<sc_vector_subcore>, window_params = [{transform_indices = #map}, {transform_indices = #map}, {transform_indices = #map}, {transform_indices = #map1}, {transform_indices = #map}]} {
    %mul3A = arith.constant 2 : i32
    %mul3A_0 = arith.muli %arg1, %mul3A : i32
    %add3A = arith.addi %mul3A_0, %arg0 : i32
    %dma_start3A = arith.constant 0 : i32
    %dma_start3A_1 = arith.constant 0 : i32
    %dma_start3A_2 = tpu.memref_slice %arg2[%add3A, %dma_start3A, %dma_start3A_1] : memref<32x42x128xi32, #tpu.memory_space<hbm>> -> memref<1x42x128xi32, #tpu.memory_space<hbm>>
    %dma_start3A_3 = tpu.memref_squeeze %dma_start3A_2 : memref<1x42x128xi32, #tpu.memory_space<hbm>> -> memref<42x128xi32, #tpu.memory_space<hbm>>
    %dma_start3A_4 = arith.constant 0 : i32
    %dma_start3A_5 = arith.constant 0 : i32
    %dma_start3A_6 = tpu.memref_slice %arg2[%add3A, %dma_start3A_4, %dma_start3A_5] : memref<32x42x128xi32, #tpu.memory_space<hbm>> -> memref<1x42x128xi32, #tpu.memory_space<hbm>>
    %dma_start3A_7 = tpu.memref_squeeze %dma_start3A_6 : memref<1x42x128xi32, #tpu.memory_space<hbm>> -> memref<42x128xi32, #tpu.memory_space<hbm>>
    tpu.enqueue_dma source(%dma_start3A_7 : memref<42x128xi32, #tpu.memory_space<hbm>>) target(%arg7 : memref<42x128xi32, #tpu.memory_space<vmem>>) target_semaphore(%arg19 : memref<!tpu.dma_semaphore, #tpu.memory_space<semaphore_mem>>)
    %dma_start3A_8 = arith.constant 0 : i32
    %dma_start3A_9 = arith.constant 0 : i32
    %dma_start3A_10 = tpu.memref_slice %arg3[%add3A, %dma_start3A_8, %dma_start3A_9] : memref<32x42x128xi32, #tpu.memory_space<hbm>> -> memref<1x42x128xi32, #tpu.memory_space<hbm>>
    %dma_start3A_11 = tpu.memref_squeeze %dma_start3A_10 : memref<1x42x128xi32, #tpu.memory_space<hbm>> -> memref<42x128xi32, #tpu.memory_space<hbm>>
    %dma_start3A_12 = arith.constant 0 : i32
    %dma_start3A_13 = arith.constant 0 : i32
    %dma_start3A_14 = tpu.memref_slice %arg3[%add3A, %dma_start3A_12, %dma_start3A_13] : memref<32x42x128xi32, #tpu.memory_space<hbm>> -> memref<1x42x128xi32, #tpu.memory_space<hbm>>
    %dma_start3A_15 = tpu.memref_squeeze %dma_start3A_14 : memref<1x42x128xi32, #tpu.memory_space<hbm>> -> memref<42x128xi32, #tpu.memory_space<hbm>>
    tpu.enqueue_dma source(%dma_start3A_15 : memref<42x128xi32, #tpu.memory_space<hbm>>) target(%arg8 : memref<42x128xi32, #tpu.memory_space<vmem>>) target_semaphore(%arg20 : memref<!tpu.dma_semaphore, #tpu.memory_space<semaphore_mem>>)
    %dma_start3A_16 = arith.constant 0 : i32
    %dma_start3A_17 = arith.constant 0 : i32
    %dma_start3A_18 = tpu.memref_slice %arg4[%add3A, %dma_start3A_16, %dma_start3A_17] : memref<32x42x128xf32, #tpu.memory_space<hbm>> -> memref<1x42x128xf32, #tpu.memory_space<hbm>>
    %dma_start3A_19 = tpu.memref_squeeze %dma_start3A_18 : memref<1x42x128xf32, #tpu.memory_space<hbm>> -> memref<42x128xf32, #tpu.memory_space<hbm>>
    %dma_start3A_20 = arith.constant 0 : i32
    %dma_start3A_21 = arith.constant 0 : i32
    %dma_start3A_22 = tpu.memref_slice %arg4[%add3A, %dma_start3A_20, %dma_start3A_21] : memref<32x42x128xf32, #tpu.memory_space<hbm>> -> memref<1x42x128xf32, #tpu.memory_space<hbm>>
    %dma_start3A_23 = tpu.memref_squeeze %dma_start3A_22 : memref<1x42x128xf32, #tpu.memory_space<hbm>> -> memref<42x128xf32, #tpu.memory_space<hbm>>
    tpu.enqueue_dma source(%dma_start3A_23 : memref<42x128xf32, #tpu.memory_space<hbm>>) target(%arg9 : memref<42x128xf32, #tpu.memory_space<vmem>>) target_semaphore(%arg21 : memref<!tpu.dma_semaphore, #tpu.memory_space<semaphore_mem>>)
    %broadcast_in_dim3A = arith.constant 0.000000e+00 : f32
    %broadcast_in_dim3A_24 = vector.broadcast %broadcast_in_dim3A : f32 to vector<16xf32>
    %swap3A = arith.constant 0 : i32
    %swap3A_25 = arith.index_cast %swap3A : i32 to index
    %swap3A_26 = arith.constant 0 : index
    %swap3A_27 = tpu.vector_load %arg16[%swap3A_25, %swap3A_26] {strides = array<i32>} : memref<16x64xf32, #tpu.memory_space<vmem>>, vector<16xf32>,
    tpu.vector_store %arg16[%swap3A_25, %swap3A_26], %broadcast_in_dim3A_24 {strides = array<i32>} : memref<16x64xf32, #tpu.memory_space<vmem>>, vector<16xf32>,
    %broadcast_in_dim3A_28 = arith.constant 0.000000e+00 : f32
    %broadcast_in_dim3A_29 = vector.broadcast %broadcast_in_dim3A_28 : f32 to vector<16xf32>
    %swap3A_30 = arith.constant 0 : i32
    %swap3A_31 = arith.index_cast %swap3A_30 : i32 to index
    %swap3A_32 = arith.constant 16 : index
    %swap3A_33 = tpu.vector_load %arg16[%swap3A_31, %swap3A_32] {strides = array<i32>} : memref<16x64xf32, #tpu.memory_space<vmem>>, vector<16xf32>,
    tpu.vector_store %arg16[%swap3A_31, %swap3A_32], %broadcast_in_dim3A_29 {strides = array<i32>} : memref<16x64xf32, #tpu.memory_space<vmem>>, vector<16xf32>,
    %broadcast_in_dim3A_34 = arith.constant 0.000000e+00 : f32
    %broadcast_in_dim3A_35 = vector.broadcast %broadcast_in_dim3A_34 : f32 to vector<16xf32>
    %swap3A_36 = arith.constant 0 : i32
    %swap3A_37 = arith.index_cast %swap3A_36 : i32 to index
    %swap3A_38 = arith.constant 32 : index
    %swap3A_39 = tpu.vector_load %arg16[%swap3A_37, %swap3A_38] {strides = array<i32>} : memref<16x64xf32, #tpu.memory_space<vmem>>, vector<16xf32>,
    tpu.vector_store %arg16[%swap3A_37, %swap3A_38], %broadcast_in_dim3A_35 {strides = array<i32>} : memref<16x64xf32, #tpu.memory_space<vmem>>, vector<16xf32>,
    %broadcast_in_dim3A_40 = arith.constant 0.000000e+00 : f32
    %broadcast_in_dim3A_41 = vector.broadcast %broadcast_in_dim3A_40 : f32 to vector<16xf32>
    %swap3A_42 = arith.constant 0 : i32
    %swap3A_43 = arith.index_cast %swap3A_42 : i32 to index
    %swap3A_44 = arith.constant 48 : index
    %swap3A_45 = tpu.vector_load %arg16[%swap3A_43, %swap3A_44] {strides = array<i32>} : memref<16x64xf32, #tpu.memory_space<vmem>>, vector<16xf32>,
    tpu.vector_store %arg16[%swap3A_43, %swap3A_44], %broadcast_in_dim3A_41 {strides = array<i32>} : memref<16x64xf32, #tpu.memory_space<vmem>>, vector<16xf32>,
    %broadcast_in_dim3A_46 = arith.constant 0.000000e+00 : f32
    %broadcast_in_dim3A_47 = vector.broadcast %broadcast_in_dim3A_46 : f32 to vector<16xf32>
    %swap3A_48 = arith.constant 1 : i32
    %swap3A_49 = arith.index_cast %swap3A_48 : i32 to index
    %swap3A_50 = arith.constant 0 : index
    %swap3A_51 = tpu.vector_load %arg16[%swap3A_49, %swap3A_50] {strides = array<i32>} : memref<16x64xf32, #tpu.memory_space<vmem>>, vector<16xf32>,
    tpu.vector_store %arg16[%swap3A_49, %swap3A_50], %broadcast_in_dim3A_47 {strides = array<i32>} : memref<16x64xf32, #tpu.memory_space<vmem>>, vector<16xf32>,
    %broadcast_in_dim3A_52 = arith.constant 0.000000e+00 : f32
    %broadcast_in_dim3A_53 = vector.broadcast %broadcast_in_dim3A_52 : f32 to vector<16xf32>
    %swap3A_54 = arith.constant 1 : i32
    %swap3A_55 = arith.index_cast %swap3A_54 : i32 to index
    %swap3A_56 = arith.constant 16 : index
    %swap3A_57 = tpu.vector_load %arg16[%swap3A_55, %swap3A_56] {strides = array<i32>} : memref<16x64xf32, #tpu.memory_space<vmem>>, vector<16xf32>,
    tpu.vector_store %arg16[%swap3A_55, %swap3A_56], %broadcast_in_dim3A_53 {strides = array<i32>} : memref<16x64xf32, #tpu.memory_space<vmem>>, vector<16xf32>,
    %broadcast_in_dim3A_58 = arith.constant 0.000000e+00 : f32
    %broadcast_in_dim3A_59 = vector.broadcast %broadcast_in_dim3A_58 : f32 to vector<16xf32>
    %swap3A_60 = arith.constant 1 : i32
    %swap3A_61 = arith.index_cast %swap3A_60 : i32 to index
    %swap3A_62 = arith.constant 32 : index
    %swap3A_63 = tpu.vector_load %arg16[%swap3A_61, %swap3A_62] {strides = array<i32>} : memref<16x64xf32, #tpu.memory_space<vmem>>, vector<16xf32>,
    tpu.vector_store %arg16[%swap3A_61, %swap3A_62], %broadcast_in_dim3A_59 {strides = array<i32>} : memref<16x64xf32, #tpu.memory_space<vmem>>, vector<16xf32>,
    %broadcast_in_dim3A_64 = arith.constant 0.000000e+00 : f32
    %broadcast_in_dim3A_65 = vector.broadcast %broadcast_in_dim3A_64 : f32 to vector<16xf32>
    %swap3A_66 = arith.constant 1 : i32
    %swap3A_67 = arith.index_cast %swap3A_66 : i32 to index
    %swap3A_68 = arith.constant 48 : index
    %swap3A_69 = tpu.vector_load %arg16[%swap3A_67, %swap3A_68] {strides = array<i32>} : memref<16x64xf32, #tpu.memory_space<vmem>>, vector<16xf32>,
    tpu.vector_store %arg16[%swap3A_67, %swap3A_68], %broadcast_in_dim3A_65 {strides = array<i32>} : memref<16x64xf32, #tpu.memory_space<vmem>>, vector<16xf32>,
    %broadcast_in_dim3A_70 = arith.constant 0.000000e+00 : f32
    %broadcast_in_dim3A_71 = vector.broadcast %broadcast_in_dim3A_70 : f32 to vector<16xf32>
    %swap3A_72 = arith.constant 2 : i32
    %swap3A_73 = arith.index_cast %swap3A_72 : i32 to index
    %swap3A_74 = arith.constant 0 : index
    %swap3A_75 = tpu.vector_load %arg16[%swap3A_73, %swap3A_74] {strides = array<i32>} : memref<16x64xf32, #tpu.memory_space<vmem>>, vector<16xf32>,
    tpu.vector_store %arg16[%swap3A_73, %swap3A_74], %broadcast_in_dim3A_71 {strides = array<i32>} : memref<16x64xf32, #tpu.memory_space<vmem>>, vector<16xf32>,
    %broadcast_in_dim3A_76 = arith.constant 0.000000e+00 : f32
    %broadcast_in_dim3A_77 = vector.broadcast %broadcast_in_dim3A_76 : f32 to vector<16xf32>
    %swap3A_78 = arith.constant 2 : i32
    %swap3A_79 = arith.index_cast %swap3A_78 : i32 to index
    %swap3A_80 = arith.constant 16 : index
    %swap3A_81 = tpu.vector_load %arg16[%swap3A_79, %swap3A_80] {strides = array<i32>} : memref<16x64xf32, #tpu.memory_space<vmem>>, vector<16xf32>,
    tpu.vector_store %arg16[%swap3A_79, %swap3A_80], %broadcast_in_dim3A_77 {strides = array<i32>} : memref<16x64xf32, #tpu.memory_space<vmem>>, vector<16xf32>,
    %broadcast_in_dim3A_82 = arith.constant 0.000000e+00 : f32
    %broadcast_in_dim3A_83 = vector.broadcast %broadcast_in_dim3A_82 : f32 to vector<16xf32>
    %swap3A_84 = arith.constant 2 : i32
    %swap3A_85 = arith.index_cast %swap3A_84 : i32 to index
    %swap3A_86 = arith.constant 32 : index
    %swap3A_87 = tpu.vector_load %arg16[%swap3A_85, %swap3A_86] {strides = array<i32>} : memref<16x64xf32, #tpu.memory_space<vmem>>, vector<16xf32>,
    tpu.vector_store %arg16[%swap3A_85, %swap3A_86], %broadcast_in_dim3A_83 {strides = array<i32>} : memref<16x64xf32, #tpu.memory_space<vmem>>, vector<16xf32>,
    %broadcast_in_dim3A_88 = arith.constant 0.000000e+00 : f32
    %broadcast_in_dim3A_89 = vector.broadcast %broadcast_in_dim3A_88 : f32 to vector<16xf32>
    %swap3A_90 = arith.constant 2 : i32
    %swap3A_91 = arith.index_cast %swap3A_90 : i32 to index
    %swap3A_92 = arith.constant 48 : index
    %swap3A_93 = tpu.vector_load %arg16[%swap3A_91, %swap3A_92] {strides = array<i32>} : memref<16x64xf32, #tpu.memory_space<vmem>>, vector<16xf32>,
    tpu.vector_store %arg16[%swap3A_91, %swap3A_92], %broadcast_in_dim3A_89 {strides = array<i32>} : memref<16x64xf32, #tpu.memory_space<vmem>>, vector<16xf32>,
    %broadcast_in_dim3A_94 = arith.constant 0.000000e+00 : f32
    %broadcast_in_dim3A_95 = vector.broadcast %broadcast_in_dim3A_94 : f32 to vector<16xf32>
    %swap3A_96 = arith.constant 3 : i32
    %swap3A_97 = arith.index_cast %swap3A_96 : i32 to index
    %swap3A_98 = arith.constant 0 : index
    %swap3A_99 = tpu.vector_load %arg16[%swap3A_97, %swap3A_98] {strides = array<i32>} : memref<16x64xf32, #tpu.memory_space<vmem>>, vector<16xf32>,
    tpu.vector_store %arg16[%swap3A_97, %swap3A_98], %broadcast_in_dim3A_95 {strides = array<i32>} : memref<16x64xf32, #tpu.memory_space<vmem>>, vector<16xf32>,
    %broadcast_in_dim3A_100 = arith.constant 0.000000e+00 : f32
    %broadcast_in_dim3A_101 = vector.broadcast %broadcast_in_dim3A_100 : f32 to vector<16xf32>
    %swap3A_102 = arith.constant 3 : i32
    %swap3A_103 = arith.index_cast %swap3A_102 : i32 to index
    %swap3A_104 = arith.constant 16 : index
    %swap3A_105 = tpu.vector_load %arg16[%swap3A_103, %swap3A_104] {strides = array<i32>} : memref<16x64xf32, #tpu.memory_space<vmem>>, vector<16xf32>,
    tpu.vector_store %arg16[%swap3A_103, %swap3A_104], %broadcast_in_dim3A_101 {strides = array<i32>} : memref<16x64xf32, #tpu.memory_space<vmem>>, vector<16xf32>,
    %broadcast_in_dim3A_106 = arith.constant 0.000000e+00 : f32
    %broadcast_in_dim3A_107 = vector.broadcast %broadcast_in_dim3A_106 : f32 to vector<16xf32>
    %swap3A_108 = arith.constant 3 : i32
    %swap3A_109 = arith.index_cast %swap3A_108 : i32 to index
    %swap3A_110 = arith.constant 32 : index
    %swap3A_111 = tpu.vector_load %arg16[%swap3A_109, %swap3A_110] {strides = array<i32>} : memref<16x64xf32, #tpu.memory_space<vmem>>, vector<16xf32>,
    tpu.vector_store %arg16[%swap3A_109, %swap3A_110], %broadcast_in_dim3A_107 {strides = array<i32>} : memref<16x64xf32, #tpu.memory_space<vmem>>, vector<16xf32>,
    %broadcast_in_dim3A_112 = arith.constant 0.000000e+00 : f32
    %broadcast_in_dim3A_113 = vector.broadcast %broadcast_in_dim3A_112 : f32 to vector<16xf32>
    %swap3A_114 = arith.constant 3 : i32
    %swap3A_115 = arith.index_cast %swap3A_114 : i32 to index
    %swap3A_116 = arith.constant 48 : index
    %swap3A_117 = tpu.vector_load %arg16[%swap3A_115, %swap3A_116] {strides = array<i32>} : memref<16x64xf32, #tpu.memory_space<vmem>>, vector<16xf32>,
    tpu.vector_store %arg16[%swap3A_115, %swap3A_116], %broadcast_in_dim3A_113 {strides = array<i32>} : memref<16x64xf32, #tpu.memory_space<vmem>>, vector<16xf32>,
    %broadcast_in_dim3A_118 = arith.constant 0.000000e+00 : f32
    %broadcast_in_dim3A_119 = vector.broadcast %broadcast_in_dim3A_118 : f32 to vector<16xf32>
    %swap3A_120 = arith.constant 4 : i32
    %swap3A_121 = arith.index_cast %swap3A_120 : i32 to index
    %swap3A_122 = arith.constant 0 : index
    %swap3A_123 = tpu.vector_load %arg16[%swap3A_121, %swap3A_122] {strides = array<i32>} : memref<16x64xf32, #tpu.memory_space<vmem>>, vector<16xf32>,
    tpu.vector_store %arg16[%swap3A_121, %swap3A_122], %broadcast_in_dim3A_119 {strides = array<i32>} : memref<16x64xf32, #tpu.memory_space<vmem>>, vector<16xf32>,
    %broadcast_in_dim3A_124 = arith.constant 0.000000e+00 : f32
    %broadcast_in_dim3A_125 = vector.broadcast %broadcast_in_dim3A_124 : f32 to vector<16xf32>
    %swap3A_126 = arith.constant 4 : i32
    %swap3A_127 = arith.index_cast %swap3A_126 : i32 to index
    %swap3A_128 = arith.constant 16 : index
    %swap3A_129 = tpu.vector_load %arg16[%swap3A_127, %swap3A_128] {strides = array<i32>} : memref<16x64xf32, #tpu.memory_space<vmem>>, vector<16xf32>,
    tpu.vector_store %arg16[%swap3A_127, %swap3A_128], %broadcast_in_dim3A_125 {strides = array<i32>} : memref<16x64xf32, #tpu.memory_space<vmem>>, vector<16xf32>,
    %broadcast_in_dim3A_130 = arith.constant 0.000000e+00 : f32
    %broadcast_in_dim3A_131 = vector.broadcast %broadcast_in_dim3A_130 : f32 to vector<16xf32>
    %swap3A_132 = arith.constant 4 : i32
    %swap3A_133 = arith.index_cast %swap3A_132 : i32 to index
    %swap3A_134 = arith.constant 32 : index
    %swap3A_135 = tpu.vector_load %arg16[%swap3A_133, %swap3A_134] {strides = array<i32>} : memref<16x64xf32, #tpu.memory_space<vmem>>, vector<16xf32>,
    tpu.vector_store %arg16[%swap3A_133, %swap3A_134], %broadcast_in_dim3A_131 {strides = array<i32>} : memref<16x64xf32, #tpu.memory_space<vmem>>, vector<16xf32>,
    %broadcast_in_dim3A_136 = arith.constant 0.000000e+00 : f32
    %broadcast_in_dim3A_137 = vector.broadcast %broadcast_in_dim3A_136 : f32 to vector<16xf32>
    %swap3A_138 = arith.constant 4 : i32
    %swap3A_139 = arith.index_cast %swap3A_138 : i32 to index
    %swap3A_140 = arith.constant 48 : index
    %swap3A_141 = tpu.vector_load %arg16[%swap3A_139, %swap3A_140] {strides = array<i32>} : memref<16x64xf32, #tpu.memory_space<vmem>>, vector<16xf32>,
    tpu.vector_store %arg16[%swap3A_139, %swap3A_140], %broadcast_in_dim3A_137 {strides = array<i32>} : memref<16x64xf32, #tpu.memory_space<vmem>>, vector<16xf32>,
    %broadcast_in_dim3A_142 = arith.constant 0.000000e+00 : f32
    %broadcast_in_dim3A_143 = vector.broadcast %broadcast_in_dim3A_142 : f32 to vector<16xf32>
    %swap3A_144 = arith.constant 5 : i32
    %swap3A_145 = arith.index_cast %swap3A_144 : i32 to index
    %swap3A_146 = arith.constant 0 : index
    %swap3A_147 = tpu.vector_load %arg16[%swap3A_145, %swap3A_146] {strides = array<i32>} : memref<16x64xf32, #tpu.memory_space<vmem>>, vector<16xf32>,
    tpu.vector_store %arg16[%swap3A_145, %swap3A_146], %broadcast_in_dim3A_143 {strides = array<i32>} : memref<16x64xf32, #tpu.memory_space<vmem>>, vector<16xf32>,
    %broadcast_in_dim3A_148 = arith.constant 0.000000e+00 : f32
    %broadcast_in_dim3A_149 = vector.broadcast %broadcast_in_dim3A_148 : f32 to vector<16xf32>
    %swap3A_150 = arith.constant 5 : i32
    %swap3A_151 = arith.index_cast %swap3A_150 : i32 to index
    %swap3A_152 = arith.constant 16 : index
    %swap3A_153 = tpu.vector_load %arg16[%swap3A_151, %swap3A_152] {strides = array<i32>} : memref<16x64xf32, #tpu.memory_space<vmem>>, vector<16xf32>,
    tpu.vector_store %arg16[%swap3A_151, %swap3A_152], %broadcast_in_dim3A_149 {strides = array<i32>} : memref<16x64xf32, #tpu.memory_space<vmem>>, vector<16xf32>,
    %broadcast_in_dim3A_154 = arith.constant 0.000000e+00 : f32
    %broadcast_in_dim3A_155 = vector.broadcast %broadcast_in_dim3A_154 : f32 to vector<16xf32>
    %swap3A_156 = arith.constant 5 : i32
    %swap3A_157 = arith.index_cast %swap3A_156 : i32 to index
    %swap3A_158 = arith.constant 32 : index
    %swap3A_159 = tpu.vector_load %arg16[%swap3A_157, %swap3A_158] {strides = array<i32>} : memref<16x64xf32, #tpu.memory_space<vmem>>, vector<16xf32>,
    tpu.vector_store %arg16[%swap3A_157, %swap3A_158], %broadcast_in_dim3A_155 {strides = array<i32>} : memref<16x64xf32, #tpu.memory_space<vmem>>, vector<16xf32>,
    %broadcast_in_dim3A_160 = arith.constant 0.000000e+00 : f32
    %broadcast_in_dim3A_161 = vector.broadcast %broadcast_in_dim3A_160 : f32 to vector<16xf32>
    %swap3A_162 = arith.constant 5 : i32
    %swap3A_163 = arith.index_cast %swap3A_162 : i32 to index
    %swap3A_164 = arith.constant 48 : index
    %swap3A_165 = tpu.vector_load %arg16[%swap3A_163, %swap3A_164] {strides = array<i32>} : memref<16x64xf32, #tpu.memory_space<vmem>>, vector<16xf32>,
    tpu.vector_store %arg16[%swap3A_163, %swap3A_164], %broadcast_in_dim3A_161 {strides = array<i32>} : memref<16x64xf32, #tpu.memory_space<vmem>>, vector<16xf32>,
    %broadcast_in_dim3A_166 = arith.constant 0.000000e+00 : f32
    %broadcast_in_dim3A_167 = vector.broadcast %broadcast_in_dim3A_166 : f32 to vector<16xf32>
    %swap3A_168 = arith.constant 6 : i32
    %swap3A_169 = arith.index_cast %swap3A_168 : i32 to index
    %swap3A_170 = arith.constant 0 : index
    %swap3A_171 = tpu.vector_load %arg16[%swap3A_169, %swap3A_170] {strides = array<i32>} : memref<16x64xf32, #tpu.memory_space<vmem>>, vector<16xf32>,
    tpu.vector_store %arg16[%swap3A_169, %swap3A_170], %broadcast_in_dim3A_167 {strides = array<i32>} : memref<16x64xf32, #tpu.memory_space<vmem>>, vector<16xf32>,
    %broadcast_in_dim3A_172 = arith.constant 0.000000e+00 : f32
    %broadcast_in_dim3A_173 = vector.broadcast %broadcast_in_dim3A_172 : f32 to vector<16xf32>
    %swap3A_174 = arith.constant 6 : i32
    %swap3A_175 = arith.index_cast %swap3A_174 : i32 to index
    %swap3A_176 = arith.constant 16 : index
    %swap3A_177 = tpu.vector_load %arg16[%swap3A_175, %swap3A_176] {strides = array<i32>} : memref<16x64xf32, #tpu.memory_space<vmem>>, vector<16xf32>,
    tpu.vector_store %arg16[%swap3A_175, %swap3A_176], %broadcast_in_dim3A_173 {strides = array<i32>} : memref<16x64xf32, #tpu.memory_space<vmem>>, vector<16xf32>,
    %broadcast_in_dim3A_178 = arith.constant 0.000000e+00 : f32
    %broadcast_in_dim3A_179 = vector.broadcast %broadcast_in_dim3A_178 : f32 to vector<16xf32>
    %swap3A_180 = arith.constant 6 : i32
    %swap3A_181 = arith.index_cast %swap3A_180 : i32 to index
    %swap3A_182 = arith.constant 32 : index
    %swap3A_183 = tpu.vector_load %arg16[%swap3A_181, %swap3A_182] {strides = array<i32>} : memref<16x64xf32, #tpu.memory_space<vmem>>, vector<16xf32>,
    tpu.vector_store %arg16[%swap3A_181, %swap3A_182], %broadcast_in_dim3A_179 {strides = array<i32>} : memref<16x64xf32, #tpu.memory_space<vmem>>, vector<16xf32>,
    %broadcast_in_dim3A_184 = arith.constant 0.000000e+00 : f32
    %broadcast_in_dim3A_185 = vector.broadcast %broadcast_in_dim3A_184 : f32 to vector<16xf32>
    %swap3A_186 = arith.constant 6 : i32
    %swap3A_187 = arith.index_cast %swap3A_186 : i32 to index
    %swap3A_188 = arith.constant 48 : index
    %swap3A_189 = tpu.vector_load %arg16[%swap3A_187, %swap3A_188] {strides = array<i32>} : memref<16x64xf32, #tpu.memory_space<vmem>>, vector<16xf32>,
    tpu.vector_store %arg16[%swap3A_187, %swap3A_188], %broadcast_in_dim3A_185 {strides = array<i32>} : memref<16x64xf32, #tpu.memory_space<vmem>>, vector<16xf32>,
    %broadcast_in_dim3A_190 = arith.constant 0.000000e+00 : f32
    %broadcast_in_dim3A_191 = vector.broadcast %broadcast_in_dim3A_190 : f32 to vector<16xf32>
    %swap3A_192 = arith.constant 7 : i32
    %swap3A_193 = arith.index_cast %swap3A_192 : i32 to index
    %swap3A_194 = arith.constant 0 : index
    %swap3A_195 = tpu.vector_load %arg16[%swap3A_193, %swap3A_194] {strides = array<i32>} : memref<16x64xf32, #tpu.memory_space<vmem>>, vector<16xf32>,
    tpu.vector_store %arg16[%swap3A_193, %swap3A_194], %broadcast_in_dim3A_191 {strides = array<i32>} : memref<16x64xf32, #tpu.memory_space<vmem>>, vector<16xf32>,
    %broadcast_in_dim3A_196 = arith.constant 0.000000e+00 : f32
    %broadcast_in_dim3A_197 = vector.broadcast %broadcast_in_dim3A_196 : f32 to vector<16xf32>
    %swap3A_198 = arith.constant 7 : i32
    %swap3A_199 = arith.index_cast %swap3A_198 : i32 to index
    %swap3A_200 = arith.constant 16 : index
    %swap3A_201 = tpu.vector_load %arg16[%swap3A_199, %swap3A_200] {strides = array<i32>} : memref<16x64xf32, #tpu.memory_space<vmem>>, vector<16xf32>,
    tpu.vector_store %arg16[%swap3A_199, %swap3A_200], %broadcast_in_dim3A_197 {strides = array<i32>} : memref<16x64xf32, #tpu.memory_space<vmem>>, vector<16xf32>,
    %broadcast_in_dim3A_202 = arith.constant 0.000000e+00 : f32
    %broadcast_in_dim3A_203 = vector.broadcast %broadcast_in_dim3A_202 : f32 to vector<16xf32>
    %swap3A_204 = arith.constant 7 : i32
    %swap3A_205 = arith.index_cast %swap3A_204 : i32 to index
    %swap3A_206 = arith.constant 32 : index
    %swap3A_207 = tpu.vector_load %arg16[%swap3A_205, %swap3A_206] {strides = array<i32>} : memref<16x64xf32, #tpu.memory_space<vmem>>, vector<16xf32>,
    tpu.vector_store %arg16[%swap3A_205, %swap3A_206], %broadcast_in_dim3A_203 {strides = array<i32>} : memref<16x64xf32, #tpu.memory_space<vmem>>, vector<16xf32>,
    %broadcast_in_dim3A_208 = arith.constant 0.000000e+00 : f32
    %broadcast_in_dim3A_209 = vector.broadcast %broadcast_in_dim3A_208 : f32 to vector<16xf32>
    %swap3A_210 = arith.constant 7 : i32
    %swap3A_211 = arith.index_cast %swap3A_210 : i32 to index
    %swap3A_212 = arith.constant 48 : index
    %swap3A_213 = tpu.vector_load %arg16[%swap3A_211, %swap3A_212] {strides = array<i32>} : memref<16x64xf32, #tpu.memory_space<vmem>>, vector<16xf32>,
    tpu.vector_store %arg16[%swap3A_211, %swap3A_212], %broadcast_in_dim3A_209 {strides = array<i32>} : memref<16x64xf32, #tpu.memory_space<vmem>>, vector<16xf32>,
    %broadcast_in_dim3A_214 = arith.constant 0.000000e+00 : f32
    %broadcast_in_dim3A_215 = vector.broadcast %broadcast_in_dim3A_214 : f32 to vector<16xf32>
    %swap3A_216 = arith.constant 8 : i32
    %swap3A_217 = arith.index_cast %swap3A_216 : i32 to index
    %swap3A_218 = arith.constant 0 : index
    %swap3A_219 = tpu.vector_load %arg16[%swap3A_217, %swap3A_218] {strides = array<i32>} : memref<16x64xf32, #tpu.memory_space<vmem>>, vector<16xf32>,
    tpu.vector_store %arg16[%swap3A_217, %swap3A_218], %broadcast_in_dim3A_215 {strides = array<i32>} : memref<16x64xf32, #tpu.memory_space<vmem>>, vector<16xf32>,
    %broadcast_in_dim3A_220 = arith.constant 0.000000e+00 : f32
    %broadcast_in_dim3A_221 = vector.broadcast %broadcast_in_dim3A_220 : f32 to vector<16xf32>
    %swap3A_222 = arith.constant 8 : i32
    %swap3A_223 = arith.index_cast %swap3A_222 : i32 to index
    %swap3A_224 = arith.constant 16 : index
    %swap3A_225 = tpu.vector_load %arg16[%swap3A_223, %swap3A_224] {strides = array<i32>} : memref<16x64xf32, #tpu.memory_space<vmem>>, vector<16xf32>,
    tpu.vector_store %arg16[%swap3A_223, %swap3A_224], %broadcast_in_dim3A_221 {strides = array<i32>} : memref<16x64xf32, #tpu.memory_space<vmem>>, vector<16xf32>,
    %broadcast_in_dim3A_226 = arith.constant 0.000000e+00 : f32
    %broadcast_in_dim3A_227 = vector.broadcast %broadcast_in_dim3A_226 : f32 to vector<16xf32>
    %swap3A_228 = arith.constant 8 : i32
    %swap3A_229 = arith.index_cast %swap3A_228 : i32 to index
    %swap3A_230 = arith.constant 32 : index
    %swap3A_231 = tpu.vector_load %arg16[%swap3A_229, %swap3A_230] {strides = array<i32>} : memref<16x64xf32, #tpu.memory_space<vmem>>, vector<16xf32>,
    tpu.vector_store %arg16[%swap3A_229, %swap3A_230], %broadcast_in_dim3A_227 {strides = array<i32>} : memref<16x64xf32, #tpu.memory_space<vmem>>, vector<16xf32>,
    %broadcast_in_dim3A_232 = arith.constant 0.000000e+00 : f32
    %broadcast_in_dim3A_233 = vector.broadcast %broadcast_in_dim3A_232 : f32 to vector<16xf32>
    %swap3A_234 = arith.constant 8 : i32
    %swap3A_235 = arith.index_cast %swap3A_234 : i32 to index
    %swap3A_236 = arith.constant 48 : index
    %swap3A_237 = tpu.vector_load %arg16[%swap3A_235, %swap3A_236] {strides = array<i32>} : memref<16x64xf32, #tpu.memory_space<vmem>>, vector<16xf32>,
    tpu.vector_store %arg16[%swap3A_235, %swap3A_236], %broadcast_in_dim3A_233 {strides = array<i32>} : memref<16x64xf32, #tpu.memory_space<vmem>>, vector<16xf32>,
    %broadcast_in_dim3A_238 = arith.constant 0.000000e+00 : f32
    %broadcast_in_dim3A_239 = vector.broadcast %broadcast_in_dim3A_238 : f32 to vector<16xf32>
    %swap3A_240 = arith.constant 9 : i32
    %swap3A_241 = arith.index_cast %swap3A_240 : i32 to index
    %swap3A_242 = arith.constant 0 : index
    %swap3A_243 = tpu.vector_load %arg16[%swap3A_241, %swap3A_242] {strides = array<i32>} : memref<16x64xf32, #tpu.memory_space<vmem>>, vector<16xf32>,
    tpu.vector_store %arg16[%swap3A_241, %swap3A_242], %broadcast_in_dim3A_239 {strides = array<i32>} : memref<16x64xf32, #tpu.memory_space<vmem>>, vector<16xf32>,
    %broadcast_in_dim3A_244 = arith.constant 0.000000e+00 : f32
    %broadcast_in_dim3A_245 = vector.broadcast %broadcast_in_dim3A_244 : f32 to vector<16xf32>
    %swap3A_246 = arith.constant 9 : i32
    %swap3A_247 = arith.index_cast %swap3A_246 : i32 to index
    %swap3A_248 = arith.constant 16 : index
    %swap3A_249 = tpu.vector_load %arg16[%swap3A_247, %swap3A_248] {strides = array<i32>} : memref<16x64xf32, #tpu.memory_space<vmem>>, vector<16xf32>,
    tpu.vector_store %arg16[%swap3A_247, %swap3A_248], %broadcast_in_dim3A_245 {strides = array<i32>} : memref<16x64xf32, #tpu.memory_space<vmem>>, vector<16xf32>,
    %broadcast_in_dim3A_250 = arith.constant 0.000000e+00 : f32
    %broadcast_in_dim3A_251 = vector.broadcast %broadcast_in_dim3A_250 : f32 to vector<16xf32>
    %swap3A_252 = arith.constant 9 : i32
    %swap3A_253 = arith.index_cast %swap3A_252 : i32 to index
    %swap3A_254 = arith.constant 32 : index
    %swap3A_255 = tpu.vector_load %arg16[%swap3A_253, %swap3A_254] {strides = array<i32>} : memref<16x64xf32, #tpu.memory_space<vmem>>, vector<16xf32>,
    tpu.vector_store %arg16[%swap3A_253, %swap3A_254], %broadcast_in_dim3A_251 {strides = array<i32>} : memref<16x64xf32, #tpu.memory_space<vmem>>, vector<16xf32>,
    %broadcast_in_dim3A_256 = arith.constant 0.000000e+00 : f32
    %broadcast_in_dim3A_257 = vector.broadcast %broadcast_in_dim3A_256 : f32 to vector<16xf32>
    %swap3A_258 = arith.constant 9 : i32
    %swap3A_259 = arith.index_cast %swap3A_258 : i32 to index
    %swap3A_260 = arith.constant 48 : index
    %swap3A_261 = tpu.vector_load %arg16[%swap3A_259, %swap3A_260] {strides = array<i32>} : memref<16x64xf32, #tpu.memory_space<vmem>>, vector<16xf32>,
    tpu.vector_store %arg16[%swap3A_259, %swap3A_260], %broadcast_in_dim3A_257 {strides = array<i32>} : memref<16x64xf32, #tpu.memory_space<vmem>>, vector<16xf32>,
    %broadcast_in_dim3A_262 = arith.constant 0.000000e+00 : f32
    %broadcast_in_dim3A_263 = vector.broadcast %broadcast_in_dim3A_262 : f32 to vector<16xf32>
    %swap3A_264 = arith.constant 10 : i32
    %swap3A_265 = arith.index_cast %swap3A_264 : i32 to index
    %swap3A_266 = arith.constant 0 : index
    %swap3A_267 = tpu.vector_load %arg16[%swap3A_265, %swap3A_266] {strides = array<i32>} : memref<16x64xf32, #tpu.memory_space<vmem>>, vector<16xf32>,
    tpu.vector_store %arg16[%swap3A_265, %swap3A_266], %broadcast_in_dim3A_263 {strides = array<i32>} : memref<16x64xf32, #tpu.memory_space<vmem>>, vector<16xf32>,
    %broadcast_in_dim3A_268 = arith.constant 0.000000e+00 : f32
    %broadcast_in_dim3A_269 = vector.broadcast %broadcast_in_dim3A_268 : f32 to vector<16xf32>
    %swap3A_270 = arith.constant 10 : i32
    %swap3A_271 = arith.index_cast %swap3A_270 : i32 to index
    %swap3A_272 = arith.constant 16 : index
    %swap3A_273 = tpu.vector_load %arg16[%swap3A_271, %swap3A_272] {strides = array<i32>} : memref<16x64xf32, #tpu.memory_space<vmem>>, vector<16xf32>,
    tpu.vector_store %arg16[%swap3A_271, %swap3A_272], %broadcast_in_dim3A_269 {strides = array<i32>} : memref<16x64xf32, #tpu.memory_space<vmem>>, vector<16xf32>,
    %broadcast_in_dim3A_274 = arith.constant 0.000000e+00 : f32
    %broadcast_in_dim3A_275 = vector.broadcast %broadcast_in_dim3A_274 : f32 to vector<16xf32>
    %swap3A_276 = arith.constant 10 : i32
    %swap3A_277 = arith.index_cast %swap3A_276 : i32 to index
    %swap3A_278 = arith.constant 32 : index
    %swap3A_279 = tpu.vector_load %arg16[%swap3A_277, %swap3A_278] {strides = array<i32>} : memref<16x64xf32, #tpu.memory_space<vmem>>, vector<16xf32>,
    tpu.vector_store %arg16[%swap3A_277, %swap3A_278], %broadcast_in_dim3A_275 {strides = array<i32>} : memref<16x64xf32, #tpu.memory_space<vmem>>, vector<16xf32>,
    %broadcast_in_dim3A_280 = arith.constant 0.000000e+00 : f32
    %broadcast_in_dim3A_281 = vector.broadcast %broadcast_in_dim3A_280 : f32 to vector<16xf32>
    %swap3A_282 = arith.constant 10 : i32
    %swap3A_283 = arith.index_cast %swap3A_282 : i32 to index
    %swap3A_284 = arith.constant 48 : index
    %swap3A_285 = tpu.vector_load %arg16[%swap3A_283, %swap3A_284] {strides = array<i32>} : memref<16x64xf32, #tpu.memory_space<vmem>>, vector<16xf32>,
    tpu.vector_store %arg16[%swap3A_283, %swap3A_284], %broadcast_in_dim3A_281 {strides = array<i32>} : memref<16x64xf32, #tpu.memory_space<vmem>>, vector<16xf32>,
    %broadcast_in_dim3A_286 = arith.constant 0.000000e+00 : f32
    %broadcast_in_dim3A_287 = vector.broadcast %broadcast_in_dim3A_286 : f32 to vector<16xf32>
    %swap3A_288 = arith.constant 11 : i32
    %swap3A_289 = arith.index_cast %swap3A_288 : i32 to index
    %swap3A_290 = arith.constant 0 : index
    %swap3A_291 = tpu.vector_load %arg16[%swap3A_289, %swap3A_290] {strides = array<i32>} : memref<16x64xf32, #tpu.memory_space<vmem>>, vector<16xf32>,
    tpu.vector_store %arg16[%swap3A_289, %swap3A_290], %broadcast_in_dim3A_287 {strides = array<i32>} : memref<16x64xf32, #tpu.memory_space<vmem>>, vector<16xf32>,
    %broadcast_in_dim3A_292 = arith.constant 0.000000e+00 : f32
    %broadcast_in_dim3A_293 = vector.broadcast %broadcast_in_dim3A_292 : f32 to vector<16xf32>
    %swap3A_294 = arith.constant 11 : i32
    %swap3A_295 = arith.index_cast %swap3A_294 : i32 to index
    %swap3A_296 = arith.constant 16 : index
    %swap3A_297 = tpu.vector_load %arg16[%swap3A_295, %swap3A_296] {strides = array<i32>} : memref<16x64xf32, #tpu.memory_space<vmem>>, vector<16xf32>,
    tpu.vector_store %arg16[%swap3A_295, %swap3A_296], %broadcast_in_dim3A_293 {strides = array<i32>} : memref<16x64xf32, #tpu.memory_space<vmem>>, vector<16xf32>,
    %broadcast_in_dim3A_298 = arith.constant 0.000000e+00 : f32
    %broadcast_in_dim3A_299 = vector.broadcast %broadcast_in_dim3A_298 : f32 to vector<16xf32>
    %swap3A_300 = arith.constant 11 : i32
    %swap3A_301 = arith.index_cast %swap3A_300 : i32 to index
    %swap3A_302 = arith.constant 32 : index
    %swap3A_303 = tpu.vector_load %arg16[%swap3A_301, %swap3A_302] {strides = array<i32>} : memref<16x64xf32, #tpu.memory_space<vmem>>, vector<16xf32>,
    tpu.vector_store %arg16[%swap3A_301, %swap3A_302], %broadcast_in_dim3A_299 {strides = array<i32>} : memref<16x64xf32, #tpu.memory_space<vmem>>, vector<16xf32>,
    %broadcast_in_dim3A_304 = arith.constant 0.000000e+00 : f32
    %broadcast_in_dim3A_305 = vector.broadcast %broadcast_in_dim3A_304 : f32 to vector<16xf32>
    %swap3A_306 = arith.constant 11 : i32
    %swap3A_307 = arith.index_cast %swap3A_306 : i32 to index
    %swap3A_308 = arith.constant 48 : index
    %swap3A_309 = tpu.vector_load %arg16[%swap3A_307, %swap3A_308] {strides = array<i32>} : memref<16x64xf32, #tpu.memory_space<vmem>>, vector<16xf32>,
    tpu.vector_store %arg16[%swap3A_307, %swap3A_308], %broadcast_in_dim3A_305 {strides = array<i32>} : memref<16x64xf32, #tpu.memory_space<vmem>>, vector<16xf32>,
    %broadcast_in_dim3A_310 = arith.constant 0.000000e+00 : f32
    %broadcast_in_dim3A_311 = vector.broadcast %broadcast_in_dim3A_310 : f32 to vector<16xf32>
    %swap3A_312 = arith.constant 12 : i32
    %swap3A_313 = arith.index_cast %swap3A_312 : i32 to index
    %swap3A_314 = arith.constant 0 : index
    %swap3A_315 = tpu.vector_load %arg16[%swap3A_313, %swap3A_314] {strides = array<i32>} : memref<16x64xf32, #tpu.memory_space<vmem>>, vector<16xf32>,
    tpu.vector_store %arg16[%swap3A_313, %swap3A_314], %broadcast_in_dim3A_311 {strides = array<i32>} : memref<16x64xf32, #tpu.memory_space<vmem>>, vector<16xf32>,
    %broadcast_in_dim3A_316 = arith.constant 0.000000e+00 : f32
    %broadcast_in_dim3A_317 = vector.broadcast %broadcast_in_dim3A_316 : f32 to vector<16xf32>
    %swap3A_318 = arith.constant 12 : i32
    %swap3A_319 = arith.index_cast %swap3A_318 : i32 to index
    %swap3A_320 = arith.constant 16 : index
    %swap3A_321 = tpu.vector_load %arg16[%swap3A_319, %swap3A_320] {strides = array<i32>} : memref<16x64xf32, #tpu.memory_space<vmem>>, vector<16xf32>,
    tpu.vector_store %arg16[%swap3A_319, %swap3A_320], %broadcast_in_dim3A_317 {strides = array<i32>} : memref<16x64xf32, #tpu.memory_space<vmem>>, vector<16xf32>,
    %broadcast_in_dim3A_322 = arith.constant 0.000000e+00 : f32
    %broadcast_in_dim3A_323 = vector.broadcast %broadcast_in_dim3A_322 : f32 to vector<16xf32>
    %swap3A_324 = arith.constant 12 : i32
    %swap3A_325 = arith.index_cast %swap3A_324 : i32 to index
    %swap3A_326 = arith.constant 32 : index
    %swap3A_327 = tpu.vector_load %arg16[%swap3A_325, %swap3A_326] {strides = array<i32>} : memref<16x64xf32, #tpu.memory_space<vmem>>, vector<16xf32>,
    tpu.vector_store %arg16[%swap3A_325, %swap3A_326], %broadcast_in_dim3A_323 {strides = array<i32>} : memref<16x64xf32, #tpu.memory_space<vmem>>, vector<16xf32>,
    %broadcast_in_dim3A_328 = arith.constant 0.000000e+00 : f32
    %broadcast_in_dim3A_329 = vector.broadcast %broadcast_in_dim3A_328 : f32 to vector<16xf32>
    %swap3A_330 = arith.constant 12 : i32
    %swap3A_331 = arith.index_cast %swap3A_330 : i32 to index
    %swap3A_332 = arith.constant 48 : index
    %swap3A_333 = tpu.vector_load %arg16[%swap3A_331, %swap3A_332] {strides = array<i32>} : memref<16x64xf32, #tpu.memory_space<vmem>>, vector<16xf32>,
    tpu.vector_store %arg16[%swap3A_331, %swap3A_332], %broadcast_in_dim3A_329 {strides = array<i32>} : memref<16x64xf32, #tpu.memory_space<vmem>>, vector<16xf32>,
    %broadcast_in_dim3A_334 = arith.constant 0.000000e+00 : f32
    %broadcast_in_dim3A_335 = vector.broadcast %broadcast_in_dim3A_334 : f32 to vector<16xf32>
    %swap3A_336 = arith.constant 13 : i32
    %swap3A_337 = arith.index_cast %swap3A_336 : i32 to index
    %swap3A_338 = arith.constant 0 : index
    %swap3A_339 = tpu.vector_load %arg16[%swap3A_337, %swap3A_338] {strides = array<i32>} : memref<16x64xf32, #tpu.memory_space<vmem>>, vector<16xf32>,
    tpu.vector_store %arg16[%swap3A_337, %swap3A_338], %broadcast_in_dim3A_335 {strides = array<i32>} : memref<16x64xf32, #tpu.memory_space<vmem>>, vector<16xf32>,
    %broadcast_in_dim3A_340 = arith.constant 0.000000e+00 : f32
    %broadcast_in_dim3A_341 = vector.broadcast %broadcast_in_dim3A_340 : f32 to vector<16xf32>
    %swap3A_342 = arith.constant 13 : i32
    %swap3A_343 = arith.index_cast %swap3A_342 : i32 to index
    %swap3A_344 = arith.constant 16 : index
    %swap3A_345 = tpu.vector_load %arg16[%swap3A_343, %swap3A_344] {strides = array<i32>} : memref<16x64xf32, #tpu.memory_space<vmem>>, vector<16xf32>,
    tpu.vector_store %arg16[%swap3A_343, %swap3A_344], %broadcast_in_dim3A_341 {strides = array<i32>} : memref<16x64xf32, #tpu.memory_space<vmem>>, vector<16xf32>,
    %broadcast_in_dim3A_346 = arith.constant 0.000000e+00 : f32
    %broadcast_in_dim3A_347 = vector.broadcast %broadcast_in_dim3A_346 : f32 to vector<16xf32>
    %swap3A_348 = arith.constant 13 : i32
    %swap3A_349 = arith.index_cast %swap3A_348 : i32 to index
    %swap3A_350 = arith.constant 32 : index
    %swap3A_351 = tpu.vector_load %arg16[%swap3A_349, %swap3A_350] {strides = array<i32>} : memref<16x64xf32, #tpu.memory_space<vmem>>, vector<16xf32>,
    tpu.vector_store %arg16[%swap3A_349, %swap3A_350], %broadcast_in_dim3A_347 {strides = array<i32>} : memref<16x64xf32, #tpu.memory_space<vmem>>, vector<16xf32>,
    %broadcast_in_dim3A_352 = arith.constant 0.000000e+00 : f32
    %broadcast_in_dim3A_353 = vector.broadcast %broadcast_in_dim3A_352 : f32 to vector<16xf32>
    %swap3A_354 = arith.constant 13 : i32
    %swap3A_355 = arith.index_cast %swap3A_354 : i32 to index
    %swap3A_356 = arith.constant 48 : index
    %swap3A_357 = tpu.vector_load %arg16[%swap3A_355, %swap3A_356] {strides = array<i32>} : memref<16x64xf32, #tpu.memory_space<vmem>>, vector<16xf32>,
    tpu.vector_store %arg16[%swap3A_355, %swap3A_356], %broadcast_in_dim3A_353 {strides = array<i32>} : memref<16x64xf32, #tpu.memory_space<vmem>>, vector<16xf32>,
    %broadcast_in_dim3A_358 = arith.constant 0.000000e+00 : f32
    %broadcast_in_dim3A_359 = vector.broadcast %broadcast_in_dim3A_358 : f32 to vector<16xf32>
    %swap3A_360 = arith.constant 14 : i32
    %swap3A_361 = arith.index_cast %swap3A_360 : i32 to index
    %swap3A_362 = arith.constant 0 : index
    %swap3A_363 = tpu.vector_load %arg16[%swap3A_361, %swap3A_362] {strides = array<i32>} : memref<16x64xf32, #tpu.memory_space<vmem>>, vector<16xf32>,
    tpu.vector_store %arg16[%swap3A_361, %swap3A_362], %broadcast_in_dim3A_359 {strides = array<i32>} : memref<16x64xf32, #tpu.memory_space<vmem>>, vector<16xf32>,
    %broadcast_in_dim3A_364 = arith.constant 0.000000e+00 : f32
    %broadcast_in_dim3A_365 = vector.broadcast %broadcast_in_dim3A_364 : f32 to vector<16xf32>
    %swap3A_366 = arith.constant 14 : i32
    %swap3A_367 = arith.index_cast %swap3A_366 : i32 to index
    %swap3A_368 = arith.constant 16 : index
    %swap3A_369 = tpu.vector_load %arg16[%swap3A_367, %swap3A_368] {strides = array<i32>} : memref<16x64xf32, #tpu.memory_space<vmem>>, vector<16xf32>,
    tpu.vector_store %arg16[%swap3A_367, %swap3A_368], %broadcast_in_dim3A_365 {strides = array<i32>} : memref<16x64xf32, #tpu.memory_space<vmem>>, vector<16xf32>,
    %broadcast_in_dim3A_370 = arith.constant 0.000000e+00 : f32
    %broadcast_in_dim3A_371 = vector.broadcast %broadcast_in_dim3A_370 : f32 to vector<16xf32>
    %swap3A_372 = arith.constant 14 : i32
    %swap3A_373 = arith.index_cast %swap3A_372 : i32 to index
    %swap3A_374 = arith.constant 32 : index
    %swap3A_375 = tpu.vector_load %arg16[%swap3A_373, %swap3A_374] {strides = array<i32>} : memref<16x64xf32, #tpu.memory_space<vmem>>, vector<16xf32>,
    tpu.vector_store %arg16[%swap3A_373, %swap3A_374], %broadcast_in_dim3A_371 {strides = array<i32>} : memref<16x64xf32, #tpu.memory_space<vmem>>, vector<16xf32>,
    %broadcast_in_dim3A_376 = arith.constant 0.000000e+00 : f32
    %broadcast_in_dim3A_377 = vector.broadcast %broadcast_in_dim3A_376 : f32 to vector<16xf32>
    %swap3A_378 = arith.constant 14 : i32
    %swap3A_379 = arith.index_cast %swap3A_378 : i32 to index
    %swap3A_380 = arith.constant 48 : index
    %swap3A_381 = tpu.vector_load %arg16[%swap3A_379, %swap3A_380] {strides = array<i32>} : memref<16x64xf32, #tpu.memory_space<vmem>>, vector<16xf32>,
    tpu.vector_store %arg16[%swap3A_379, %swap3A_380], %broadcast_in_dim3A_377 {strides = array<i32>} : memref<16x64xf32, #tpu.memory_space<vmem>>, vector<16xf32>,
    %broadcast_in_dim3A_382 = arith.constant 0.000000e+00 : f32
    %broadcast_in_dim3A_383 = vector.broadcast %broadcast_in_dim3A_382 : f32 to vector<16xf32>
    %swap3A_384 = arith.constant 15 : i32
    %swap3A_385 = arith.index_cast %swap3A_384 : i32 to index
    %swap3A_386 = arith.constant 0 : index
    %swap3A_387 = tpu.vector_load %arg16[%swap3A_385, %swap3A_386] {strides = array<i32>} : memref<16x64xf32, #tpu.memory_space<vmem>>, vector<16xf32>,
    tpu.vector_store %arg16[%swap3A_385, %swap3A_386], %broadcast_in_dim3A_383 {strides = array<i32>} : memref<16x64xf32, #tpu.memory_space<vmem>>, vector<16xf32>,
    %broadcast_in_dim3A_388 = arith.constant 0.000000e+00 : f32
    %broadcast_in_dim3A_389 = vector.broadcast %broadcast_in_dim3A_388 : f32 to vector<16xf32>
    %swap3A_390 = arith.constant 15 : i32
    %swap3A_391 = arith.index_cast %swap3A_390 : i32 to index
    %swap3A_392 = arith.constant 16 : index
    %swap3A_393 = tpu.vector_load %arg16[%swap3A_391, %swap3A_392] {strides = array<i32>} : memref<16x64xf32, #tpu.memory_space<vmem>>, vector<16xf32>,
    tpu.vector_store %arg16[%swap3A_391, %swap3A_392], %broadcast_in_dim3A_389 {strides = array<i32>} : memref<16x64xf32, #tpu.memory_space<vmem>>, vector<16xf32>,
    %broadcast_in_dim3A_394 = arith.constant 0.000000e+00 : f32
    %broadcast_in_dim3A_395 = vector.broadcast %broadcast_in_dim3A_394 : f32 to vector<16xf32>
    %swap3A_396 = arith.constant 15 : i32
    %swap3A_397 = arith.index_cast %swap3A_396 : i32 to index
    %swap3A_398 = arith.constant 32 : index
    %swap3A_399 = tpu.vector_load %arg16[%swap3A_397, %swap3A_398] {strides = array<i32>} : memref<16x64xf32, #tpu.memory_space<vmem>>, vector<16xf32>,
    tpu.vector_store %arg16[%swap3A_397, %swap3A_398], %broadcast_in_dim3A_395 {strides = array<i32>} : memref<16x64xf32, #tpu.memory_space<vmem>>, vector<16xf32>,
    %broadcast_in_dim3A_400 = arith.constant 0.000000e+00 : f32
    %broadcast_in_dim3A_401 = vector.broadcast %broadcast_in_dim3A_400 : f32 to vector<16xf32>
    %swap3A_402 = arith.constant 15 : i32
    %swap3A_403 = arith.index_cast %swap3A_402 : i32 to index
    %swap3A_404 = arith.constant 48 : index
    %swap3A_405 = tpu.vector_load %arg16[%swap3A_403, %swap3A_404] {strides = array<i32>} : memref<16x64xf32, #tpu.memory_space<vmem>>, vector<16xf32>,
    tpu.vector_store %arg16[%swap3A_403, %swap3A_404], %broadcast_in_dim3A_401 {strides = array<i32>} : memref<16x64xf32, #tpu.memory_space<vmem>>, vector<16xf32>,
    %mul3A_406 = arith.constant 256 : i32
    %mul3A_407 = arith.muli %arg1, %mul3A_406 : i32
    %add3A_408 = arith.constant 0 : i32
    %add3A_409 = arith.addi %mul3A_407, %add3A_408 : i32
    %dma_start3A_410 = arith.constant 0 : i32
    %dma_start3A_411 = tpu.memref_slice %arg17[%add3A_409, %dma_start3A_410] : memref<4096x64xf32, #tpu.memory_space<vmem_shared>> -> memref<16x64xf32, #tpu.memory_space<vmem_shared>>
    %dma_start3A_412 = arith.constant 0 : i32
    %dma_start3A_413 = tpu.memref_slice %arg17[%add3A_409, %dma_start3A_412] : memref<4096x64xf32, #tpu.memory_space<vmem_shared>> -> memref<16x64xf32, #tpu.memory_space<vmem_shared>>
    tpu.enqueue_dma source(%arg16 : memref<16x64xf32, #tpu.memory_space<vmem>>) target(%dma_start3A_413 : memref<16x64xf32, #tpu.memory_space<vmem_shared>>) target_semaphore(%arg22 : memref<!tpu.dma_semaphore, #tpu.memory_space<semaphore_mem>>)
    %mul3A_414 = arith.constant 256 : i32
    %mul3A_415 = arith.muli %arg1, %mul3A_414 : i32
    %add3A_416 = arith.constant 16 : i32
    %add3A_417 = arith.addi %mul3A_415, %add3A_416 : i32
    %dma_start3A_418 = arith.constant 0 : i32
    %dma_start3A_419 = tpu.memref_slice %arg17[%add3A_417, %dma_start3A_418] : memref<4096x64xf32, #tpu.memory_space<vmem_shared>> -> memref<16x64xf32, #tpu.memory_space<vmem_shared>>
    %dma_start3A_420 = arith.constant 0 : i32
    %dma_start3A_421 = tpu.memref_slice %arg17[%add3A_417, %dma_start3A_420] : memref<4096x64xf32, #tpu.memory_space<vmem_shared>> -> memref<16x64xf32, #tpu.memory_space<vmem_shared>>
    tpu.enqueue_dma source(%arg16 : memref<16x64xf32, #tpu.memory_space<vmem>>) target(%dma_start3A_421 : memref<16x64xf32, #tpu.memory_space<vmem_shared>>) target_semaphore(%arg22 : memref<!tpu.dma_semaphore, #tpu.memory_space<semaphore_mem>>)
    %mul3A_422 = arith.constant 256 : i32
    %mul3A_423 = arith.muli %arg1, %mul3A_422 : i32
    %add3A_424 = arith.constant 32 : i32
    %add3A_425 = arith.addi %mul3A_423, %add3A_424 : i32
    %dma_start3A_426 = arith.constant 0 : i32
    %dma_start3A_427 = tpu.memref_slice %arg17[%add3A_425, %dma_start3A_426] : memref<4096x64xf32, #tpu.memory_space<vmem_shared>> -> memref<16x64xf32, #tpu.memory_space<vmem_shared>>
    %dma_start3A_428 = arith.constant 0 : i32
    %dma_start3A_429 = tpu.memref_slice %arg17[%add3A_425, %dma_start3A_428] : memref<4096x64xf32, #tpu.memory_space<vmem_shared>> -> memref<16x64xf32, #tpu.memory_space<vmem_shared>>
    tpu.enqueue_dma source(%arg16 : memref<16x64xf32, #tpu.memory_space<vmem>>) target(%dma_start3A_429 : memref<16x64xf32, #tpu.memory_space<vmem_shared>>) target_semaphore(%arg22 : memref<!tpu.dma_semaphore, #tpu.memory_space<semaphore_mem>>)
    %mul3A_430 = arith.constant 256 : i32
    %mul3A_431 = arith.muli %arg1, %mul3A_430 : i32
    %add3A_432 = arith.constant 48 : i32
    %add3A_433 = arith.addi %mul3A_431, %add3A_432 : i32
    %dma_start3A_434 = arith.constant 0 : i32
    %dma_start3A_435 = tpu.memref_slice %arg17[%add3A_433, %dma_start3A_434] : memref<4096x64xf32, #tpu.memory_space<vmem_shared>> -> memref<16x64xf32, #tpu.memory_space<vmem_shared>>
    %dma_start3A_436 = arith.constant 0 : i32
    %dma_start3A_437 = tpu.memref_slice %arg17[%add3A_433, %dma_start3A_436] : memref<4096x64xf32, #tpu.memory_space<vmem_shared>> -> memref<16x64xf32, #tpu.memory_space<vmem_shared>>
    tpu.enqueue_dma source(%arg16 : memref<16x64xf32, #tpu.memory_space<vmem>>) target(%dma_start3A_437 : memref<16x64xf32, #tpu.memory_space<vmem_shared>>) target_semaphore(%arg22 : memref<!tpu.dma_semaphore, #tpu.memory_space<semaphore_mem>>)
    %mul3A_438 = arith.constant 256 : i32
    %mul3A_439 = arith.muli %arg1, %mul3A_438 : i32
    %add3A_440 = arith.constant 64 : i32
    %add3A_441 = arith.addi %mul3A_439, %add3A_440 : i32
    %dma_start3A_442 = arith.constant 0 : i32
    %dma_start3A_443 = tpu.memref_slice %arg17[%add3A_441, %dma_start3A_442] : memref<4096x64xf32, #tpu.memory_space<vmem_shared>> -> memref<16x64xf32, #tpu.memory_space<vmem_shared>>
    %dma_start3A_444 = arith.constant 0 : i32
    %dma_start3A_445 = tpu.memref_slice %arg17[%add3A_441, %dma_start3A_444] : memref<4096x64xf32, #tpu.memory_space<vmem_shared>> -> memref<16x64xf32, #tpu.memory_space<vmem_shared>>
    tpu.enqueue_dma source(%arg16 : memref<16x64xf32, #tpu.memory_space<vmem>>) target(%dma_start3A_445 : memref<16x64xf32, #tpu.memory_space<vmem_shared>>) target_semaphore(%arg22 : memref<!tpu.dma_semaphore, #tpu.memory_space<semaphore_mem>>)
    %mul3A_446 = arith.constant 256 : i32
    %mul3A_447 = arith.muli %arg1, %mul3A_446 : i32
    %add3A_448 = arith.constant 80 : i32
    %add3A_449 = arith.addi %mul3A_447, %add3A_448 : i32
    %dma_start3A_450 = arith.constant 0 : i32
    %dma_start3A_451 = tpu.memref_slice %arg17[%add3A_449, %dma_start3A_450] : memref<4096x64xf32, #tpu.memory_space<vmem_shared>> -> memref<16x64xf32, #tpu.memory_space<vmem_shared>>
    %dma_start3A_452 = arith.constant 0 : i32
    %dma_start3A_453 = tpu.memref_slice %arg17[%add3A_449, %dma_start3A_452] : memref<4096x64xf32, #tpu.memory_space<vmem_shared>> -> memref<16x64xf32, #tpu.memory_space<vmem_shared>>
    tpu.enqueue_dma source(%arg16 : memref<16x64xf32, #tpu.memory_space<vmem>>) target(%dma_start3A_453 : memref<16x64xf32, #tpu.memory_space<vmem_shared>>) target_semaphore(%arg22 : memref<!tpu.dma_semaphore, #tpu.memory_space<semaphore_mem>>)
    %mul3A_454 = arith.constant 256 : i32
    %mul3A_455 = arith.muli %arg1, %mul3A_454 : i32
    %add3A_456 = arith.constant 96 : i32
    %add3A_457 = arith.addi %mul3A_455, %add3A_456 : i32
    %dma_start3A_458 = arith.constant 0 : i32
    %dma_start3A_459 = tpu.memref_slice %arg17[%add3A_457, %dma_start3A_458] : memref<4096x64xf32, #tpu.memory_space<vmem_shared>> -> memref<16x64xf32, #tpu.memory_space<vmem_shared>>
    %dma_start3A_460 = arith.constant 0 : i32
    %dma_start3A_461 = tpu.memref_slice %arg17[%add3A_457, %dma_start3A_460] : memref<4096x64xf32, #tpu.memory_space<vmem_shared>> -> memref<16x64xf32, #tpu.memory_space<vmem_shared>>
    tpu.enqueue_dma source(%arg16 : memref<16x64xf32, #tpu.memory_space<vmem>>) target(%dma_start3A_461 : memref<16x64xf32, #tpu.memory_space<vmem_shared>>) target_semaphore(%arg22 : memref<!tpu.dma_semaphore, #tpu.memory_space<semaphore_mem>>)
    %mul3A_462 = arith.constant 256 : i32
    %mul3A_463 = arith.muli %arg1, %mul3A_462 : i32
    %add3A_464 = arith.constant 112 : i32
    %add3A_465 = arith.addi %mul3A_463, %add3A_464 : i32
    %dma_start3A_466 = arith.constant 0 : i32
    %dma_start3A_467 = tpu.memref_slice %arg17[%add3A_465, %dma_start3A_466] : memref<4096x64xf32, #tpu.memory_space<vmem_shared>> -> memref<16x64xf32, #tpu.memory_space<vmem_shared>>
    %dma_start3A_468 = arith.constant 0 : i32
    %dma_start3A_469 = tpu.memref_slice %arg17[%add3A_465, %dma_start3A_468] : memref<4096x64xf32, #tpu.memory_space<vmem_shared>> -> memref<16x64xf32, #tpu.memory_space<vmem_shared>>
    tpu.enqueue_dma source(%arg16 : memref<16x64xf32, #tpu.memory_space<vmem>>) target(%dma_start3A_469 : memref<16x64xf32, #tpu.memory_space<vmem_shared>>) target_semaphore(%arg22 : memref<!tpu.dma_semaphore, #tpu.memory_space<semaphore_mem>>)
    %mul3A_470 = arith.constant 256 : i32
    %mul3A_471 = arith.muli %arg1, %mul3A_470 : i32
    %add3A_472 = arith.constant 128 : i32
    %add3A_473 = arith.addi %mul3A_471, %add3A_472 : i32
    %dma_start3A_474 = arith.constant 0 : i32
    %dma_start3A_475 = tpu.memref_slice %arg17[%add3A_473, %dma_start3A_474] : memref<4096x64xf32, #tpu.memory_space<vmem_shared>> -> memref<16x64xf32, #tpu.memory_space<vmem_shared>>
    %dma_start3A_476 = arith.constant 0 : i32
    %dma_start3A_477 = tpu.memref_slice %arg17[%add3A_473, %dma_start3A_476] : memref<4096x64xf32, #tpu.memory_space<vmem_shared>> -> memref<16x64xf32, #tpu.memory_space<vmem_shared>>
    tpu.enqueue_dma source(%arg16 : memref<16x64xf32, #tpu.memory_space<vmem>>) target(%dma_start3A_477 : memref<16x64xf32, #tpu.memory_space<vmem_shared>>) target_semaphore(%arg22 : memref<!tpu.dma_semaphore, #tpu.memory_space<semaphore_mem>>)
    %mul3A_478 = arith.constant 256 : i32
    %mul3A_479 = arith.muli %arg1, %mul3A_478 : i32
    %add3A_480 = arith.constant 144 : i32
    %add3A_481 = arith.addi %mul3A_479, %add3A_480 : i32
    %dma_start3A_482 = arith.constant 0 : i32
    %dma_start3A_483 = tpu.memref_slice %arg17[%add3A_481, %dma_start3A_482] : memref<4096x64xf32, #tpu.memory_space<vmem_shared>> -> memref<16x64xf32, #tpu.memory_space<vmem_shared>>
    %dma_start3A_484 = arith.constant 0 : i32
    %dma_start3A_485 = tpu.memref_slice %arg17[%add3A_481, %dma_start3A_484] : memref<4096x64xf32, #tpu.memory_space<vmem_shared>> -> memref<16x64xf32, #tpu.memory_space<vmem_shared>>
    tpu.enqueue_dma source(%arg16 : memref<16x64xf32, #tpu.memory_space<vmem>>) target(%dma_start3A_485 : memref<16x64xf32, #tpu.memory_space<vmem_shared>>) target_semaphore(%arg22 : memref<!tpu.dma_semaphore, #tpu.memory_space<semaphore_mem>>)
    %mul3A_486 = arith.constant 256 : i32
    %mul3A_487 = arith.muli %arg1, %mul3A_486 : i32
    %add3A_488 = arith.constant 160 : i32
    %add3A_489 = arith.addi %mul3A_487, %add3A_488 : i32
    %dma_start3A_490 = arith.constant 0 : i32
    %dma_start3A_491 = tpu.memref_slice %arg17[%add3A_489, %dma_start3A_490] : memref<4096x64xf32, #tpu.memory_space<vmem_shared>> -> memref<16x64xf32, #tpu.memory_space<vmem_shared>>
    %dma_start3A_492 = arith.constant 0 : i32
    %dma_start3A_493 = tpu.memref_slice %arg17[%add3A_489, %dma_start3A_492] : memref<4096x64xf32, #tpu.memory_space<vmem_shared>> -> memref<16x64xf32, #tpu.memory_space<vmem_shared>>
    tpu.enqueue_dma source(%arg16 : memref<16x64xf32, #tpu.memory_space<vmem>>) target(%dma_start3A_493 : memref<16x64xf32, #tpu.memory_space<vmem_shared>>) target_semaphore(%arg22 : memref<!tpu.dma_semaphore, #tpu.memory_space<semaphore_mem>>)
    %mul3A_494 = arith.constant 256 : i32
    %mul3A_495 = arith.muli %arg1, %mul3A_494 : i32
    %add3A_496 = arith.constant 176 : i32
    %add3A_497 = arith.addi %mul3A_495, %add3A_496 : i32
    %dma_start3A_498 = arith.constant 0 : i32
    %dma_start3A_499 = tpu.memref_slice %arg17[%add3A_497, %dma_start3A_498] : memref<4096x64xf32, #tpu.memory_space<vmem_shared>> -> memref<16x64xf32, #tpu.memory_space<vmem_shared>>
    %dma_start3A_500 = arith.constant 0 : i32
    %dma_start3A_501 = tpu.memref_slice %arg17[%add3A_497, %dma_start3A_500] : memref<4096x64xf32, #tpu.memory_space<vmem_shared>> -> memref<16x64xf32, #tpu.memory_space<vmem_shared>>
    tpu.enqueue_dma source(%arg16 : memref<16x64xf32, #tpu.memory_space<vmem>>) target(%dma_start3A_501 : memref<16x64xf32, #tpu.memory_space<vmem_shared>>) target_semaphore(%arg22 : memref<!tpu.dma_semaphore, #tpu.memory_space<semaphore_mem>>)
    %mul3A_502 = arith.constant 256 : i32
    %mul3A_503 = arith.muli %arg1, %mul3A_502 : i32
    %add3A_504 = arith.constant 192 : i32
    %add3A_505 = arith.addi %mul3A_503, %add3A_504 : i32
    %dma_start3A_506 = arith.constant 0 : i32
    %dma_start3A_507 = tpu.memref_slice %arg17[%add3A_505, %dma_start3A_506] : memref<4096x64xf32, #tpu.memory_space<vmem_shared>> -> memref<16x64xf32, #tpu.memory_space<vmem_shared>>
    %dma_start3A_508 = arith.constant 0 : i32
    %dma_start3A_509 = tpu.memref_slice %arg17[%add3A_505, %dma_start3A_508] : memref<4096x64xf32, #tpu.memory_space<vmem_shared>> -> memref<16x64xf32, #tpu.memory_space<vmem_shared>>
    tpu.enqueue_dma source(%arg16 : memref<16x64xf32, #tpu.memory_space<vmem>>) target(%dma_start3A_509 : memref<16x64xf32, #tpu.memory_space<vmem_shared>>) target_semaphore(%arg22 : memref<!tpu.dma_semaphore, #tpu.memory_space<semaphore_mem>>)
    %mul3A_510 = arith.constant 256 : i32
    %mul3A_511 = arith.muli %arg1, %mul3A_510 : i32
    %add3A_512 = arith.constant 208 : i32
    %add3A_513 = arith.addi %mul3A_511, %add3A_512 : i32
    %dma_start3A_514 = arith.constant 0 : i32
    %dma_start3A_515 = tpu.memref_slice %arg17[%add3A_513, %dma_start3A_514] : memref<4096x64xf32, #tpu.memory_space<vmem_shared>> -> memref<16x64xf32, #tpu.memory_space<vmem_shared>>
    %dma_start3A_516 = arith.constant 0 : i32
    %dma_start3A_517 = tpu.memref_slice %arg17[%add3A_513, %dma_start3A_516] : memref<4096x64xf32, #tpu.memory_space<vmem_shared>> -> memref<16x64xf32, #tpu.memory_space<vmem_shared>>
    tpu.enqueue_dma source(%arg16 : memref<16x64xf32, #tpu.memory_space<vmem>>) target(%dma_start3A_517 : memref<16x64xf32, #tpu.memory_space<vmem_shared>>) target_semaphore(%arg22 : memref<!tpu.dma_semaphore, #tpu.memory_space<semaphore_mem>>)
    %mul3A_518 = arith.constant 256 : i32
    %mul3A_519 = arith.muli %arg1, %mul3A_518 : i32
    %add3A_520 = arith.constant 224 : i32
    %add3A_521 = arith.addi %mul3A_519, %add3A_520 : i32
    %dma_start3A_522 = arith.constant 0 : i32
    %dma_start3A_523 = tpu.memref_slice %arg17[%add3A_521, %dma_start3A_522] : memref<4096x64xf32, #tpu.memory_space<vmem_shared>> -> memref<16x64xf32, #tpu.memory_space<vmem_shared>>
    %dma_start3A_524 = arith.constant 0 : i32
    %dma_start3A_525 = tpu.memref_slice %arg17[%add3A_521, %dma_start3A_524] : memref<4096x64xf32, #tpu.memory_space<vmem_shared>> -> memref<16x64xf32, #tpu.memory_space<vmem_shared>>
    tpu.enqueue_dma source(%arg16 : memref<16x64xf32, #tpu.memory_space<vmem>>) target(%dma_start3A_525 : memref<16x64xf32, #tpu.memory_space<vmem_shared>>) target_semaphore(%arg22 : memref<!tpu.dma_semaphore, #tpu.memory_space<semaphore_mem>>)
    %mul3A_526 = arith.constant 256 : i32
    %mul3A_527 = arith.muli %arg1, %mul3A_526 : i32
    %add3A_528 = arith.constant 240 : i32
    %add3A_529 = arith.addi %mul3A_527, %add3A_528 : i32
    %dma_start3A_530 = arith.constant 0 : i32
    %dma_start3A_531 = tpu.memref_slice %arg17[%add3A_529, %dma_start3A_530] : memref<4096x64xf32, #tpu.memory_space<vmem_shared>> -> memref<16x64xf32, #tpu.memory_space<vmem_shared>>
    %dma_start3A_532 = arith.constant 0 : i32
    %dma_start3A_533 = tpu.memref_slice %arg17[%add3A_529, %dma_start3A_532] : memref<4096x64xf32, #tpu.memory_space<vmem_shared>> -> memref<16x64xf32, #tpu.memory_space<vmem_shared>>
    tpu.enqueue_dma source(%arg16 : memref<16x64xf32, #tpu.memory_space<vmem>>) target(%dma_start3A_533 : memref<16x64xf32, #tpu.memory_space<vmem_shared>>) target_semaphore(%arg22 : memref<!tpu.dma_semaphore, #tpu.memory_space<semaphore_mem>>)
    %mul3A_534 = arith.constant 256 : i32
    %mul3A_535 = arith.muli %arg1, %mul3A_534 : i32
    %mul3A_536 = arith.constant 256 : i32
    %mul3A_537 = arith.muli %arg1, %mul3A_536 : i32
    "tpu.region"() ({
      %run_scoped3A = tpu.sem_alloc : memref<!tpu.dma_semaphore, #tpu.memory_space<semaphore_mem>>
      %dma_start3A_742 = arith.constant 0 : i32
      %dma_start3A_743 = tpu.memref_slice %arg18[%mul3A_537, %dma_start3A_742] : memref<4096x64xf32, #tpu.memory_space<vmem_shared>> -> memref<256x64xf32, #tpu.memory_space<vmem_shared>>
      %dma_start3A_744 = arith.constant 0 : i32
      %dma_start3A_745 = tpu.memref_slice %arg5[%mul3A_535, %dma_start3A_744] : memref<4096x64xf32, #tpu.memory_space<hbm>> -> memref<256x64xf32, #tpu.memory_space<hbm>>
      tpu.enqueue_dma source(%dma_start3A_745 : memref<256x64xf32, #tpu.memory_space<hbm>>) target(%dma_start3A_743 : memref<256x64xf32, #tpu.memory_space<vmem_shared>>) target_semaphore(%run_scoped3A : memref<!tpu.dma_semaphore, #tpu.memory_space<semaphore_mem>>)
      %dma_wait3A_746 = arith.constant 0 : i32
      %dma_wait3A_747 = tpu.memref_slice %arg18[%mul3A_537, %dma_wait3A_746] : memref<4096x64xf32, #tpu.memory_space<vmem_shared>> -> memref<256x64xf32, #tpu.memory_space<vmem_shared>>
      %dma_wait3A_748 = arith.constant 0 : i32
      %dma_wait3A_749 = tpu.memref_slice %arg5[%mul3A_535, %dma_wait3A_748] : memref<4096x64xf32, #tpu.memory_space<hbm>> -> memref<256x64xf32, #tpu.memory_space<hbm>>
      tpu.wait_dma2 semaphore(%run_scoped3A : memref<!tpu.dma_semaphore, #tpu.memory_space<semaphore_mem>>) src(%dma_wait3A_749 : memref<256x64xf32, #tpu.memory_space<hbm>>) dst(%dma_wait3A_747 : memref<256x64xf32, #tpu.memory_space<vmem_shared>>)
      tpu.yield
    }) : () -> ()
    %dma_wait3A = arith.constant 0 : i32
    %dma_wait3A_538 = arith.constant 0 : i32
    %dma_wait3A_539 = tpu.memref_slice %arg2[%add3A, %dma_wait3A, %dma_wait3A_538] : memref<32x42x128xi32, #tpu.memory_space<hbm>> -> memref<1x42x128xi32, #tpu.memory_space<hbm>>
    %dma_wait3A_540 = tpu.memref_squeeze %dma_wait3A_539 : memref<1x42x128xi32, #tpu.memory_space<hbm>> -> memref<42x128xi32, #tpu.memory_space<hbm>>
    %dma_wait3A_541 = arith.constant 0 : i32
    %dma_wait3A_542 = arith.constant 0 : i32
    %dma_wait3A_543 = tpu.memref_slice %arg2[%add3A, %dma_wait3A_541, %dma_wait3A_542] : memref<32x42x128xi32, #tpu.memory_space<hbm>> -> memref<1x42x128xi32, #tpu.memory_space<hbm>>
    %dma_wait3A_544 = tpu.memref_squeeze %dma_wait3A_543 : memref<1x42x128xi32, #tpu.memory_space<hbm>> -> memref<42x128xi32, #tpu.memory_space<hbm>>
    tpu.wait_dma2 semaphore(%arg19 : memref<!tpu.dma_semaphore, #tpu.memory_space<semaphore_mem>>) src(%dma_wait3A_544 : memref<42x128xi32, #tpu.memory_space<hbm>>) dst(%arg7 : memref<42x128xi32, #tpu.memory_space<vmem>>)
    %dma_wait3A_545 = arith.constant 0 : i32
    %dma_wait3A_546 = arith.constant 0 : i32
    %dma_wait3A_547 = tpu.memref_slice %arg3[%add3A, %dma_wait3A_545, %dma_wait3A_546] : memref<32x42x128xi32, #tpu.memory_space<hbm>> -> memref<1x42x128xi32, #tpu.memory_space<hbm>>
    %dma_wait3A_548 = tpu.memref_squeeze %dma_wait3A_547 : memref<1x42x128xi32, #tpu.memory_space<hbm>> -> memref<42x128xi32, #tpu.memory_space<hbm>>
    %dma_wait3A_549 = arith.constant 0 : i32
    %dma_wait3A_550 = arith.constant 0 : i32
    %dma_wait3A_551 = tpu.memref_slice %arg3[%add3A, %dma_wait3A_549, %dma_wait3A_550] : memref<32x42x128xi32, #tpu.memory_space<hbm>> -> memref<1x42x128xi32, #tpu.memory_space<hbm>>
    %dma_wait3A_552 = tpu.memref_squeeze %dma_wait3A_551 : memref<1x42x128xi32, #tpu.memory_space<hbm>> -> memref<42x128xi32, #tpu.memory_space<hbm>>
    tpu.wait_dma2 semaphore(%arg20 : memref<!tpu.dma_semaphore, #tpu.memory_space<semaphore_mem>>) src(%dma_wait3A_552 : memref<42x128xi32, #tpu.memory_space<hbm>>) dst(%arg8 : memref<42x128xi32, #tpu.memory_space<vmem>>)
    %dma_wait3A_553 = arith.constant 0 : i32
    %dma_wait3A_554 = arith.constant 0 : i32
    %dma_wait3A_555 = tpu.memref_slice %arg4[%add3A, %dma_wait3A_553, %dma_wait3A_554] : memref<32x42x128xf32, #tpu.memory_space<hbm>> -> memref<1x42x128xf32, #tpu.memory_space<hbm>>
    %dma_wait3A_556 = tpu.memref_squeeze %dma_wait3A_555 : memref<1x42x128xf32, #tpu.memory_space<hbm>> -> memref<42x128xf32, #tpu.memory_space<hbm>>
    %dma_wait3A_557 = arith.constant 0 : i32
    %dma_wait3A_558 = arith.constant 0 : i32
    %dma_wait3A_559 = tpu.memref_slice %arg4[%add3A, %dma_wait3A_557, %dma_wait3A_558] : memref<32x42x128xf32, #tpu.memory_space<hbm>> -> memref<1x42x128xf32, #tpu.memory_space<hbm>>
    %dma_wait3A_560 = tpu.memref_squeeze %dma_wait3A_559 : memref<1x42x128xf32, #tpu.memory_space<hbm>> -> memref<42x128xf32, #tpu.memory_space<hbm>>
    tpu.wait_dma2 semaphore(%arg21 : memref<!tpu.dma_semaphore, #tpu.memory_space<semaphore_mem>>) src(%dma_wait3A_560 : memref<42x128xf32, #tpu.memory_space<hbm>>) dst(%arg9 : memref<42x128xf32, #tpu.memory_space<vmem>>)
    %mul3A_561 = arith.constant 256 : i32
    %mul3A_562 = arith.muli %arg1, %mul3A_561 : i32
    %add3A_563 = arith.constant 0 : i32
    %add3A_564 = arith.addi %mul3A_562, %add3A_563 : i32
    %dma_wait3A_565 = arith.constant 0 : i32
    %dma_wait3A_566 = tpu.memref_slice %arg17[%add3A_564, %dma_wait3A_565] : memref<4096x64xf32, #tpu.memory_space<vmem_shared>> -> memref<16x64xf32, #tpu.memory_space<vmem_shared>>
    %dma_wait3A_567 = arith.constant 0 : i32
    %dma_wait3A_568 = tpu.memref_slice %arg17[%add3A_564, %dma_wait3A_567] : memref<4096x64xf32, #tpu.memory_space<vmem_shared>> -> memref<16x64xf32, #tpu.memory_space<vmem_shared>>
    tpu.wait_dma2 semaphore(%arg22 : memref<!tpu.dma_semaphore, #tpu.memory_space<semaphore_mem>>) src(%arg16 : memref<16x64xf32, #tpu.memory_space<vmem>>) dst(%dma_wait3A_568 : memref<16x64xf32, #tpu.memory_space<vmem_shared>>)
    %mul3A_569 = arith.constant 256 : i32
    %mul3A_570 = arith.muli %arg1, %mul3A_569 : i32
    %add3A_571 = arith.constant 16 : i32
    %add3A_572 = arith.addi %mul3A_570, %add3A_571 : i32
    %dma_wait3A_573 = arith.constant 0 : i32
    %dma_wait3A_574 = tpu.memref_slice %arg17[%add3A_572, %dma_wait3A_573] : memref<4096x64xf32, #tpu.memory_space<vmem_shared>> -> memref<16x64xf32, #tpu.memory_space<vmem_shared>>
    %dma_wait3A_575 = arith.constant 0 : i32
    %dma_wait3A_576 = tpu.memref_slice %arg17[%add3A_572, %dma_wait3A_575] : memref<4096x64xf32, #tpu.memory_space<vmem_shared>> -> memref<16x64xf32, #tpu.memory_space<vmem_shared>>
    tpu.wait_dma2 semaphore(%arg22 : memref<!tpu.dma_semaphore, #tpu.memory_space<semaphore_mem>>) src(%arg16 : memref<16x64xf32, #tpu.memory_space<vmem>>) dst(%dma_wait3A_576 : memref<16x64xf32, #tpu.memory_space<vmem_shared>>)
    %mul3A_577 = arith.constant 256 : i32
    %mul3A_578 = arith.muli %arg1, %mul3A_577 : i32
    %add3A_579 = arith.constant 32 : i32
    %add3A_580 = arith.addi %mul3A_578, %add3A_579 : i32
    %dma_wait3A_581 = arith.constant 0 : i32
    %dma_wait3A_582 = tpu.memref_slice %arg17[%add3A_580, %dma_wait3A_581] : memref<4096x64xf32, #tpu.memory_space<vmem_shared>> -> memref<16x64xf32, #tpu.memory_space<vmem_shared>>
    %dma_wait3A_583 = arith.constant 0 : i32
    %dma_wait3A_584 = tpu.memref_slice %arg17[%add3A_580, %dma_wait3A_583] : memref<4096x64xf32, #tpu.memory_space<vmem_shared>> -> memref<16x64xf32, #tpu.memory_space<vmem_shared>>
    tpu.wait_dma2 semaphore(%arg22 : memref<!tpu.dma_semaphore, #tpu.memory_space<semaphore_mem>>) src(%arg16 : memref<16x64xf32, #tpu.memory_space<vmem>>) dst(%dma_wait3A_584 : memref<16x64xf32, #tpu.memory_space<vmem_shared>>)
    %mul3A_585 = arith.constant 256 : i32
    %mul3A_586 = arith.muli %arg1, %mul3A_585 : i32
    %add3A_587 = arith.constant 48 : i32
    %add3A_588 = arith.addi %mul3A_586, %add3A_587 : i32
    %dma_wait3A_589 = arith.constant 0 : i32
    %dma_wait3A_590 = tpu.memref_slice %arg17[%add3A_588, %dma_wait3A_589] : memref<4096x64xf32, #tpu.memory_space<vmem_shared>> -> memref<16x64xf32, #tpu.memory_space<vmem_shared>>
    %dma_wait3A_591 = arith.constant 0 : i32
    %dma_wait3A_592 = tpu.memref_slice %arg17[%add3A_588, %dma_wait3A_591] : memref<4096x64xf32, #tpu.memory_space<vmem_shared>> -> memref<16x64xf32, #tpu.memory_space<vmem_shared>>
    tpu.wait_dma2 semaphore(%arg22 : memref<!tpu.dma_semaphore, #tpu.memory_space<semaphore_mem>>) src(%arg16 : memref<16x64xf32, #tpu.memory_space<vmem>>) dst(%dma_wait3A_592 : memref<16x64xf32, #tpu.memory_space<vmem_shared>>)
    %mul3A_593 = arith.constant 256 : i32
    %mul3A_594 = arith.muli %arg1, %mul3A_593 : i32
    %add3A_595 = arith.constant 64 : i32
    %add3A_596 = arith.addi %mul3A_594, %add3A_595 : i32
    %dma_wait3A_597 = arith.constant 0 : i32
    %dma_wait3A_598 = tpu.memref_slice %arg17[%add3A_596, %dma_wait3A_597] : memref<4096x64xf32, #tpu.memory_space<vmem_shared>> -> memref<16x64xf32, #tpu.memory_space<vmem_shared>>
    %dma_wait3A_599 = arith.constant 0 : i32
    %dma_wait3A_600 = tpu.memref_slice %arg17[%add3A_596, %dma_wait3A_599] : memref<4096x64xf32, #tpu.memory_space<vmem_shared>> -> memref<16x64xf32, #tpu.memory_space<vmem_shared>>
    tpu.wait_dma2 semaphore(%arg22 : memref<!tpu.dma_semaphore, #tpu.memory_space<semaphore_mem>>) src(%arg16 : memref<16x64xf32, #tpu.memory_space<vmem>>) dst(%dma_wait3A_600 : memref<16x64xf32, #tpu.memory_space<vmem_shared>>)
    %mul3A_601 = arith.constant 256 : i32
    %mul3A_602 = arith.muli %arg1, %mul3A_601 : i32
    %add3A_603 = arith.constant 80 : i32
    %add3A_604 = arith.addi %mul3A_602, %add3A_603 : i32
    %dma_wait3A_605 = arith.constant 0 : i32
    %dma_wait3A_606 = tpu.memref_slice %arg17[%add3A_604, %dma_wait3A_605] : memref<4096x64xf32, #tpu.memory_space<vmem_shared>> -> memref<16x64xf32, #tpu.memory_space<vmem_shared>>
    %dma_wait3A_607 = arith.constant 0 : i32
    %dma_wait3A_608 = tpu.memref_slice %arg17[%add3A_604, %dma_wait3A_607] : memref<4096x64xf32, #tpu.memory_space<vmem_shared>> -> memref<16x64xf32, #tpu.memory_space<vmem_shared>>
    tpu.wait_dma2 semaphore(%arg22 : memref<!tpu.dma_semaphore, #tpu.memory_space<semaphore_mem>>) src(%arg16 : memref<16x64xf32, #tpu.memory_space<vmem>>) dst(%dma_wait3A_608 : memref<16x64xf32, #tpu.memory_space<vmem_shared>>)
    %mul3A_609 = arith.constant 256 : i32
    %mul3A_610 = arith.muli %arg1, %mul3A_609 : i32
    %add3A_611 = arith.constant 96 : i32
    %add3A_612 = arith.addi %mul3A_610, %add3A_611 : i32
    %dma_wait3A_613 = arith.constant 0 : i32
    %dma_wait3A_614 = tpu.memref_slice %arg17[%add3A_612, %dma_wait3A_613] : memref<4096x64xf32, #tpu.memory_space<vmem_shared>> -> memref<16x64xf32, #tpu.memory_space<vmem_shared>>
    %dma_wait3A_615 = arith.constant 0 : i32
    %dma_wait3A_616 = tpu.memref_slice %arg17[%add3A_612, %dma_wait3A_615] : memref<4096x64xf32, #tpu.memory_space<vmem_shared>> -> memref<16x64xf32, #tpu.memory_space<vmem_shared>>
    tpu.wait_dma2 semaphore(%arg22 : memref<!tpu.dma_semaphore, #tpu.memory_space<semaphore_mem>>) src(%arg16 : memref<16x64xf32, #tpu.memory_space<vmem>>) dst(%dma_wait3A_616 : memref<16x64xf32, #tpu.memory_space<vmem_shared>>)
    %mul3A_617 = arith.constant 256 : i32
    %mul3A_618 = arith.muli %arg1, %mul3A_617 : i32
    %add3A_619 = arith.constant 112 : i32
    %add3A_620 = arith.addi %mul3A_618, %add3A_619 : i32
    %dma_wait3A_621 = arith.constant 0 : i32
    %dma_wait3A_622 = tpu.memref_slice %arg17[%add3A_620, %dma_wait3A_621] : memref<4096x64xf32, #tpu.memory_space<vmem_shared>> -> memref<16x64xf32, #tpu.memory_space<vmem_shared>>
    %dma_wait3A_623 = arith.constant 0 : i32
    %dma_wait3A_624 = tpu.memref_slice %arg17[%add3A_620, %dma_wait3A_623] : memref<4096x64xf32, #tpu.memory_space<vmem_shared>> -> memref<16x64xf32, #tpu.memory_space<vmem_shared>>
    tpu.wait_dma2 semaphore(%arg22 : memref<!tpu.dma_semaphore, #tpu.memory_space<semaphore_mem>>) src(%arg16 : memref<16x64xf32, #tpu.memory_space<vmem>>) dst(%dma_wait3A_624 : memref<16x64xf32, #tpu.memory_space<vmem_shared>>)
    %mul3A_625 = arith.constant 256 : i32
    %mul3A_626 = arith.muli %arg1, %mul3A_625 : i32
    %add3A_627 = arith.constant 128 : i32
    %add3A_628 = arith.addi %mul3A_626, %add3A_627 : i32
    %dma_wait3A_629 = arith.constant 0 : i32
    %dma_wait3A_630 = tpu.memref_slice %arg17[%add3A_628, %dma_wait3A_629] : memref<4096x64xf32, #tpu.memory_space<vmem_shared>> -> memref<16x64xf32, #tpu.memory_space<vmem_shared>>
    %dma_wait3A_631 = arith.constant 0 : i32
    %dma_wait3A_632 = tpu.memref_slice %arg17[%add3A_628, %dma_wait3A_631] : memref<4096x64xf32, #tpu.memory_space<vmem_shared>> -> memref<16x64xf32, #tpu.memory_space<vmem_shared>>
    tpu.wait_dma2 semaphore(%arg22 : memref<!tpu.dma_semaphore, #tpu.memory_space<semaphore_mem>>) src(%arg16 : memref<16x64xf32, #tpu.memory_space<vmem>>) dst(%dma_wait3A_632 : memref<16x64xf32, #tpu.memory_space<vmem_shared>>)
    %mul3A_633 = arith.constant 256 : i32
    %mul3A_634 = arith.muli %arg1, %mul3A_633 : i32
    %add3A_635 = arith.constant 144 : i32
    %add3A_636 = arith.addi %mul3A_634, %add3A_635 : i32
    %dma_wait3A_637 = arith.constant 0 : i32
    %dma_wait3A_638 = tpu.memref_slice %arg17[%add3A_636, %dma_wait3A_637] : memref<4096x64xf32, #tpu.memory_space<vmem_shared>> -> memref<16x64xf32, #tpu.memory_space<vmem_shared>>
    %dma_wait3A_639 = arith.constant 0 : i32
    %dma_wait3A_640 = tpu.memref_slice %arg17[%add3A_636, %dma_wait3A_639] : memref<4096x64xf32, #tpu.memory_space<vmem_shared>> -> memref<16x64xf32, #tpu.memory_space<vmem_shared>>
    tpu.wait_dma2 semaphore(%arg22 : memref<!tpu.dma_semaphore, #tpu.memory_space<semaphore_mem>>) src(%arg16 : memref<16x64xf32, #tpu.memory_space<vmem>>) dst(%dma_wait3A_640 : memref<16x64xf32, #tpu.memory_space<vmem_shared>>)
    %mul3A_641 = arith.constant 256 : i32
    %mul3A_642 = arith.muli %arg1, %mul3A_641 : i32
    %add3A_643 = arith.constant 160 : i32
    %add3A_644 = arith.addi %mul3A_642, %add3A_643 : i32
    %dma_wait3A_645 = arith.constant 0 : i32
    %dma_wait3A_646 = tpu.memref_slice %arg17[%add3A_644, %dma_wait3A_645] : memref<4096x64xf32, #tpu.memory_space<vmem_shared>> -> memref<16x64xf32, #tpu.memory_space<vmem_shared>>
    %dma_wait3A_647 = arith.constant 0 : i32
    %dma_wait3A_648 = tpu.memref_slice %arg17[%add3A_644, %dma_wait3A_647] : memref<4096x64xf32, #tpu.memory_space<vmem_shared>> -> memref<16x64xf32, #tpu.memory_space<vmem_shared>>
    tpu.wait_dma2 semaphore(%arg22 : memref<!tpu.dma_semaphore, #tpu.memory_space<semaphore_mem>>) src(%arg16 : memref<16x64xf32, #tpu.memory_space<vmem>>) dst(%dma_wait3A_648 : memref<16x64xf32, #tpu.memory_space<vmem_shared>>)
    %mul3A_649 = arith.constant 256 : i32
    %mul3A_650 = arith.muli %arg1, %mul3A_649 : i32
    %add3A_651 = arith.constant 176 : i32
    %add3A_652 = arith.addi %mul3A_650, %add3A_651 : i32
    %dma_wait3A_653 = arith.constant 0 : i32
    %dma_wait3A_654 = tpu.memref_slice %arg17[%add3A_652, %dma_wait3A_653] : memref<4096x64xf32, #tpu.memory_space<vmem_shared>> -> memref<16x64xf32, #tpu.memory_space<vmem_shared>>
    %dma_wait3A_655 = arith.constant 0 : i32
    %dma_wait3A_656 = tpu.memref_slice %arg17[%add3A_652, %dma_wait3A_655] : memref<4096x64xf32, #tpu.memory_space<vmem_shared>> -> memref<16x64xf32, #tpu.memory_space<vmem_shared>>
    tpu.wait_dma2 semaphore(%arg22 : memref<!tpu.dma_semaphore, #tpu.memory_space<semaphore_mem>>) src(%arg16 : memref<16x64xf32, #tpu.memory_space<vmem>>) dst(%dma_wait3A_656 : memref<16x64xf32, #tpu.memory_space<vmem_shared>>)
    %mul3A_657 = arith.constant 256 : i32
    %mul3A_658 = arith.muli %arg1, %mul3A_657 : i32
    %add3A_659 = arith.constant 192 : i32
    %add3A_660 = arith.addi %mul3A_658, %add3A_659 : i32
    %dma_wait3A_661 = arith.constant 0 : i32
    %dma_wait3A_662 = tpu.memref_slice %arg17[%add3A_660, %dma_wait3A_661] : memref<4096x64xf32, #tpu.memory_space<vmem_shared>> -> memref<16x64xf32, #tpu.memory_space<vmem_shared>>
    %dma_wait3A_663 = arith.constant 0 : i32
    %dma_wait3A_664 = tpu.memref_slice %arg17[%add3A_660, %dma_wait3A_663] : memref<4096x64xf32, #tpu.memory_space<vmem_shared>> -> memref<16x64xf32, #tpu.memory_space<vmem_shared>>
    tpu.wait_dma2 semaphore(%arg22 : memref<!tpu.dma_semaphore, #tpu.memory_space<semaphore_mem>>) src(%arg16 : memref<16x64xf32, #tpu.memory_space<vmem>>) dst(%dma_wait3A_664 : memref<16x64xf32, #tpu.memory_space<vmem_shared>>)
    %mul3A_665 = arith.constant 256 : i32
    %mul3A_666 = arith.muli %arg1, %mul3A_665 : i32
    %add3A_667 = arith.constant 208 : i32
    %add3A_668 = arith.addi %mul3A_666, %add3A_667 : i32
    %dma_wait3A_669 = arith.constant 0 : i32
    %dma_wait3A_670 = tpu.memref_slice %arg17[%add3A_668, %dma_wait3A_669] : memref<4096x64xf32, #tpu.memory_space<vmem_shared>> -> memref<16x64xf32, #tpu.memory_space<vmem_shared>>
    %dma_wait3A_671 = arith.constant 0 : i32
    %dma_wait3A_672 = tpu.memref_slice %arg17[%add3A_668, %dma_wait3A_671] : memref<4096x64xf32, #tpu.memory_space<vmem_shared>> -> memref<16x64xf32, #tpu.memory_space<vmem_shared>>
    tpu.wait_dma2 semaphore(%arg22 : memref<!tpu.dma_semaphore, #tpu.memory_space<semaphore_mem>>) src(%arg16 : memref<16x64xf32, #tpu.memory_space<vmem>>) dst(%dma_wait3A_672 : memref<16x64xf32, #tpu.memory_space<vmem_shared>>)
    %mul3A_673 = arith.constant 256 : i32
    %mul3A_674 = arith.muli %arg1, %mul3A_673 : i32
    %add3A_675 = arith.constant 224 : i32
    %add3A_676 = arith.addi %mul3A_674, %add3A_675 : i32
    %dma_wait3A_677 = arith.constant 0 : i32
    %dma_wait3A_678 = tpu.memref_slice %arg17[%add3A_676, %dma_wait3A_677] : memref<4096x64xf32, #tpu.memory_space<vmem_shared>> -> memref<16x64xf32, #tpu.memory_space<vmem_shared>>
    %dma_wait3A_679 = arith.constant 0 : i32
    %dma_wait3A_680 = tpu.memref_slice %arg17[%add3A_676, %dma_wait3A_679] : memref<4096x64xf32, #tpu.memory_space<vmem_shared>> -> memref<16x64xf32, #tpu.memory_space<vmem_shared>>
    tpu.wait_dma2 semaphore(%arg22 : memref<!tpu.dma_semaphore, #tpu.memory_space<semaphore_mem>>) src(%arg16 : memref<16x64xf32, #tpu.memory_space<vmem>>) dst(%dma_wait3A_680 : memref<16x64xf32, #tpu.memory_space<vmem_shared>>)
    %mul3A_681 = arith.constant 256 : i32
    %mul3A_682 = arith.muli %arg1, %mul3A_681 : i32
    %add3A_683 = arith.constant 240 : i32
    %add3A_684 = arith.addi %mul3A_682, %add3A_683 : i32
    %dma_wait3A_685 = arith.constant 0 : i32
    %dma_wait3A_686 = tpu.memref_slice %arg17[%add3A_684, %dma_wait3A_685] : memref<4096x64xf32, #tpu.memory_space<vmem_shared>> -> memref<16x64xf32, #tpu.memory_space<vmem_shared>>
    %dma_wait3A_687 = arith.constant 0 : i32
    %dma_wait3A_688 = tpu.memref_slice %arg17[%add3A_684, %dma_wait3A_687] : memref<4096x64xf32, #tpu.memory_space<vmem_shared>> -> memref<16x64xf32, #tpu.memory_space<vmem_shared>>
    tpu.wait_dma2 semaphore(%arg22 : memref<!tpu.dma_semaphore, #tpu.memory_space<semaphore_mem>>) src(%arg16 : memref<16x64xf32, #tpu.memory_space<vmem>>) dst(%dma_wait3A_688 : memref<16x64xf32, #tpu.memory_space<vmem_shared>>)
    %barrier3A = arith.constant 0 : index
    tpu.barrier barrier_id(%barrier3A)
    %dma_start3A_689 = arith.constant 0 : i32
    %dma_start3A_690 = arith.constant 0 : i32
    %dma_start3A_691 = tpu.memref_slice %arg8[%dma_start3A_689, %dma_start3A_690] : memref<42x128xi32, #tpu.memory_space<vmem>> -> memref<1x128xi32, #tpu.memory_space<vmem>>
    %dma_start3A_692 = tpu.memref_squeeze %dma_start3A_691 : memref<1x128xi32, #tpu.memory_space<vmem>> -> memref<128xi32, #tpu.memory_space<vmem>>
    %dma_start3A_693 = arith.constant 0 : i32
    %dma_start3A_694 = arith.constant 0 : i32
    %dma_start3A_695 = tpu.memref_slice %arg18[%dma_start3A_693, %dma_start3A_694] : memref<4096x64xf32, #tpu.memory_space<vmem_shared>> -> memref<4096x64xf32, #tpu.memory_space<vmem_shared>>
    tpu.enqueue_indirect_dma source(%dma_start3A_695 : memref<4096x64xf32, #tpu.memory_space<vmem_shared>>) target(%arg10 : memref<128x64xf32, #tpu.memory_space<vmem>>) offsets(%dma_start3A_692 : memref<128xi32, #tpu.memory_space<vmem>>) semaphore(%arg19 : memref<!tpu.dma_semaphore, #tpu.memory_space<semaphore_mem>>)
    %dma_start3A_696 = arith.constant 1 : i32
    %dma_start3A_697 = arith.constant 0 : i32
    %dma_start3A_698 = tpu.memref_slice %arg8[%dma_start3A_696, %dma_start3A_697] : memref<42x128xi32, #tpu.memory_space<vmem>> -> memref<1x128xi32, #tpu.memory_space<vmem>>
    %dma_start3A_699 = tpu.memref_squeeze %dma_start3A_698 : memref<1x128xi32, #tpu.memory_space<vmem>> -> memref<128xi32, #tpu.memory_space<vmem>>
    %dma_start3A_700 = arith.constant 0 : i32
    %dma_start3A_701 = arith.constant 0 : i32
    %dma_start3A_702 = tpu.memref_slice %arg18[%dma_start3A_700, %dma_start3A_701] : memref<4096x64xf32, #tpu.memory_space<vmem_shared>> -> memref<4096x64xf32, #tpu.memory_space<vmem_shared>>
    tpu.enqueue_indirect_dma source(%dma_start3A_702 : memref<4096x64xf32, #tpu.memory_space<vmem_shared>>) target(%arg11 : memref<128x64xf32, #tpu.memory_space<vmem>>) offsets(%dma_start3A_699 : memref<128xi32, #tpu.memory_space<vmem>>) semaphore(%arg20 : memref<!tpu.dma_semaphore, #tpu.memory_space<semaphore_mem>>)
    %dma_start3A_703 = arith.constant 2 : i32
    %dma_start3A_704 = arith.constant 0 : i32
    %dma_start3A_705 = tpu.memref_slice %arg8[%dma_start3A_703, %dma_start3A_704] : memref<42x128xi32, #tpu.memory_space<vmem>> -> memref<1x128xi32, #tpu.memory_space<vmem>>
    %dma_start3A_706 = tpu.memref_squeeze %dma_start3A_705 : memref<1x128xi32, #tpu.memory_space<vmem>> -> memref<128xi32, #tpu.memory_space<vmem>>
    %dma_start3A_707 = arith.constant 0 : i32
    %dma_start3A_708 = arith.constant 0 : i32
    %dma_start3A_709 = tpu.memref_slice %arg18[%dma_start3A_707, %dma_start3A_708] : memref<4096x64xf32, #tpu.memory_space<vmem_shared>> -> memref<4096x64xf32, #tpu.memory_space<vmem_shared>>
    tpu.enqueue_indirect_dma source(%dma_start3A_709 : memref<4096x64xf32, #tpu.memory_space<vmem_shared>>) target(%arg12 : memref<128x64xf32, #tpu.memory_space<vmem>>) offsets(%dma_start3A_706 : memref<128xi32, #tpu.memory_space<vmem>>) semaphore(%arg21 : memref<!tpu.dma_semaphore, #tpu.memory_space<semaphore_mem>>)
    %scan3A = arith.constant 0 : i32
    %scan3A_710 = arith.constant 0 : i32
    %scan3A_711 = arith.constant 14 : i32
    %scan3A_712 = arith.addi %scan3A_710, %scan3A_711 : i32
    %scan3A_713 = arith.constant 1 : i32
    %scan3A_714 = scf.for %scan3A_742 = %scan3A_710 to %scan3A_712 step %scan3A_713 iter_args(%scan3A_743 = %scan3A) -> (i32)  : i32 {
      %mul3A_744 = arith.constant 3 : i32
      %mul3A_745 = arith.muli %scan3A_742, %mul3A_744 : i32
      %dma_wait3A_746 = arith.constant 0 : i32
      %dma_wait3A_747 = tpu.memref_slice %arg8[%mul3A_745, %dma_wait3A_746] : memref<42x128xi32, #tpu.memory_space<vmem>> -> memref<1x128xi32, #tpu.memory_space<vmem>>
      %dma_wait3A_748 = tpu.memref_squeeze %dma_wait3A_747 : memref<1x128xi32, #tpu.memory_space<vmem>> -> memref<128xi32, #tpu.memory_space<vmem>>
      %dma_wait3A_749 = arith.constant 0 : i32
      %dma_wait3A_750 = arith.constant 0 : i32
      %dma_wait3A_751 = tpu.memref_slice %arg18[%dma_wait3A_749, %dma_wait3A_750] : memref<4096x64xf32, #tpu.memory_space<vmem_shared>> -> memref<4096x64xf32, #tpu.memory_space<vmem_shared>>
      tpu.wait_indirect_dma semaphore(%arg19 : memref<!tpu.dma_semaphore, #tpu.memory_space<semaphore_mem>>) src(%dma_wait3A_751 : memref<4096x64xf32, #tpu.memory_space<vmem_shared>>) dst(%arg10 : memref<128x64xf32, #tpu.memory_space<vmem>>)
      %ge3A = arith.constant 3 : i32
      %ge3A_752 = arith.cmpi sge, %mul3A_745, %ge3A : i32
      %convert_element_type3A = arith.extui %ge3A_752 : i1 to i32
      %cond3A = arith.constant 0 : i32
      %cond3A_753 = arith.cmpi ne, %convert_element_type3A, %cond3A : i32
      scf.if %cond3A_753 {
        %sub3A = arith.constant 3 : i32
        %sub3A_843 = arith.subi %mul3A_745, %sub3A : i32
        %dma_wait3A_844 = arith.constant 0 : i32
        %dma_wait3A_845 = tpu.memref_slice %arg7[%sub3A_843, %dma_wait3A_844] : memref<42x128xi32, #tpu.memory_space<vmem>> -> memref<1x128xi32, #tpu.memory_space<vmem>>
        %dma_wait3A_846 = tpu.memref_squeeze %dma_wait3A_845 : memref<1x128xi32, #tpu.memory_space<vmem>> -> memref<128xi32, #tpu.memory_space<vmem>>
        %dma_wait3A_847 = arith.constant 0 : i32
        %dma_wait3A_848 = arith.constant 0 : i32
        %dma_wait3A_849 = tpu.memref_slice %arg17[%dma_wait3A_847, %dma_wait3A_848] : memref<4096x64xf32, #tpu.memory_space<vmem_shared>> -> memref<4096x64xf32, #tpu.memory_space<vmem_shared>>
        tpu.wait_indirect_dma semaphore(%arg22 : memref<!tpu.dma_semaphore, #tpu.memory_space<semaphore_mem>>) src(%arg13 : memref<128x64xf32, #tpu.memory_space<vmem>>) dst(%dma_wait3A_849 : memref<4096x64xf32, #tpu.memory_space<vmem_shared>>)
      } else {
      }
      %broadcast_in_dim3A_754 = vector.broadcast %mul3A_745 : i32 to vector<16xi32>
      %scan3A_755 = arith.constant 0 : i32
      %scan3A_756 = arith.constant 0 : i32
      %scan3A_757 = arith.constant 32 : i32
      %scan3A_758 = arith.addi %scan3A_756, %scan3A_757 : i32
      %scan3A_759 = arith.constant 1 : i32
      %scan3A_760 = scf.for %scan3A_843 = %scan3A_756 to %scan3A_758 step %scan3A_759 iter_args(%scan3A_844 = %scan3A_755) -> (i32)  : i32 {
        %mul3A_845 = arith.constant 4 : i32
        %mul3A_846 = arith.muli %scan3A_843, %mul3A_845 : i32
        %add3A_847 = arith.constant 0 : i32
        %add3A_848 = arith.addi %mul3A_846, %add3A_847 : i32
        %broadcast_in_dim3A_849 = vector.broadcast %add3A_848 : i32 to vector<16xi32>
        %gather3A = tpu.vector_load_idx %arg9[%broadcast_in_dim3A_754, %broadcast_in_dim3A_849] : memref<42x128xf32, #tpu.memory_space<vmem>>[vector<16xi32>, vector<16xi32>], vector<16xf32>,
        %add3A_850 = arith.constant 1 : i32
        %add3A_851 = arith.addi %mul3A_846, %add3A_850 : i32
        %broadcast_in_dim3A_852 = vector.broadcast %add3A_851 : i32 to vector<16xi32>
        %gather3A_853 = tpu.vector_load_idx %arg9[%broadcast_in_dim3A_754, %broadcast_in_dim3A_852] : memref<42x128xf32, #tpu.memory_space<vmem>>[vector<16xi32>, vector<16xi32>], vector<16xf32>,
        %add3A_854 = arith.constant 2 : i32
        %add3A_855 = arith.addi %mul3A_846, %add3A_854 : i32
        %broadcast_in_dim3A_856 = vector.broadcast %add3A_855 : i32 to vector<16xi32>
        %gather3A_857 = tpu.vector_load_idx %arg9[%broadcast_in_dim3A_754, %broadcast_in_dim3A_856] : memref<42x128xf32, #tpu.memory_space<vmem>>[vector<16xi32>, vector<16xi32>], vector<16xf32>,
        %add3A_858 = arith.constant 3 : i32
        %add3A_859 = arith.addi %mul3A_846, %add3A_858 : i32
        %broadcast_in_dim3A_860 = vector.broadcast %add3A_859 : i32 to vector<16xi32>
        %gather3A_861 = tpu.vector_load_idx %arg9[%broadcast_in_dim3A_754, %broadcast_in_dim3A_860] : memref<42x128xf32, #tpu.memory_space<vmem>>[vector<16xi32>, vector<16xi32>], vector<16xf32>,
        %add3A_862 = arith.constant 0 : i32
        %add3A_863 = arith.addi %mul3A_846, %add3A_862 : i32
        %get3A = arith.index_cast %add3A_863 : i32 to index
        %get3A_864 = arith.constant 0 : index
        %get3A_865 = tpu.vector_load %arg10[%get3A, %get3A_864] {strides = array<i32>} : memref<128x64xf32, #tpu.memory_space<vmem>>, vector<16xf32>,
        %add3A_866 = arith.constant 0 : i32
        %add3A_867 = arith.addi %mul3A_846, %add3A_866 : i32
        %get3A_868 = arith.index_cast %add3A_867 : i32 to index
        %get3A_869 = arith.constant 16 : index
        %get3A_870 = tpu.vector_load %arg10[%get3A_868, %get3A_869] {strides = array<i32>} : memref<128x64xf32, #tpu.memory_space<vmem>>, vector<16xf32>,
        %add3A_871 = arith.constant 0 : i32
        %add3A_872 = arith.addi %mul3A_846, %add3A_871 : i32
        %get3A_873 = arith.index_cast %add3A_872 : i32 to index
        %get3A_874 = arith.constant 32 : index
        %get3A_875 = tpu.vector_load %arg10[%get3A_873, %get3A_874] {strides = array<i32>} : memref<128x64xf32, #tpu.memory_space<vmem>>, vector<16xf32>,
        %add3A_876 = arith.constant 0 : i32
        %add3A_877 = arith.addi %mul3A_846, %add3A_876 : i32
        %get3A_878 = arith.index_cast %add3A_877 : i32 to index
        %get3A_879 = arith.constant 48 : index
        %get3A_880 = tpu.vector_load %arg10[%get3A_878, %get3A_879] {strides = array<i32>} : memref<128x64xf32, #tpu.memory_space<vmem>>, vector<16xf32>,
        %add3A_881 = arith.constant 1 : i32
        %add3A_882 = arith.addi %mul3A_846, %add3A_881 : i32
        %get3A_883 = arith.index_cast %add3A_882 : i32 to index
        %get3A_884 = arith.constant 0 : index
        %get3A_885 = tpu.vector_load %arg10[%get3A_883, %get3A_884] {strides = array<i32>} : memref<128x64xf32, #tpu.memory_space<vmem>>, vector<16xf32>,
        %add3A_886 = arith.constant 1 : i32
        %add3A_887 = arith.addi %mul3A_846, %add3A_886 : i32
        %get3A_888 = arith.index_cast %add3A_887 : i32 to index
        %get3A_889 = arith.constant 16 : index
        %get3A_890 = tpu.vector_load %arg10[%get3A_888, %get3A_889] {strides = array<i32>} : memref<128x64xf32, #tpu.memory_space<vmem>>, vector<16xf32>,
        %add3A_891 = arith.constant 1 : i32
        %add3A_892 = arith.addi %mul3A_846, %add3A_891 : i32
        %get3A_893 = arith.index_cast %add3A_892 : i32 to index
        %get3A_894 = arith.constant 32 : index
        %get3A_895 = tpu.vector_load %arg10[%get3A_893, %get3A_894] {strides = array<i32>} : memref<128x64xf32, #tpu.memory_space<vmem>>, vector<16xf32>,
        %add3A_896 = arith.constant 1 : i32
        %add3A_897 = arith.addi %mul3A_846, %add3A_896 : i32
        %get3A_898 = arith.index_cast %add3A_897 : i32 to index
        %get3A_899 = arith.constant 48 : index
        %get3A_900 = tpu.vector_load %arg10[%get3A_898, %get3A_899] {strides = array<i32>} : memref<128x64xf32, #tpu.memory_space<vmem>>, vector<16xf32>,
        %add3A_901 = arith.constant 2 : i32
        %add3A_902 = arith.addi %mul3A_846, %add3A_901 : i32
        %get3A_903 = arith.index_cast %add3A_902 : i32 to index
        %get3A_904 = arith.constant 0 : index
        %get3A_905 = tpu.vector_load %arg10[%get3A_903, %get3A_904] {strides = array<i32>} : memref<128x64xf32, #tpu.memory_space<vmem>>, vector<16xf32>,
        %add3A_906 = arith.constant 2 : i32
        %add3A_907 = arith.addi %mul3A_846, %add3A_906 : i32
        %get3A_908 = arith.index_cast %add3A_907 : i32 to index
        %get3A_909 = arith.constant 16 : index
        %get3A_910 = tpu.vector_load %arg10[%get3A_908, %get3A_909] {strides = array<i32>} : memref<128x64xf32, #tpu.memory_space<vmem>>, vector<16xf32>,
        %add3A_911 = arith.constant 2 : i32
        %add3A_912 = arith.addi %mul3A_846, %add3A_911 : i32
        %get3A_913 = arith.index_cast %add3A_912 : i32 to index
        %get3A_914 = arith.constant 32 : index
        %get3A_915 = tpu.vector_load %arg10[%get3A_913, %get3A_914] {strides = array<i32>} : memref<128x64xf32, #tpu.memory_space<vmem>>, vector<16xf32>,
        %add3A_916 = arith.constant 2 : i32
        %add3A_917 = arith.addi %mul3A_846, %add3A_916 : i32
        %get3A_918 = arith.index_cast %add3A_917 : i32 to index
        %get3A_919 = arith.constant 48 : index
        %get3A_920 = tpu.vector_load %arg10[%get3A_918, %get3A_919] {strides = array<i32>} : memref<128x64xf32, #tpu.memory_space<vmem>>, vector<16xf32>,
        %add3A_921 = arith.constant 3 : i32
        %add3A_922 = arith.addi %mul3A_846, %add3A_921 : i32
        %get3A_923 = arith.index_cast %add3A_922 : i32 to index
        %get3A_924 = arith.constant 0 : index
        %get3A_925 = tpu.vector_load %arg10[%get3A_923, %get3A_924] {strides = array<i32>} : memref<128x64xf32, #tpu.memory_space<vmem>>, vector<16xf32>,
        %add3A_926 = arith.constant 3 : i32
        %add3A_927 = arith.addi %mul3A_846, %add3A_926 : i32
        %get3A_928 = arith.index_cast %add3A_927 : i32 to index
        %get3A_929 = arith.constant 16 : index
        %get3A_930 = tpu.vector_load %arg10[%get3A_928, %get3A_929] {strides = array<i32>} : memref<128x64xf32, #tpu.memory_space<vmem>>, vector<16xf32>,
        %add3A_931 = arith.constant 3 : i32
        %add3A_932 = arith.addi %mul3A_846, %add3A_931 : i32
        %get3A_933 = arith.index_cast %add3A_932 : i32 to index
        %get3A_934 = arith.constant 32 : index
        %get3A_935 = tpu.vector_load %arg10[%get3A_933, %get3A_934] {strides = array<i32>} : memref<128x64xf32, #tpu.memory_space<vmem>>, vector<16xf32>,
        %add3A_936 = arith.constant 3 : i32
        %add3A_937 = arith.addi %mul3A_846, %add3A_936 : i32
        %get3A_938 = arith.index_cast %add3A_937 : i32 to index
        %get3A_939 = arith.constant 48 : index
        %get3A_940 = tpu.vector_load %arg10[%get3A_938, %get3A_939] {strides = array<i32>} : memref<128x64xf32, #tpu.memory_space<vmem>>, vector<16xf32>,
        %mul3A_941 = arith.mulf %get3A_865, %gather3A : vector<16xf32>
        %add3A_942 = arith.constant 0 : i32
        %add3A_943 = arith.addi %mul3A_846, %add3A_942 : i32
        %swap3A_944 = arith.index_cast %add3A_943 : i32 to index
        %swap3A_945 = arith.constant 0 : index
        %swap3A_946 = tpu.vector_load %arg13[%swap3A_944, %swap3A_945] {strides = array<i32>} : memref<128x64xf32, #tpu.memory_space<vmem>>, vector<16xf32>,
        tpu.vector_store %arg13[%swap3A_944, %swap3A_945], %mul3A_941 {strides = array<i32>} : memref<128x64xf32, #tpu.memory_space<vmem>>, vector<16xf32>,
        %mul3A_947 = arith.mulf %get3A_870, %gather3A : vector<16xf32>
        %add3A_948 = arith.constant 0 : i32
        %add3A_949 = arith.addi %mul3A_846, %add3A_948 : i32
        %swap3A_950 = arith.index_cast %add3A_949 : i32 to index
        %swap3A_951 = arith.constant 16 : index
        %swap3A_952 = tpu.vector_load %arg13[%swap3A_950, %swap3A_951] {strides = array<i32>} : memref<128x64xf32, #tpu.memory_space<vmem>>, vector<16xf32>,
        tpu.vector_store %arg13[%swap3A_950, %swap3A_951], %mul3A_947 {strides = array<i32>} : memref<128x64xf32, #tpu.memory_space<vmem>>, vector<16xf32>,
        %mul3A_953 = arith.mulf %get3A_875, %gather3A : vector<16xf32>
        %add3A_954 = arith.constant 0 : i32
        %add3A_955 = arith.addi %mul3A_846, %add3A_954 : i32
        %swap3A_956 = arith.index_cast %add3A_955 : i32 to index
        %swap3A_957 = arith.constant 32 : index
        %swap3A_958 = tpu.vector_load %arg13[%swap3A_956, %swap3A_957] {strides = array<i32>} : memref<128x64xf32, #tpu.memory_space<vmem>>, vector<16xf32>,
        tpu.vector_store %arg13[%swap3A_956, %swap3A_957], %mul3A_953 {strides = array<i32>} : memref<128x64xf32, #tpu.memory_space<vmem>>, vector<16xf32>,
        %mul3A_959 = arith.mulf %get3A_880, %gather3A : vector<16xf32>
        %add3A_960 = arith.constant 0 : i32
        %add3A_961 = arith.addi %mul3A_846, %add3A_960 : i32
        %swap3A_962 = arith.index_cast %add3A_961 : i32 to index
        %swap3A_963 = arith.constant 48 : index
        %swap3A_964 = tpu.vector_load %arg13[%swap3A_962, %swap3A_963] {strides = array<i32>} : memref<128x64xf32, #tpu.memory_space<vmem>>, vector<16xf32>,
        tpu.vector_store %arg13[%swap3A_962, %swap3A_963], %mul3A_959 {strides = array<i32>} : memref<128x64xf32, #tpu.memory_space<vmem>>, vector<16xf32>,
        %mul3A_965 = arith.mulf %get3A_885, %gather3A_853 : vector<16xf32>
        %add3A_966 = arith.constant 1 : i32
        %add3A_967 = arith.addi %mul3A_846, %add3A_966 : i32
        %swap3A_968 = arith.index_cast %add3A_967 : i32 to index
        %swap3A_969 = arith.constant 0 : index
        %swap3A_970 = tpu.vector_load %arg13[%swap3A_968, %swap3A_969] {strides = array<i32>} : memref<128x64xf32, #tpu.memory_space<vmem>>, vector<16xf32>,
        tpu.vector_store %arg13[%swap3A_968, %swap3A_969], %mul3A_965 {strides = array<i32>} : memref<128x64xf32, #tpu.memory_space<vmem>>, vector<16xf32>,
        %mul3A_971 = arith.mulf %get3A_890, %gather3A_853 : vector<16xf32>
        %add3A_972 = arith.constant 1 : i32
        %add3A_973 = arith.addi %mul3A_846, %add3A_972 : i32
        %swap3A_974 = arith.index_cast %add3A_973 : i32 to index
        %swap3A_975 = arith.constant 16 : index
        %swap3A_976 = tpu.vector_load %arg13[%swap3A_974, %swap3A_975] {strides = array<i32>} : memref<128x64xf32, #tpu.memory_space<vmem>>, vector<16xf32>,
        tpu.vector_store %arg13[%swap3A_974, %swap3A_975], %mul3A_971 {strides = array<i32>} : memref<128x64xf32, #tpu.memory_space<vmem>>, vector<16xf32>,
        %mul3A_977 = arith.mulf %get3A_895, %gather3A_853 : vector<16xf32>
        %add3A_978 = arith.constant 1 : i32
        %add3A_979 = arith.addi %mul3A_846, %add3A_978 : i32
        %swap3A_980 = arith.index_cast %add3A_979 : i32 to index
        %swap3A_981 = arith.constant 32 : index
        %swap3A_982 = tpu.vector_load %arg13[%swap3A_980, %swap3A_981] {strides = array<i32>} : memref<128x64xf32, #tpu.memory_space<vmem>>, vector<16xf32>,
        tpu.vector_store %arg13[%swap3A_980, %swap3A_981], %mul3A_977 {strides = array<i32>} : memref<128x64xf32, #tpu.memory_space<vmem>>, vector<16xf32>,
        %mul3A_983 = arith.mulf %get3A_900, %gather3A_853 : vector<16xf32>
        %add3A_984 = arith.constant 1 : i32
        %add3A_985 = arith.addi %mul3A_846, %add3A_984 : i32
        %swap3A_986 = arith.index_cast %add3A_985 : i32 to index
        %swap3A_987 = arith.constant 48 : index
        %swap3A_988 = tpu.vector_load %arg13[%swap3A_986, %swap3A_987] {strides = array<i32>} : memref<128x64xf32, #tpu.memory_space<vmem>>, vector<16xf32>,
        tpu.vector_store %arg13[%swap3A_986, %swap3A_987], %mul3A_983 {strides = array<i32>} : memref<128x64xf32, #tpu.memory_space<vmem>>, vector<16xf32>,
        %mul3A_989 = arith.mulf %get3A_905, %gather3A_857 : vector<16xf32>
        %add3A_990 = arith.constant 2 : i32
        %add3A_991 = arith.addi %mul3A_846, %add3A_990 : i32
        %swap3A_992 = arith.index_cast %add3A_991 : i32 to index
        %swap3A_993 = arith.constant 0 : index
        %swap3A_994 = tpu.vector_load %arg13[%swap3A_992, %swap3A_993] {strides = array<i32>} : memref<128x64xf32, #tpu.memory_space<vmem>>, vector<16xf32>,
        tpu.vector_store %arg13[%swap3A_992, %swap3A_993], %mul3A_989 {strides = array<i32>} : memref<128x64xf32, #tpu.memory_space<vmem>>, vector<16xf32>,
        %mul3A_995 = arith.mulf %get3A_910, %gather3A_857 : vector<16xf32>
        %add3A_996 = arith.constant 2 : i32
        %add3A_997 = arith.addi %mul3A_846, %add3A_996 : i32
        %swap3A_998 = arith.index_cast %add3A_997 : i32 to index
        %swap3A_999 = arith.constant 16 : index
        %swap3A_1000 = tpu.vector_load %arg13[%swap3A_998, %swap3A_999] {strides = array<i32>} : memref<128x64xf32, #tpu.memory_space<vmem>>, vector<16xf32>,
        tpu.vector_store %arg13[%swap3A_998, %swap3A_999], %mul3A_995 {strides = array<i32>} : memref<128x64xf32, #tpu.memory_space<vmem>>, vector<16xf32>,
        %mul3A_1001 = arith.mulf %get3A_915, %gather3A_857 : vector<16xf32>
        %add3A_1002 = arith.constant 2 : i32
        %add3A_1003 = arith.addi %mul3A_846, %add3A_1002 : i32
        %swap3A_1004 = arith.index_cast %add3A_1003 : i32 to index
        %swap3A_1005 = arith.constant 32 : index
        %swap3A_1006 = tpu.vector_load %arg13[%swap3A_1004, %swap3A_1005] {strides = array<i32>} : memref<128x64xf32, #tpu.memory_space<vmem>>, vector<16xf32>,
        tpu.vector_store %arg13[%swap3A_1004, %swap3A_1005], %mul3A_1001 {strides = array<i32>} : memref<128x64xf32, #tpu.memory_space<vmem>>, vector<16xf32>,
        %mul3A_1007 = arith.mulf %get3A_920, %gather3A_857 : vector<16xf32>
        %add3A_1008 = arith.constant 2 : i32
        %add3A_1009 = arith.addi %mul3A_846, %add3A_1008 : i32
        %swap3A_1010 = arith.index_cast %add3A_1009 : i32 to index
        %swap3A_1011 = arith.constant 48 : index
        %swap3A_1012 = tpu.vector_load %arg13[%swap3A_1010, %swap3A_1011] {strides = array<i32>} : memref<128x64xf32, #tpu.memory_space<vmem>>, vector<16xf32>,
        tpu.vector_store %arg13[%swap3A_1010, %swap3A_1011], %mul3A_1007 {strides = array<i32>} : memref<128x64xf32, #tpu.memory_space<vmem>>, vector<16xf32>,
        %mul3A_1013 = arith.mulf %get3A_925, %gather3A_861 : vector<16xf32>
        %add3A_1014 = arith.constant 3 : i32
        %add3A_1015 = arith.addi %mul3A_846, %add3A_1014 : i32
        %swap3A_1016 = arith.index_cast %add3A_1015 : i32 to index
        %swap3A_1017 = arith.constant 0 : index
        %swap3A_1018 = tpu.vector_load %arg13[%swap3A_1016, %swap3A_1017] {strides = array<i32>} : memref<128x64xf32, #tpu.memory_space<vmem>>, vector<16xf32>,
        tpu.vector_store %arg13[%swap3A_1016, %swap3A_1017], %mul3A_1013 {strides = array<i32>} : memref<128x64xf32, #tpu.memory_space<vmem>>, vector<16xf32>,
        %mul3A_1019 = arith.mulf %get3A_930, %gather3A_861 : vector<16xf32>
        %add3A_1020 = arith.constant 3 : i32
        %add3A_1021 = arith.addi %mul3A_846, %add3A_1020 : i32
        %swap3A_1022 = arith.index_cast %add3A_1021 : i32 to index
        %swap3A_1023 = arith.constant 16 : index
        %swap3A_1024 = tpu.vector_load %arg13[%swap3A_1022, %swap3A_1023] {strides = array<i32>} : memref<128x64xf32, #tpu.memory_space<vmem>>, vector<16xf32>,
        tpu.vector_store %arg13[%swap3A_1022, %swap3A_1023], %mul3A_1019 {strides = array<i32>} : memref<128x64xf32, #tpu.memory_space<vmem>>, vector<16xf32>,
        %mul3A_1025 = arith.mulf %get3A_935, %gather3A_861 : vector<16xf32>
        %add3A_1026 = arith.constant 3 : i32
        %add3A_1027 = arith.addi %mul3A_846, %add3A_1026 : i32
        %swap3A_1028 = arith.index_cast %add3A_1027 : i32 to index
        %swap3A_1029 = arith.constant 32 : index
        %swap3A_1030 = tpu.vector_load %arg13[%swap3A_1028, %swap3A_1029] {strides = array<i32>} : memref<128x64xf32, #tpu.memory_space<vmem>>, vector<16xf32>,
        tpu.vector_store %arg13[%swap3A_1028, %swap3A_1029], %mul3A_1025 {strides = array<i32>} : memref<128x64xf32, #tpu.memory_space<vmem>>, vector<16xf32>,
        %mul3A_1031 = arith.mulf %get3A_940, %gather3A_861 : vector<16xf32>
        %add3A_1032 = arith.constant 3 : i32
        %add3A_1033 = arith.addi %mul3A_846, %add3A_1032 : i32
        %swap3A_1034 = arith.index_cast %add3A_1033 : i32 to index
        %swap3A_1035 = arith.constant 48 : index
        %swap3A_1036 = tpu.vector_load %arg13[%swap3A_1034, %swap3A_1035] {strides = array<i32>} : memref<128x64xf32, #tpu.memory_space<vmem>>, vector<16xf32>,
        tpu.vector_store %arg13[%swap3A_1034, %swap3A_1035], %mul3A_1031 {strides = array<i32>} : memref<128x64xf32, #tpu.memory_space<vmem>>, vector<16xf32>,
        %scan3A_1037 = arith.constant 0 : i32
        scf.yield %scan3A_1037 : i32
      }
      %scan3A_761 = arith.constant 32 : i32
      %dma_start3A_762 = arith.constant 0 : i32
      %dma_start3A_763 = tpu.memref_slice %arg7[%mul3A_745, %dma_start3A_762] : memref<42x128xi32, #tpu.memory_space<vmem>> -> memref<1x128xi32, #tpu.memory_space<vmem>>
      %dma_start3A_764 = tpu.memref_squeeze %dma_start3A_763 : memref<1x128xi32, #tpu.memory_space<vmem>> -> memref<128xi32, #tpu.memory_space<vmem>>
      %dma_start3A_765 = arith.constant 0 : i32
      %dma_start3A_766 = arith.constant 0 : i32
      %dma_start3A_767 = tpu.memref_slice %arg17[%dma_start3A_765, %dma_start3A_766] : memref<4096x64xf32, #tpu.memory_space<vmem_shared>> -> memref<4096x64xf32, #tpu.memory_space<vmem_shared>>
      tpu.enqueue_indirect_dma source(%arg13 : memref<128x64xf32, #tpu.memory_space<vmem>>) target(%dma_start3A_767 : memref<4096x64xf32, #tpu.memory_space<vmem_shared>>) offsets(%dma_start3A_764 : memref<128xi32, #tpu.memory_space<vmem>>) semaphore(%arg22 : memref<!tpu.dma_semaphore, #tpu.memory_space<semaphore_mem>>) {add = true}
      %add3A_768 = arith.constant 3 : i32
      %add3A_769 = arith.addi %mul3A_745, %add3A_768 : i32
      %lt3A = arith.constant 42 : i32
      %lt3A_770 = arith.cmpi slt, %add3A_769, %lt3A : i32
      %convert_element_type3A_771 = arith.extui %lt3A_770 : i1 to i32
      %cond3A_772 = arith.constant 0 : i32
      %cond3A_773 = arith.cmpi ne, %convert_element_type3A_771, %cond3A_772 : i32
      scf.if %cond3A_773 {
        %add3A_843 = arith.constant 3 : i32
        %add3A_844 = arith.addi %mul3A_745, %add3A_843 : i32
        %dma_start3A_845 = arith.constant 0 : i32
        %dma_start3A_846 = tpu.memref_slice %arg8[%add3A_844, %dma_start3A_845] : memref<42x128xi32, #tpu.memory_space<vmem>> -> memref<1x128xi32, #tpu.memory_space<vmem>>
        %dma_start3A_847 = tpu.memref_squeeze %dma_start3A_846 : memref<1x128xi32, #tpu.memory_space<vmem>> -> memref<128xi32, #tpu.memory_space<vmem>>
        %dma_start3A_848 = arith.constant 0 : i32
        %dma_start3A_849 = arith.constant 0 : i32
        %dma_start3A_850 = tpu.memref_slice %arg18[%dma_start3A_848, %dma_start3A_849] : memref<4096x64xf32, #tpu.memory_space<vmem_shared>> -> memref<4096x64xf32, #tpu.memory_space<vmem_shared>>
        tpu.enqueue_indirect_dma source(%dma_start3A_850 : memref<4096x64xf32, #tpu.memory_space<vmem_shared>>) target(%arg10 : memref<128x64xf32, #tpu.memory_space<vmem>>) offsets(%dma_start3A_847 : memref<128xi32, #tpu.memory_space<vmem>>) semaphore(%arg19 : memref<!tpu.dma_semaphore, #tpu.memory_space<semaphore_mem>>)
      } else {
      }
      %add3A_774 = arith.constant 1 : i32
      %add3A_775 = arith.addi %mul3A_745, %add3A_774 : i32
      %dma_wait3A_776 = arith.constant 0 : i32
      %dma_wait3A_777 = tpu.memref_slice %arg8[%add3A_775, %dma_wait3A_776] : memref<42x128xi32, #tpu.memory_space<vmem>> -> memref<1x128xi32, #tpu.memory_space<vmem>>
      %dma_wait3A_778 = tpu.memref_squeeze %dma_wait3A_777 : memref<1x128xi32, #tpu.memory_space<vmem>> -> memref<128xi32, #tpu.memory_space<vmem>>
      %dma_wait3A_779 = arith.constant 0 : i32
      %dma_wait3A_780 = arith.constant 0 : i32
      %dma_wait3A_781 = tpu.memref_slice %arg18[%dma_wait3A_779, %dma_wait3A_780] : memref<4096x64xf32, #tpu.memory_space<vmem_shared>> -> memref<4096x64xf32, #tpu.memory_space<vmem_shared>>
      tpu.wait_indirect_dma semaphore(%arg20 : memref<!tpu.dma_semaphore, #tpu.memory_space<semaphore_mem>>) src(%dma_wait3A_781 : memref<4096x64xf32, #tpu.memory_space<vmem_shared>>) dst(%arg11 : memref<128x64xf32, #tpu.memory_space<vmem>>)
      %ge3A_782 = arith.constant 3 : i32
      %ge3A_783 = arith.cmpi sge, %add3A_775, %ge3A_782 : i32
      %convert_element_type3A_784 = arith.extui %ge3A_783 : i1 to i32
      %cond3A_785 = arith.constant 0 : i32
      %cond3A_786 = arith.cmpi ne, %convert_element_type3A_784, %cond3A_785 : i32
      scf.if %cond3A_786 {
        %sub3A = arith.constant 3 : i32
        %sub3A_843 = arith.subi %add3A_775, %sub3A : i32
        %dma_wait3A_844 = arith.constant 0 : i32
        %dma_wait3A_845 = tpu.memref_slice %arg7[%sub3A_843, %dma_wait3A_844] : memref<42x128xi32, #tpu.memory_space<vmem>> -> memref<1x128xi32, #tpu.memory_space<vmem>>
        %dma_wait3A_846 = tpu.memref_squeeze %dma_wait3A_845 : memref<1x128xi32, #tpu.memory_space<vmem>> -> memref<128xi32, #tpu.memory_space<vmem>>
        %dma_wait3A_847 = arith.constant 0 : i32
        %dma_wait3A_848 = arith.constant 0 : i32
        %dma_wait3A_849 = tpu.memref_slice %arg17[%dma_wait3A_847, %dma_wait3A_848] : memref<4096x64xf32, #tpu.memory_space<vmem_shared>> -> memref<4096x64xf32, #tpu.memory_space<vmem_shared>>
        tpu.wait_indirect_dma semaphore(%arg23 : memref<!tpu.dma_semaphore, #tpu.memory_space<semaphore_mem>>) src(%arg14 : memref<128x64xf32, #tpu.memory_space<vmem>>) dst(%dma_wait3A_849 : memref<4096x64xf32, #tpu.memory_space<vmem_shared>>)
      } else {
      }
      %broadcast_in_dim3A_787 = vector.broadcast %add3A_775 : i32 to vector<16xi32>
      %scan3A_788 = arith.constant 0 : i32
      %scan3A_789 = arith.constant 0 : i32
      %scan3A_790 = arith.constant 32 : i32
      %scan3A_791 = arith.addi %scan3A_789, %scan3A_790 : i32
      %scan3A_792 = arith.constant 1 : i32
      %scan3A_793 = scf.for %scan3A_843 = %scan3A_789 to %scan3A_791 step %scan3A_792 iter_args(%scan3A_844 = %scan3A_788) -> (i32)  : i32 {
        %mul3A_845 = arith.constant 4 : i32
        %mul3A_846 = arith.muli %scan3A_843, %mul3A_845 : i32
        %add3A_847 = arith.constant 0 : i32
        %add3A_848 = arith.addi %mul3A_846, %add3A_847 : i32
        %broadcast_in_dim3A_849 = vector.broadcast %add3A_848 : i32 to vector<16xi32>
        %gather3A = tpu.vector_load_idx %arg9[%broadcast_in_dim3A_787, %broadcast_in_dim3A_849] : memref<42x128xf32, #tpu.memory_space<vmem>>[vector<16xi32>, vector<16xi32>], vector<16xf32>,
        %add3A_850 = arith.constant 1 : i32
        %add3A_851 = arith.addi %mul3A_846, %add3A_850 : i32
        %broadcast_in_dim3A_852 = vector.broadcast %add3A_851 : i32 to vector<16xi32>
        %gather3A_853 = tpu.vector_load_idx %arg9[%broadcast_in_dim3A_787, %broadcast_in_dim3A_852] : memref<42x128xf32, #tpu.memory_space<vmem>>[vector<16xi32>, vector<16xi32>], vector<16xf32>,
        %add3A_854 = arith.constant 2 : i32
        %add3A_855 = arith.addi %mul3A_846, %add3A_854 : i32
        %broadcast_in_dim3A_856 = vector.broadcast %add3A_855 : i32 to vector<16xi32>
        %gather3A_857 = tpu.vector_load_idx %arg9[%broadcast_in_dim3A_787, %broadcast_in_dim3A_856] : memref<42x128xf32, #tpu.memory_space<vmem>>[vector<16xi32>, vector<16xi32>], vector<16xf32>,
        %add3A_858 = arith.constant 3 : i32
        %add3A_859 = arith.addi %mul3A_846, %add3A_858 : i32
        %broadcast_in_dim3A_860 = vector.broadcast %add3A_859 : i32 to vector<16xi32>
        %gather3A_861 = tpu.vector_load_idx %arg9[%broadcast_in_dim3A_787, %broadcast_in_dim3A_860] : memref<42x128xf32, #tpu.memory_space<vmem>>[vector<16xi32>, vector<16xi32>], vector<16xf32>,
        %add3A_862 = arith.constant 0 : i32
        %add3A_863 = arith.addi %mul3A_846, %add3A_862 : i32
        %get3A = arith.index_cast %add3A_863 : i32 to index
        %get3A_864 = arith.constant 0 : index
        %get3A_865 = tpu.vector_load %arg11[%get3A, %get3A_864] {strides = array<i32>} : memref<128x64xf32, #tpu.memory_space<vmem>>, vector<16xf32>,
        %add3A_866 = arith.constant 0 : i32
        %add3A_867 = arith.addi %mul3A_846, %add3A_866 : i32
        %get3A_868 = arith.index_cast %add3A_867 : i32 to index
        %get3A_869 = arith.constant 16 : index
        %get3A_870 = tpu.vector_load %arg11[%get3A_868, %get3A_869] {strides = array<i32>} : memref<128x64xf32, #tpu.memory_space<vmem>>, vector<16xf32>,
        %add3A_871 = arith.constant 0 : i32
        %add3A_872 = arith.addi %mul3A_846, %add3A_871 : i32
        %get3A_873 = arith.index_cast %add3A_872 : i32 to index
        %get3A_874 = arith.constant 32 : index
        %get3A_875 = tpu.vector_load %arg11[%get3A_873, %get3A_874] {strides = array<i32>} : memref<128x64xf32, #tpu.memory_space<vmem>>, vector<16xf32>,
        %add3A_876 = arith.constant 0 : i32
        %add3A_877 = arith.addi %mul3A_846, %add3A_876 : i32
        %get3A_878 = arith.index_cast %add3A_877 : i32 to index
        %get3A_879 = arith.constant 48 : index
        %get3A_880 = tpu.vector_load %arg11[%get3A_878, %get3A_879] {strides = array<i32>} : memref<128x64xf32, #tpu.memory_space<vmem>>, vector<16xf32>,
        %add3A_881 = arith.constant 1 : i32
        %add3A_882 = arith.addi %mul3A_846, %add3A_881 : i32
        %get3A_883 = arith.index_cast %add3A_882 : i32 to index
        %get3A_884 = arith.constant 0 : index
        %get3A_885 = tpu.vector_load %arg11[%get3A_883, %get3A_884] {strides = array<i32>} : memref<128x64xf32, #tpu.memory_space<vmem>>, vector<16xf32>,
        %add3A_886 = arith.constant 1 : i32
        %add3A_887 = arith.addi %mul3A_846, %add3A_886 : i32
        %get3A_888 = arith.index_cast %add3A_887 : i32 to index
        %get3A_889 = arith.constant 16 : index
        %get3A_890 = tpu.vector_load %arg11[%get3A_888, %get3A_889] {strides = array<i32>} : memref<128x64xf32, #tpu.memory_space<vmem>>, vector<16xf32>,
        %add3A_891 = arith.constant 1 : i32
        %add3A_892 = arith.addi %mul3A_846, %add3A_891 : i32
        %get3A_893 = arith.index_cast %add3A_892 : i32 to index
        %get3A_894 = arith.constant 32 : index
        %get3A_895 = tpu.vector_load %arg11[%get3A_893, %get3A_894] {strides = array<i32>} : memref<128x64xf32, #tpu.memory_space<vmem>>, vector<16xf32>,
        %add3A_896 = arith.constant 1 : i32
        %add3A_897 = arith.addi %mul3A_846, %add3A_896 : i32
        %get3A_898 = arith.index_cast %add3A_897 : i32 to index
        %get3A_899 = arith.constant 48 : index
        %get3A_900 = tpu.vector_load %arg11[%get3A_898, %get3A_899] {strides = array<i32>} : memref<128x64xf32, #tpu.memory_space<vmem>>, vector<16xf32>,
        %add3A_901 = arith.constant 2 : i32
        %add3A_902 = arith.addi %mul3A_846, %add3A_901 : i32
        %get3A_903 = arith.index_cast %add3A_902 : i32 to index
        %get3A_904 = arith.constant 0 : index
        %get3A_905 = tpu.vector_load %arg11[%get3A_903, %get3A_904] {strides = array<i32>} : memref<128x64xf32, #tpu.memory_space<vmem>>, vector<16xf32>,
        %add3A_906 = arith.constant 2 : i32
        %add3A_907 = arith.addi %mul3A_846, %add3A_906 : i32
        %get3A_908 = arith.index_cast %add3A_907 : i32 to index
        %get3A_909 = arith.constant 16 : index
        %get3A_910 = tpu.vector_load %arg11[%get3A_908, %get3A_909] {strides = array<i32>} : memref<128x64xf32, #tpu.memory_space<vmem>>, vector<16xf32>,
        %add3A_911 = arith.constant 2 : i32
        %add3A_912 = arith.addi %mul3A_846, %add3A_911 : i32
        %get3A_913 = arith.index_cast %add3A_912 : i32 to index
        %get3A_914 = arith.constant 32 : index
        %get3A_915 = tpu.vector_load %arg11[%get3A_913, %get3A_914] {strides = array<i32>} : memref<128x64xf32, #tpu.memory_space<vmem>>, vector<16xf32>,
        %add3A_916 = arith.constant 2 : i32
        %add3A_917 = arith.addi %mul3A_846, %add3A_916 : i32
        %get3A_918 = arith.index_cast %add3A_917 : i32 to index
        %get3A_919 = arith.constant 48 : index
        %get3A_920 = tpu.vector_load %arg11[%get3A_918, %get3A_919] {strides = array<i32>} : memref<128x64xf32, #tpu.memory_space<vmem>>, vector<16xf32>,
        %add3A_921 = arith.constant 3 : i32
        %add3A_922 = arith.addi %mul3A_846, %add3A_921 : i32
        %get3A_923 = arith.index_cast %add3A_922 : i32 to index
        %get3A_924 = arith.constant 0 : index
        %get3A_925 = tpu.vector_load %arg11[%get3A_923, %get3A_924] {strides = array<i32>} : memref<128x64xf32, #tpu.memory_space<vmem>>, vector<16xf32>,
        %add3A_926 = arith.constant 3 : i32
        %add3A_927 = arith.addi %mul3A_846, %add3A_926 : i32
        %get3A_928 = arith.index_cast %add3A_927 : i32 to index
        %get3A_929 = arith.constant 16 : index
        %get3A_930 = tpu.vector_load %arg11[%get3A_928, %get3A_929] {strides = array<i32>} : memref<128x64xf32, #tpu.memory_space<vmem>>, vector<16xf32>,
        %add3A_931 = arith.constant 3 : i32
        %add3A_932 = arith.addi %mul3A_846, %add3A_931 : i32
        %get3A_933 = arith.index_cast %add3A_932 : i32 to index
        %get3A_934 = arith.constant 32 : index
        %get3A_935 = tpu.vector_load %arg11[%get3A_933, %get3A_934] {strides = array<i32>} : memref<128x64xf32, #tpu.memory_space<vmem>>, vector<16xf32>,
        %add3A_936 = arith.constant 3 : i32
        %add3A_937 = arith.addi %mul3A_846, %add3A_936 : i32
        %get3A_938 = arith.index_cast %add3A_937 : i32 to index
        %get3A_939 = arith.constant 48 : index
        %get3A_940 = tpu.vector_load %arg11[%get3A_938, %get3A_939] {strides = array<i32>} : memref<128x64xf32, #tpu.memory_space<vmem>>, vector<16xf32>,
        %mul3A_941 = arith.mulf %get3A_865, %gather3A : vector<16xf32>
        %add3A_942 = arith.constant 0 : i32
        %add3A_943 = arith.addi %mul3A_846, %add3A_942 : i32
        %swap3A_944 = arith.index_cast %add3A_943 : i32 to index
        %swap3A_945 = arith.constant 0 : index
        %swap3A_946 = tpu.vector_load %arg14[%swap3A_944, %swap3A_945] {strides = array<i32>} : memref<128x64xf32, #tpu.memory_space<vmem>>, vector<16xf32>,
        tpu.vector_store %arg14[%swap3A_944, %swap3A_945], %mul3A_941 {strides = array<i32>} : memref<128x64xf32, #tpu.memory_space<vmem>>, vector<16xf32>,
        %mul3A_947 = arith.mulf %get3A_870, %gather3A : vector<16xf32>
        %add3A_948 = arith.constant 0 : i32
        %add3A_949 = arith.addi %mul3A_846, %add3A_948 : i32
        %swap3A_950 = arith.index_cast %add3A_949 : i32 to index
        %swap3A_951 = arith.constant 16 : index
        %swap3A_952 = tpu.vector_load %arg14[%swap3A_950, %swap3A_951] {strides = array<i32>} : memref<128x64xf32, #tpu.memory_space<vmem>>, vector<16xf32>,
        tpu.vector_store %arg14[%swap3A_950, %swap3A_951], %mul3A_947 {strides = array<i32>} : memref<128x64xf32, #tpu.memory_space<vmem>>, vector<16xf32>,
        %mul3A_953 = arith.mulf %get3A_875, %gather3A : vector<16xf32>
        %add3A_954 = arith.constant 0 : i32
        %add3A_955 = arith.addi %mul3A_846, %add3A_954 : i32
        %swap3A_956 = arith.index_cast %add3A_955 : i32 to index
        %swap3A_957 = arith.constant 32 : index
        %swap3A_958 = tpu.vector_load %arg14[%swap3A_956, %swap3A_957] {strides = array<i32>} : memref<128x64xf32, #tpu.memory_space<vmem>>, vector<16xf32>,
        tpu.vector_store %arg14[%swap3A_956, %swap3A_957], %mul3A_953 {strides = array<i32>} : memref<128x64xf32, #tpu.memory_space<vmem>>, vector<16xf32>,
        %mul3A_959 = arith.mulf %get3A_880, %gather3A : vector<16xf32>
        %add3A_960 = arith.constant 0 : i32
        %add3A_961 = arith.addi %mul3A_846, %add3A_960 : i32
        %swap3A_962 = arith.index_cast %add3A_961 : i32 to index
        %swap3A_963 = arith.constant 48 : index
        %swap3A_964 = tpu.vector_load %arg14[%swap3A_962, %swap3A_963] {strides = array<i32>} : memref<128x64xf32, #tpu.memory_space<vmem>>, vector<16xf32>,
        tpu.vector_store %arg14[%swap3A_962, %swap3A_963], %mul3A_959 {strides = array<i32>} : memref<128x64xf32, #tpu.memory_space<vmem>>, vector<16xf32>,
        %mul3A_965 = arith.mulf %get3A_885, %gather3A_853 : vector<16xf32>
        %add3A_966 = arith.constant 1 : i32
        %add3A_967 = arith.addi %mul3A_846, %add3A_966 : i32
        %swap3A_968 = arith.index_cast %add3A_967 : i32 to index
        %swap3A_969 = arith.constant 0 : index
        %swap3A_970 = tpu.vector_load %arg14[%swap3A_968, %swap3A_969] {strides = array<i32>} : memref<128x64xf32, #tpu.memory_space<vmem>>, vector<16xf32>,
        tpu.vector_store %arg14[%swap3A_968, %swap3A_969], %mul3A_965 {strides = array<i32>} : memref<128x64xf32, #tpu.memory_space<vmem>>, vector<16xf32>,
        %mul3A_971 = arith.mulf %get3A_890, %gather3A_853 : vector<16xf32>
        %add3A_972 = arith.constant 1 : i32
        %add3A_973 = arith.addi %mul3A_846, %add3A_972 : i32
        %swap3A_974 = arith.index_cast %add3A_973 : i32 to index
        %swap3A_975 = arith.constant 16 : index
        %swap3A_976 = tpu.vector_load %arg14[%swap3A_974, %swap3A_975] {strides = array<i32>} : memref<128x64xf32, #tpu.memory_space<vmem>>, vector<16xf32>,
        tpu.vector_store %arg14[%swap3A_974, %swap3A_975], %mul3A_971 {strides = array<i32>} : memref<128x64xf32, #tpu.memory_space<vmem>>, vector<16xf32>,
        %mul3A_977 = arith.mulf %get3A_895, %gather3A_853 : vector<16xf32>
        %add3A_978 = arith.constant 1 : i32
        %add3A_979 = arith.addi %mul3A_846, %add3A_978 : i32
        %swap3A_980 = arith.index_cast %add3A_979 : i32 to index
        %swap3A_981 = arith.constant 32 : index
        %swap3A_982 = tpu.vector_load %arg14[%swap3A_980, %swap3A_981] {strides = array<i32>} : memref<128x64xf32, #tpu.memory_space<vmem>>, vector<16xf32>,
        tpu.vector_store %arg14[%swap3A_980, %swap3A_981], %mul3A_977 {strides = array<i32>} : memref<128x64xf32, #tpu.memory_space<vmem>>, vector<16xf32>,
        %mul3A_983 = arith.mulf %get3A_900, %gather3A_853 : vector<16xf32>
        %add3A_984 = arith.constant 1 : i32
        %add3A_985 = arith.addi %mul3A_846, %add3A_984 : i32
        %swap3A_986 = arith.index_cast %add3A_985 : i32 to index
        %swap3A_987 = arith.constant 48 : index
        %swap3A_988 = tpu.vector_load %arg14[%swap3A_986, %swap3A_987] {strides = array<i32>} : memref<128x64xf32, #tpu.memory_space<vmem>>, vector<16xf32>,
        tpu.vector_store %arg14[%swap3A_986, %swap3A_987], %mul3A_983 {strides = array<i32>} : memref<128x64xf32, #tpu.memory_space<vmem>>, vector<16xf32>,
        %mul3A_989 = arith.mulf %get3A_905, %gather3A_857 : vector<16xf32>
        %add3A_990 = arith.constant 2 : i32
        %add3A_991 = arith.addi %mul3A_846, %add3A_990 : i32
        %swap3A_992 = arith.index_cast %add3A_991 : i32 to index
        %swap3A_993 = arith.constant 0 : index
        %swap3A_994 = tpu.vector_load %arg14[%swap3A_992, %swap3A_993] {strides = array<i32>} : memref<128x64xf32, #tpu.memory_space<vmem>>, vector<16xf32>,
        tpu.vector_store %arg14[%swap3A_992, %swap3A_993], %mul3A_989 {strides = array<i32>} : memref<128x64xf32, #tpu.memory_space<vmem>>, vector<16xf32>,
        %mul3A_995 = arith.mulf %get3A_910, %gather3A_857 : vector<16xf32>
        %add3A_996 = arith.constant 2 : i32
        %add3A_997 = arith.addi %mul3A_846, %add3A_996 : i32
        %swap3A_998 = arith.index_cast %add3A_997 : i32 to index
        %swap3A_999 = arith.constant 16 : index
        %swap3A_1000 = tpu.vector_load %arg14[%swap3A_998, %swap3A_999] {strides = array<i32>} : memref<128x64xf32, #tpu.memory_space<vmem>>, vector<16xf32>,
        tpu.vector_store %arg14[%swap3A_998, %swap3A_999], %mul3A_995 {strides = array<i32>} : memref<128x64xf32, #tpu.memory_space<vmem>>, vector<16xf32>,
        %mul3A_1001 = arith.mulf %get3A_915, %gather3A_857 : vector<16xf32>
        %add3A_1002 = arith.constant 2 : i32
        %add3A_1003 = arith.addi %mul3A_846, %add3A_1002 : i32
        %swap3A_1004 = arith.index_cast %add3A_1003 : i32 to index
        %swap3A_1005 = arith.constant 32 : index
        %swap3A_1006 = tpu.vector_load %arg14[%swap3A_1004, %swap3A_1005] {strides = array<i32>} : memref<128x64xf32, #tpu.memory_space<vmem>>, vector<16xf32>,
        tpu.vector_store %arg14[%swap3A_1004, %swap3A_1005], %mul3A_1001 {strides = array<i32>} : memref<128x64xf32, #tpu.memory_space<vmem>>, vector<16xf32>,
        %mul3A_1007 = arith.mulf %get3A_920, %gather3A_857 : vector<16xf32>
        %add3A_1008 = arith.constant 2 : i32
        %add3A_1009 = arith.addi %mul3A_846, %add3A_1008 : i32
        %swap3A_1010 = arith.index_cast %add3A_1009 : i32 to index
        %swap3A_1011 = arith.constant 48 : index
        %swap3A_1012 = tpu.vector_load %arg14[%swap3A_1010, %swap3A_1011] {strides = array<i32>} : memref<128x64xf32, #tpu.memory_space<vmem>>, vector<16xf32>,
        tpu.vector_store %arg14[%swap3A_1010, %swap3A_1011], %mul3A_1007 {strides = array<i32>} : memref<128x64xf32, #tpu.memory_space<vmem>>, vector<16xf32>,
        %mul3A_1013 = arith.mulf %get3A_925, %gather3A_861 : vector<16xf32>
        %add3A_1014 = arith.constant 3 : i32
        %add3A_1015 = arith.addi %mul3A_846, %add3A_1014 : i32
        %swap3A_1016 = arith.index_cast %add3A_1015 : i32 to index
        %swap3A_1017 = arith.constant 0 : index
        %swap3A_1018 = tpu.vector_load %arg14[%swap3A_1016, %swap3A_1017] {strides = array<i32>} : memref<128x64xf32, #tpu.memory_space<vmem>>, vector<16xf32>,
        tpu.vector_store %arg14[%swap3A_1016, %swap3A_1017], %mul3A_1013 {strides = array<i32>} : memref<128x64xf32, #tpu.memory_space<vmem>>, vector<16xf32>,
        %mul3A_1019 = arith.mulf %get3A_930, %gather3A_861 : vector<16xf32>
        %add3A_1020 = arith.constant 3 : i32
        %add3A_1021 = arith.addi %mul3A_846, %add3A_1020 : i32
        %swap3A_1022 = arith.index_cast %add3A_1021 : i32 to index
        %swap3A_1023 = arith.constant 16 : index
        %swap3A_1024 = tpu.vector_load %arg14[%swap3A_1022, %swap3A_1023] {strides = array<i32>} : memref<128x64xf32, #tpu.memory_space<vmem>>, vector<16xf32>,
        tpu.vector_store %arg14[%swap3A_1022, %swap3A_1023], %mul3A_1019 {strides = array<i32>} : memref<128x64xf32, #tpu.memory_space<vmem>>, vector<16xf32>,
        %mul3A_1025 = arith.mulf %get3A_935, %gather3A_861 : vector<16xf32>
        %add3A_1026 = arith.constant 3 : i32
        %add3A_1027 = arith.addi %mul3A_846, %add3A_1026 : i32
        %swap3A_1028 = arith.index_cast %add3A_1027 : i32 to index
        %swap3A_1029 = arith.constant 32 : index
        %swap3A_1030 = tpu.vector_load %arg14[%swap3A_1028, %swap3A_1029] {strides = array<i32>} : memref<128x64xf32, #tpu.memory_space<vmem>>, vector<16xf32>,
        tpu.vector_store %arg14[%swap3A_1028, %swap3A_1029], %mul3A_1025 {strides = array<i32>} : memref<128x64xf32, #tpu.memory_space<vmem>>, vector<16xf32>,
        %mul3A_1031 = arith.mulf %get3A_940, %gather3A_861 : vector<16xf32>
        %add3A_1032 = arith.constant 3 : i32
        %add3A_1033 = arith.addi %mul3A_846, %add3A_1032 : i32
        %swap3A_1034 = arith.index_cast %add3A_1033 : i32 to index
        %swap3A_1035 = arith.constant 48 : index
        %swap3A_1036 = tpu.vector_load %arg14[%swap3A_1034, %swap3A_1035] {strides = array<i32>} : memref<128x64xf32, #tpu.memory_space<vmem>>, vector<16xf32>,
        tpu.vector_store %arg14[%swap3A_1034, %swap3A_1035], %mul3A_1031 {strides = array<i32>} : memref<128x64xf32, #tpu.memory_space<vmem>>, vector<16xf32>,
        %scan3A_1037 = arith.constant 0 : i32
        scf.yield %scan3A_1037 : i32
      }
      %scan3A_794 = arith.constant 32 : i32
      %dma_start3A_795 = arith.constant 0 : i32
      %dma_start3A_796 = tpu.memref_slice %arg7[%add3A_775, %dma_start3A_795] : memref<42x128xi32, #tpu.memory_space<vmem>> -> memref<1x128xi32, #tpu.memory_space<vmem>>
      %dma_start3A_797 = tpu.memref_squeeze %dma_start3A_796 : memref<1x128xi32, #tpu.memory_space<vmem>> -> memref<128xi32, #tpu.memory_space<vmem>>
      %dma_start3A_798 = arith.constant 0 : i32
      %dma_start3A_799 = arith.constant 0 : i32
      %dma_start3A_800 = tpu.memref_slice %arg17[%dma_start3A_798, %dma_start3A_799] : memref<4096x64xf32, #tpu.memory_space<vmem_shared>> -> memref<4096x64xf32, #tpu.memory_space<vmem_shared>>
      tpu.enqueue_indirect_dma source(%arg14 : memref<128x64xf32, #tpu.memory_space<vmem>>) target(%dma_start3A_800 : memref<4096x64xf32, #tpu.memory_space<vmem_shared>>) offsets(%dma_start3A_797 : memref<128xi32, #tpu.memory_space<vmem>>) semaphore(%arg23 : memref<!tpu.dma_semaphore, #tpu.memory_space<semaphore_mem>>) {add = true}
      %add3A_801 = arith.constant 3 : i32
      %add3A_802 = arith.addi %add3A_775, %add3A_801 : i32
      %lt3A_803 = arith.constant 42 : i32
      %lt3A_804 = arith.cmpi slt, %add3A_802, %lt3A_803 : i32
      %convert_element_type3A_805 = arith.extui %lt3A_804 : i1 to i32
      %cond3A_806 = arith.constant 0 : i32
      %cond3A_807 = arith.cmpi ne, %convert_element_type3A_805, %cond3A_806 : i32
      scf.if %cond3A_807 {
        %add3A_843 = arith.constant 3 : i32
        %add3A_844 = arith.addi %add3A_775, %add3A_843 : i32
        %dma_start3A_845 = arith.constant 0 : i32
        %dma_start3A_846 = tpu.memref_slice %arg8[%add3A_844, %dma_start3A_845] : memref<42x128xi32, #tpu.memory_space<vmem>> -> memref<1x128xi32, #tpu.memory_space<vmem>>
        %dma_start3A_847 = tpu.memref_squeeze %dma_start3A_846 : memref<1x128xi32, #tpu.memory_space<vmem>> -> memref<128xi32, #tpu.memory_space<vmem>>
        %dma_start3A_848 = arith.constant 0 : i32
        %dma_start3A_849 = arith.constant 0 : i32
        %dma_start3A_850 = tpu.memref_slice %arg18[%dma_start3A_848, %dma_start3A_849] : memref<4096x64xf32, #tpu.memory_space<vmem_shared>> -> memref<4096x64xf32, #tpu.memory_space<vmem_shared>>
        tpu.enqueue_indirect_dma source(%dma_start3A_850 : memref<4096x64xf32, #tpu.memory_space<vmem_shared>>) target(%arg11 : memref<128x64xf32, #tpu.memory_space<vmem>>) offsets(%dma_start3A_847 : memref<128xi32, #tpu.memory_space<vmem>>) semaphore(%arg20 : memref<!tpu.dma_semaphore, #tpu.memory_space<semaphore_mem>>)
      } else {
      }
      %add3A_808 = arith.constant 2 : i32
      %add3A_809 = arith.addi %mul3A_745, %add3A_808 : i32
      %dma_wait3A_810 = arith.constant 0 : i32
      %dma_wait3A_811 = tpu.memref_slice %arg8[%add3A_809, %dma_wait3A_810] : memref<42x128xi32, #tpu.memory_space<vmem>> -> memref<1x128xi32, #tpu.memory_space<vmem>>
      %dma_wait3A_812 = tpu.memref_squeeze %dma_wait3A_811 : memref<1x128xi32, #tpu.memory_space<vmem>> -> memref<128xi32, #tpu.memory_space<vmem>>
      %dma_wait3A_813 = arith.constant 0 : i32
      %dma_wait3A_814 = arith.constant 0 : i32
      %dma_wait3A_815 = tpu.memref_slice %arg18[%dma_wait3A_813, %dma_wait3A_814] : memref<4096x64xf32, #tpu.memory_space<vmem_shared>> -> memref<4096x64xf32, #tpu.memory_space<vmem_shared>>
      tpu.wait_indirect_dma semaphore(%arg21 : memref<!tpu.dma_semaphore, #tpu.memory_space<semaphore_mem>>) src(%dma_wait3A_815 : memref<4096x64xf32, #tpu.memory_space<vmem_shared>>) dst(%arg12 : memref<128x64xf32, #tpu.memory_space<vmem>>)
      %ge3A_816 = arith.constant 3 : i32
      %ge3A_817 = arith.cmpi sge, %add3A_809, %ge3A_816 : i32
      %convert_element_type3A_818 = arith.extui %ge3A_817 : i1 to i32
      %cond3A_819 = arith.constant 0 : i32
      %cond3A_820 = arith.cmpi ne, %convert_element_type3A_818, %cond3A_819 : i32
      scf.if %cond3A_820 {
        %sub3A = arith.constant 3 : i32
        %sub3A_843 = arith.subi %add3A_809, %sub3A : i32
        %dma_wait3A_844 = arith.constant 0 : i32
        %dma_wait3A_845 = tpu.memref_slice %arg7[%sub3A_843, %dma_wait3A_844] : memref<42x128xi32, #tpu.memory_space<vmem>> -> memref<1x128xi32, #tpu.memory_space<vmem>>
        %dma_wait3A_846 = tpu.memref_squeeze %dma_wait3A_845 : memref<1x128xi32, #tpu.memory_space<vmem>> -> memref<128xi32, #tpu.memory_space<vmem>>
        %dma_wait3A_847 = arith.constant 0 : i32
        %dma_wait3A_848 = arith.constant 0 : i32
        %dma_wait3A_849 = tpu.memref_slice %arg17[%dma_wait3A_847, %dma_wait3A_848] : memref<4096x64xf32, #tpu.memory_space<vmem_shared>> -> memref<4096x64xf32, #tpu.memory_space<vmem_shared>>
        tpu.wait_indirect_dma semaphore(%arg24 : memref<!tpu.dma_semaphore, #tpu.memory_space<semaphore_mem>>) src(%arg15 : memref<128x64xf32, #tpu.memory_space<vmem>>) dst(%dma_wait3A_849 : memref<4096x64xf32, #tpu.memory_space<vmem_shared>>)
      } else {
      }
      %broadcast_in_dim3A_821 = vector.broadcast %add3A_809 : i32 to vector<16xi32>
      %scan3A_822 = arith.constant 0 : i32
      %scan3A_823 = arith.constant 0 : i32
      %scan3A_824 = arith.constant 32 : i32
      %scan3A_825 = arith.addi %scan3A_823, %scan3A_824 : i32
      %scan3A_826 = arith.constant 1 : i32
      %scan3A_827 = scf.for %scan3A_843 = %scan3A_823 to %scan3A_825 step %scan3A_826 iter_args(%scan3A_844 = %scan3A_822) -> (i32)  : i32 {
        %mul3A_845 = arith.constant 4 : i32
        %mul3A_846 = arith.muli %scan3A_843, %mul3A_845 : i32
        %add3A_847 = arith.constant 0 : i32
        %add3A_848 = arith.addi %mul3A_846, %add3A_847 : i32
        %broadcast_in_dim3A_849 = vector.broadcast %add3A_848 : i32 to vector<16xi32>
        %gather3A = tpu.vector_load_idx %arg9[%broadcast_in_dim3A_821, %broadcast_in_dim3A_849] : memref<42x128xf32, #tpu.memory_space<vmem>>[vector<16xi32>, vector<16xi32>], vector<16xf32>,
        %add3A_850 = arith.constant 1 : i32
        %add3A_851 = arith.addi %mul3A_846, %add3A_850 : i32
        %broadcast_in_dim3A_852 = vector.broadcast %add3A_851 : i32 to vector<16xi32>
        %gather3A_853 = tpu.vector_load_idx %arg9[%broadcast_in_dim3A_821, %broadcast_in_dim3A_852] : memref<42x128xf32, #tpu.memory_space<vmem>>[vector<16xi32>, vector<16xi32>], vector<16xf32>,
        %add3A_854 = arith.constant 2 : i32
        %add3A_855 = arith.addi %mul3A_846, %add3A_854 : i32
        %broadcast_in_dim3A_856 = vector.broadcast %add3A_855 : i32 to vector<16xi32>
        %gather3A_857 = tpu.vector_load_idx %arg9[%broadcast_in_dim3A_821, %broadcast_in_dim3A_856] : memref<42x128xf32, #tpu.memory_space<vmem>>[vector<16xi32>, vector<16xi32>], vector<16xf32>,
        %add3A_858 = arith.constant 3 : i32
        %add3A_859 = arith.addi %mul3A_846, %add3A_858 : i32
        %broadcast_in_dim3A_860 = vector.broadcast %add3A_859 : i32 to vector<16xi32>
        %gather3A_861 = tpu.vector_load_idx %arg9[%broadcast_in_dim3A_821, %broadcast_in_dim3A_860] : memref<42x128xf32, #tpu.memory_space<vmem>>[vector<16xi32>, vector<16xi32>], vector<16xf32>,
        %add3A_862 = arith.constant 0 : i32
        %add3A_863 = arith.addi %mul3A_846, %add3A_862 : i32
        %get3A = arith.index_cast %add3A_863 : i32 to index
        %get3A_864 = arith.constant 0 : index
        %get3A_865 = tpu.vector_load %arg12[%get3A, %get3A_864] {strides = array<i32>} : memref<128x64xf32, #tpu.memory_space<vmem>>, vector<16xf32>,
        %add3A_866 = arith.constant 0 : i32
        %add3A_867 = arith.addi %mul3A_846, %add3A_866 : i32
        %get3A_868 = arith.index_cast %add3A_867 : i32 to index
        %get3A_869 = arith.constant 16 : index
        %get3A_870 = tpu.vector_load %arg12[%get3A_868, %get3A_869] {strides = array<i32>} : memref<128x64xf32, #tpu.memory_space<vmem>>, vector<16xf32>,
        %add3A_871 = arith.constant 0 : i32
        %add3A_872 = arith.addi %mul3A_846, %add3A_871 : i32
        %get3A_873 = arith.index_cast %add3A_872 : i32 to index
        %get3A_874 = arith.constant 32 : index
        %get3A_875 = tpu.vector_load %arg12[%get3A_873, %get3A_874] {strides = array<i32>} : memref<128x64xf32, #tpu.memory_space<vmem>>, vector<16xf32>,
        %add3A_876 = arith.constant 0 : i32
        %add3A_877 = arith.addi %mul3A_846, %add3A_876 : i32
        %get3A_878 = arith.index_cast %add3A_877 : i32 to index
        %get3A_879 = arith.constant 48 : index
        %get3A_880 = tpu.vector_load %arg12[%get3A_878, %get3A_879] {strides = array<i32>} : memref<128x64xf32, #tpu.memory_space<vmem>>, vector<16xf32>,
        %add3A_881 = arith.constant 1 : i32
        %add3A_882 = arith.addi %mul3A_846, %add3A_881 : i32
        %get3A_883 = arith.index_cast %add3A_882 : i32 to index
        %get3A_884 = arith.constant 0 : index
        %get3A_885 = tpu.vector_load %arg12[%get3A_883, %get3A_884] {strides = array<i32>} : memref<128x64xf32, #tpu.memory_space<vmem>>, vector<16xf32>,
        %add3A_886 = arith.constant 1 : i32
        %add3A_887 = arith.addi %mul3A_846, %add3A_886 : i32
        %get3A_888 = arith.index_cast %add3A_887 : i32 to index
        %get3A_889 = arith.constant 16 : index
        %get3A_890 = tpu.vector_load %arg12[%get3A_888, %get3A_889] {strides = array<i32>} : memref<128x64xf32, #tpu.memory_space<vmem>>, vector<16xf32>,
        %add3A_891 = arith.constant 1 : i32
        %add3A_892 = arith.addi %mul3A_846, %add3A_891 : i32
        %get3A_893 = arith.index_cast %add3A_892 : i32 to index
        %get3A_894 = arith.constant 32 : index
        %get3A_895 = tpu.vector_load %arg12[%get3A_893, %get3A_894] {strides = array<i32>} : memref<128x64xf32, #tpu.memory_space<vmem>>, vector<16xf32>,
        %add3A_896 = arith.constant 1 : i32
        %add3A_897 = arith.addi %mul3A_846, %add3A_896 : i32
        %get3A_898 = arith.index_cast %add3A_897 : i32 to index
        %get3A_899 = arith.constant 48 : index
        %get3A_900 = tpu.vector_load %arg12[%get3A_898, %get3A_899] {strides = array<i32>} : memref<128x64xf32, #tpu.memory_space<vmem>>, vector<16xf32>,
        %add3A_901 = arith.constant 2 : i32
        %add3A_902 = arith.addi %mul3A_846, %add3A_901 : i32
        %get3A_903 = arith.index_cast %add3A_902 : i32 to index
        %get3A_904 = arith.constant 0 : index
        %get3A_905 = tpu.vector_load %arg12[%get3A_903, %get3A_904] {strides = array<i32>} : memref<128x64xf32, #tpu.memory_space<vmem>>, vector<16xf32>,
        %add3A_906 = arith.constant 2 : i32
        %add3A_907 = arith.addi %mul3A_846, %add3A_906 : i32
        %get3A_908 = arith.index_cast %add3A_907 : i32 to index
        %get3A_909 = arith.constant 16 : index
        %get3A_910 = tpu.vector_load %arg12[%get3A_908, %get3A_909] {strides = array<i32>} : memref<128x64xf32, #tpu.memory_space<vmem>>, vector<16xf32>,
        %add3A_911 = arith.constant 2 : i32
        %add3A_912 = arith.addi %mul3A_846, %add3A_911 : i32
        %get3A_913 = arith.index_cast %add3A_912 : i32 to index
        %get3A_914 = arith.constant 32 : index
        %get3A_915 = tpu.vector_load %arg12[%get3A_913, %get3A_914] {strides = array<i32>} : memref<128x64xf32, #tpu.memory_space<vmem>>, vector<16xf32>,
        %add3A_916 = arith.constant 2 : i32
        %add3A_917 = arith.addi %mul3A_846, %add3A_916 : i32
        %get3A_918 = arith.index_cast %add3A_917 : i32 to index
        %get3A_919 = arith.constant 48 : index
        %get3A_920 = tpu.vector_load %arg12[%get3A_918, %get3A_919] {strides = array<i32>} : memref<128x64xf32, #tpu.memory_space<vmem>>, vector<16xf32>,
        %add3A_921 = arith.constant 3 : i32
        %add3A_922 = arith.addi %mul3A_846, %add3A_921 : i32
        %get3A_923 = arith.index_cast %add3A_922 : i32 to index
        %get3A_924 = arith.constant 0 : index
        %get3A_925 = tpu.vector_load %arg12[%get3A_923, %get3A_924] {strides = array<i32>} : memref<128x64xf32, #tpu.memory_space<vmem>>, vector<16xf32>,
        %add3A_926 = arith.constant 3 : i32
        %add3A_927 = arith.addi %mul3A_846, %add3A_926 : i32
        %get3A_928 = arith.index_cast %add3A_927 : i32 to index
        %get3A_929 = arith.constant 16 : index
        %get3A_930 = tpu.vector_load %arg12[%get3A_928, %get3A_929] {strides = array<i32>} : memref<128x64xf32, #tpu.memory_space<vmem>>, vector<16xf32>,
        %add3A_931 = arith.constant 3 : i32
        %add3A_932 = arith.addi %mul3A_846, %add3A_931 : i32
        %get3A_933 = arith.index_cast %add3A_932 : i32 to index
        %get3A_934 = arith.constant 32 : index
        %get3A_935 = tpu.vector_load %arg12[%get3A_933, %get3A_934] {strides = array<i32>} : memref<128x64xf32, #tpu.memory_space<vmem>>, vector<16xf32>,
        %add3A_936 = arith.constant 3 : i32
        %add3A_937 = arith.addi %mul3A_846, %add3A_936 : i32
        %get3A_938 = arith.index_cast %add3A_937 : i32 to index
        %get3A_939 = arith.constant 48 : index
        %get3A_940 = tpu.vector_load %arg12[%get3A_938, %get3A_939] {strides = array<i32>} : memref<128x64xf32, #tpu.memory_space<vmem>>, vector<16xf32>,
        %mul3A_941 = arith.mulf %get3A_865, %gather3A : vector<16xf32>
        %add3A_942 = arith.constant 0 : i32
        %add3A_943 = arith.addi %mul3A_846, %add3A_942 : i32
        %swap3A_944 = arith.index_cast %add3A_943 : i32 to index
        %swap3A_945 = arith.constant 0 : index
        %swap3A_946 = tpu.vector_load %arg15[%swap3A_944, %swap3A_945] {strides = array<i32>} : memref<128x64xf32, #tpu.memory_space<vmem>>, vector<16xf32>,
        tpu.vector_store %arg15[%swap3A_944, %swap3A_945], %mul3A_941 {strides = array<i32>} : memref<128x64xf32, #tpu.memory_space<vmem>>, vector<16xf32>,
        %mul3A_947 = arith.mulf %get3A_870, %gather3A : vector<16xf32>
        %add3A_948 = arith.constant 0 : i32
        %add3A_949 = arith.addi %mul3A_846, %add3A_948 : i32
        %swap3A_950 = arith.index_cast %add3A_949 : i32 to index
        %swap3A_951 = arith.constant 16 : index
        %swap3A_952 = tpu.vector_load %arg15[%swap3A_950, %swap3A_951] {strides = array<i32>} : memref<128x64xf32, #tpu.memory_space<vmem>>, vector<16xf32>,
        tpu.vector_store %arg15[%swap3A_950, %swap3A_951], %mul3A_947 {strides = array<i32>} : memref<128x64xf32, #tpu.memory_space<vmem>>, vector<16xf32>,
        %mul3A_953 = arith.mulf %get3A_875, %gather3A : vector<16xf32>
        %add3A_954 = arith.constant 0 : i32
        %add3A_955 = arith.addi %mul3A_846, %add3A_954 : i32
        %swap3A_956 = arith.index_cast %add3A_955 : i32 to index
        %swap3A_957 = arith.constant 32 : index
        %swap3A_958 = tpu.vector_load %arg15[%swap3A_956, %swap3A_957] {strides = array<i32>} : memref<128x64xf32, #tpu.memory_space<vmem>>, vector<16xf32>,
        tpu.vector_store %arg15[%swap3A_956, %swap3A_957], %mul3A_953 {strides = array<i32>} : memref<128x64xf32, #tpu.memory_space<vmem>>, vector<16xf32>,
        %mul3A_959 = arith.mulf %get3A_880, %gather3A : vector<16xf32>
        %add3A_960 = arith.constant 0 : i32
        %add3A_961 = arith.addi %mul3A_846, %add3A_960 : i32
        %swap3A_962 = arith.index_cast %add3A_961 : i32 to index
        %swap3A_963 = arith.constant 48 : index
        %swap3A_964 = tpu.vector_load %arg15[%swap3A_962, %swap3A_963] {strides = array<i32>} : memref<128x64xf32, #tpu.memory_space<vmem>>, vector<16xf32>,
        tpu.vector_store %arg15[%swap3A_962, %swap3A_963], %mul3A_959 {strides = array<i32>} : memref<128x64xf32, #tpu.memory_space<vmem>>, vector<16xf32>,
        %mul3A_965 = arith.mulf %get3A_885, %gather3A_853 : vector<16xf32>
        %add3A_966 = arith.constant 1 : i32
        %add3A_967 = arith.addi %mul3A_846, %add3A_966 : i32
        %swap3A_968 = arith.index_cast %add3A_967 : i32 to index
        %swap3A_969 = arith.constant 0 : index
        %swap3A_970 = tpu.vector_load %arg15[%swap3A_968, %swap3A_969] {strides = array<i32>} : memref<128x64xf32, #tpu.memory_space<vmem>>, vector<16xf32>,
        tpu.vector_store %arg15[%swap3A_968, %swap3A_969], %mul3A_965 {strides = array<i32>} : memref<128x64xf32, #tpu.memory_space<vmem>>, vector<16xf32>,
        %mul3A_971 = arith.mulf %get3A_890, %gather3A_853 : vector<16xf32>
        %add3A_972 = arith.constant 1 : i32
        %add3A_973 = arith.addi %mul3A_846, %add3A_972 : i32
        %swap3A_974 = arith.index_cast %add3A_973 : i32 to index
        %swap3A_975 = arith.constant 16 : index
        %swap3A_976 = tpu.vector_load %arg15[%swap3A_974, %swap3A_975] {strides = array<i32>} : memref<128x64xf32, #tpu.memory_space<vmem>>, vector<16xf32>,
        tpu.vector_store %arg15[%swap3A_974, %swap3A_975], %mul3A_971 {strides = array<i32>} : memref<128x64xf32, #tpu.memory_space<vmem>>, vector<16xf32>,
        %mul3A_977 = arith.mulf %get3A_895, %gather3A_853 : vector<16xf32>
        %add3A_978 = arith.constant 1 : i32
        %add3A_979 = arith.addi %mul3A_846, %add3A_978 : i32
        %swap3A_980 = arith.index_cast %add3A_979 : i32 to index
        %swap3A_981 = arith.constant 32 : index
        %swap3A_982 = tpu.vector_load %arg15[%swap3A_980, %swap3A_981] {strides = array<i32>} : memref<128x64xf32, #tpu.memory_space<vmem>>, vector<16xf32>,
        tpu.vector_store %arg15[%swap3A_980, %swap3A_981], %mul3A_977 {strides = array<i32>} : memref<128x64xf32, #tpu.memory_space<vmem>>, vector<16xf32>,
        %mul3A_983 = arith.mulf %get3A_900, %gather3A_853 : vector<16xf32>
        %add3A_984 = arith.constant 1 : i32
        %add3A_985 = arith.addi %mul3A_846, %add3A_984 : i32
        %swap3A_986 = arith.index_cast %add3A_985 : i32 to index
        %swap3A_987 = arith.constant 48 : index
        %swap3A_988 = tpu.vector_load %arg15[%swap3A_986, %swap3A_987] {strides = array<i32>} : memref<128x64xf32, #tpu.memory_space<vmem>>, vector<16xf32>,
        tpu.vector_store %arg15[%swap3A_986, %swap3A_987], %mul3A_983 {strides = array<i32>} : memref<128x64xf32, #tpu.memory_space<vmem>>, vector<16xf32>,
        %mul3A_989 = arith.mulf %get3A_905, %gather3A_857 : vector<16xf32>
        %add3A_990 = arith.constant 2 : i32
        %add3A_991 = arith.addi %mul3A_846, %add3A_990 : i32
        %swap3A_992 = arith.index_cast %add3A_991 : i32 to index
        %swap3A_993 = arith.constant 0 : index
        %swap3A_994 = tpu.vector_load %arg15[%swap3A_992, %swap3A_993] {strides = array<i32>} : memref<128x64xf32, #tpu.memory_space<vmem>>, vector<16xf32>,
        tpu.vector_store %arg15[%swap3A_992, %swap3A_993], %mul3A_989 {strides = array<i32>} : memref<128x64xf32, #tpu.memory_space<vmem>>, vector<16xf32>,
        %mul3A_995 = arith.mulf %get3A_910, %gather3A_857 : vector<16xf32>
        %add3A_996 = arith.constant 2 : i32
        %add3A_997 = arith.addi %mul3A_846, %add3A_996 : i32
        %swap3A_998 = arith.index_cast %add3A_997 : i32 to index
        %swap3A_999 = arith.constant 16 : index
        %swap3A_1000 = tpu.vector_load %arg15[%swap3A_998, %swap3A_999] {strides = array<i32>} : memref<128x64xf32, #tpu.memory_space<vmem>>, vector<16xf32>,
        tpu.vector_store %arg15[%swap3A_998, %swap3A_999], %mul3A_995 {strides = array<i32>} : memref<128x64xf32, #tpu.memory_space<vmem>>, vector<16xf32>,
        %mul3A_1001 = arith.mulf %get3A_915, %gather3A_857 : vector<16xf32>
        %add3A_1002 = arith.constant 2 : i32
        %add3A_1003 = arith.addi %mul3A_846, %add3A_1002 : i32
        %swap3A_1004 = arith.index_cast %add3A_1003 : i32 to index
        %swap3A_1005 = arith.constant 32 : index
        %swap3A_1006 = tpu.vector_load %arg15[%swap3A_1004, %swap3A_1005] {strides = array<i32>} : memref<128x64xf32, #tpu.memory_space<vmem>>, vector<16xf32>,
        tpu.vector_store %arg15[%swap3A_1004, %swap3A_1005], %mul3A_1001 {strides = array<i32>} : memref<128x64xf32, #tpu.memory_space<vmem>>, vector<16xf32>,
        %mul3A_1007 = arith.mulf %get3A_920, %gather3A_857 : vector<16xf32>
        %add3A_1008 = arith.constant 2 : i32
        %add3A_1009 = arith.addi %mul3A_846, %add3A_1008 : i32
        %swap3A_1010 = arith.index_cast %add3A_1009 : i32 to index
        %swap3A_1011 = arith.constant 48 : index
        %swap3A_1012 = tpu.vector_load %arg15[%swap3A_1010, %swap3A_1011] {strides = array<i32>} : memref<128x64xf32, #tpu.memory_space<vmem>>, vector<16xf32>,
        tpu.vector_store %arg15[%swap3A_1010, %swap3A_1011], %mul3A_1007 {strides = array<i32>} : memref<128x64xf32, #tpu.memory_space<vmem>>, vector<16xf32>,
        %mul3A_1013 = arith.mulf %get3A_925, %gather3A_861 : vector<16xf32>
        %add3A_1014 = arith.constant 3 : i32
        %add3A_1015 = arith.addi %mul3A_846, %add3A_1014 : i32
        %swap3A_1016 = arith.index_cast %add3A_1015 : i32 to index
        %swap3A_1017 = arith.constant 0 : index
        %swap3A_1018 = tpu.vector_load %arg15[%swap3A_1016, %swap3A_1017] {strides = array<i32>} : memref<128x64xf32, #tpu.memory_space<vmem>>, vector<16xf32>,
        tpu.vector_store %arg15[%swap3A_1016, %swap3A_1017], %mul3A_1013 {strides = array<i32>} : memref<128x64xf32, #tpu.memory_space<vmem>>, vector<16xf32>,
        %mul3A_1019 = arith.mulf %get3A_930, %gather3A_861 : vector<16xf32>
        %add3A_1020 = arith.constant 3 : i32
        %add3A_1021 = arith.addi %mul3A_846, %add3A_1020 : i32
        %swap3A_1022 = arith.index_cast %add3A_1021 : i32 to index
        %swap3A_1023 = arith.constant 16 : index
        %swap3A_1024 = tpu.vector_load %arg15[%swap3A_1022, %swap3A_1023] {strides = array<i32>} : memref<128x64xf32, #tpu.memory_space<vmem>>, vector<16xf32>,
        tpu.vector_store %arg15[%swap3A_1022, %swap3A_1023], %mul3A_1019 {strides = array<i32>} : memref<128x64xf32, #tpu.memory_space<vmem>>, vector<16xf32>,
        %mul3A_1025 = arith.mulf %get3A_935, %gather3A_861 : vector<16xf32>
        %add3A_1026 = arith.constant 3 : i32
        %add3A_1027 = arith.addi %mul3A_846, %add3A_1026 : i32
        %swap3A_1028 = arith.index_cast %add3A_1027 : i32 to index
        %swap3A_1029 = arith.constant 32 : index
        %swap3A_1030 = tpu.vector_load %arg15[%swap3A_1028, %swap3A_1029] {strides = array<i32>} : memref<128x64xf32, #tpu.memory_space<vmem>>, vector<16xf32>,
        tpu.vector_store %arg15[%swap3A_1028, %swap3A_1029], %mul3A_1025 {strides = array<i32>} : memref<128x64xf32, #tpu.memory_space<vmem>>, vector<16xf32>,
        %mul3A_1031 = arith.mulf %get3A_940, %gather3A_861 : vector<16xf32>
        %add3A_1032 = arith.constant 3 : i32
        %add3A_1033 = arith.addi %mul3A_846, %add3A_1032 : i32
        %swap3A_1034 = arith.index_cast %add3A_1033 : i32 to index
        %swap3A_1035 = arith.constant 48 : index
        %swap3A_1036 = tpu.vector_load %arg15[%swap3A_1034, %swap3A_1035] {strides = array<i32>} : memref<128x64xf32, #tpu.memory_space<vmem>>, vector<16xf32>,
        tpu.vector_store %arg15[%swap3A_1034, %swap3A_1035], %mul3A_1031 {strides = array<i32>} : memref<128x64xf32, #tpu.memory_space<vmem>>, vector<16xf32>,
        %scan3A_1037 = arith.constant 0 : i32
        scf.yield %scan3A_1037 : i32
      }
      %scan3A_828 = arith.constant 32 : i32
      %dma_start3A_829 = arith.constant 0 : i32
      %dma_start3A_830 = tpu.memref_slice %arg7[%add3A_809, %dma_start3A_829] : memref<42x128xi32, #tpu.memory_space<vmem>> -> memref<1x128xi32, #tpu.memory_space<vmem>>
      %dma_start3A_831 = tpu.memref_squeeze %dma_start3A_830 : memref<1x128xi32, #tpu.memory_space<vmem>> -> memref<128xi32, #tpu.memory_space<vmem>>
      %dma_start3A_832 = arith.constant 0 : i32
      %dma_start3A_833 = arith.constant 0 : i32
      %dma_start3A_834 = tpu.memref_slice %arg17[%dma_start3A_832, %dma_start3A_833] : memref<4096x64xf32, #tpu.memory_space<vmem_shared>> -> memref<4096x64xf32, #tpu.memory_space<vmem_shared>>
      tpu.enqueue_indirect_dma source(%arg15 : memref<128x64xf32, #tpu.memory_space<vmem>>) target(%dma_start3A_834 : memref<4096x64xf32, #tpu.memory_space<vmem_shared>>) offsets(%dma_start3A_831 : memref<128xi32, #tpu.memory_space<vmem>>) semaphore(%arg24 : memref<!tpu.dma_semaphore, #tpu.memory_space<semaphore_mem>>) {add = true}
      %add3A_835 = arith.constant 3 : i32
      %add3A_836 = arith.addi %add3A_809, %add3A_835 : i32
      %lt3A_837 = arith.constant 42 : i32
      %lt3A_838 = arith.cmpi slt, %add3A_836, %lt3A_837 : i32
      %convert_element_type3A_839 = arith.extui %lt3A_838 : i1 to i32
      %cond3A_840 = arith.constant 0 : i32
      %cond3A_841 = arith.cmpi ne, %convert_element_type3A_839, %cond3A_840 : i32
      scf.if %cond3A_841 {
        %add3A_843 = arith.constant 3 : i32
        %add3A_844 = arith.addi %add3A_809, %add3A_843 : i32
        %dma_start3A_845 = arith.constant 0 : i32
        %dma_start3A_846 = tpu.memref_slice %arg8[%add3A_844, %dma_start3A_845] : memref<42x128xi32, #tpu.memory_space<vmem>> -> memref<1x128xi32, #tpu.memory_space<vmem>>
        %dma_start3A_847 = tpu.memref_squeeze %dma_start3A_846 : memref<1x128xi32, #tpu.memory_space<vmem>> -> memref<128xi32, #tpu.memory_space<vmem>>
        %dma_start3A_848 = arith.constant 0 : i32
        %dma_start3A_849 = arith.constant 0 : i32
        %dma_start3A_850 = tpu.memref_slice %arg18[%dma_start3A_848, %dma_start3A_849] : memref<4096x64xf32, #tpu.memory_space<vmem_shared>> -> memref<4096x64xf32, #tpu.memory_space<vmem_shared>>
        tpu.enqueue_indirect_dma source(%dma_start3A_850 : memref<4096x64xf32, #tpu.memory_space<vmem_shared>>) target(%arg12 : memref<128x64xf32, #tpu.memory_space<vmem>>) offsets(%dma_start3A_847 : memref<128xi32, #tpu.memory_space<vmem>>) semaphore(%arg21 : memref<!tpu.dma_semaphore, #tpu.memory_space<semaphore_mem>>)
      } else {
      }
      %scan3A_842 = arith.constant 0 : i32
      scf.yield %scan3A_842 : i32
    }
    %scan3A_715 = arith.constant 14 : i32
    %dma_wait3A_716 = arith.constant 39 : i32
    %dma_wait3A_717 = arith.constant 0 : i32
    %dma_wait3A_718 = tpu.memref_slice %arg7[%dma_wait3A_716, %dma_wait3A_717] : memref<42x128xi32, #tpu.memory_space<vmem>> -> memref<1x128xi32, #tpu.memory_space<vmem>>
    %dma_wait3A_719 = tpu.memref_squeeze %dma_wait3A_718 : memref<1x128xi32, #tpu.memory_space<vmem>> -> memref<128xi32, #tpu.memory_space<vmem>>
    %dma_wait3A_720 = arith.constant 0 : i32
    %dma_wait3A_721 = arith.constant 0 : i32
    %dma_wait3A_722 = tpu.memref_slice %arg17[%dma_wait3A_720, %dma_wait3A_721] : memref<4096x64xf32, #tpu.memory_space<vmem_shared>> -> memref<4096x64xf32, #tpu.memory_space<vmem_shared>>
    tpu.wait_indirect_dma semaphore(%arg22 : memref<!tpu.dma_semaphore, #tpu.memory_space<semaphore_mem>>) src(%arg13 : memref<128x64xf32, #tpu.memory_space<vmem>>) dst(%dma_wait3A_722 : memref<4096x64xf32, #tpu.memory_space<vmem_shared>>)
    %dma_wait3A_723 = arith.constant 40 : i32
    %dma_wait3A_724 = arith.constant 0 : i32
    %dma_wait3A_725 = tpu.memref_slice %arg7[%dma_wait3A_723, %dma_wait3A_724] : memref<42x128xi32, #tpu.memory_space<vmem>> -> memref<1x128xi32, #tpu.memory_space<vmem>>
    %dma_wait3A_726 = tpu.memref_squeeze %dma_wait3A_725 : memref<1x128xi32, #tpu.memory_space<vmem>> -> memref<128xi32, #tpu.memory_space<vmem>>
    %dma_wait3A_727 = arith.constant 0 : i32
    %dma_wait3A_728 = arith.constant 0 : i32
    %dma_wait3A_729 = tpu.memref_slice %arg17[%dma_wait3A_727, %dma_wait3A_728] : memref<4096x64xf32, #tpu.memory_space<vmem_shared>> -> memref<4096x64xf32, #tpu.memory_space<vmem_shared>>
    tpu.wait_indirect_dma semaphore(%arg23 : memref<!tpu.dma_semaphore, #tpu.memory_space<semaphore_mem>>) src(%arg14 : memref<128x64xf32, #tpu.memory_space<vmem>>) dst(%dma_wait3A_729 : memref<4096x64xf32, #tpu.memory_space<vmem_shared>>)
    %dma_wait3A_730 = arith.constant 41 : i32
    %dma_wait3A_731 = arith.constant 0 : i32
    %dma_wait3A_732 = tpu.memref_slice %arg7[%dma_wait3A_730, %dma_wait3A_731] : memref<42x128xi32, #tpu.memory_space<vmem>> -> memref<1x128xi32, #tpu.memory_space<vmem>>
    %dma_wait3A_733 = tpu.memref_squeeze %dma_wait3A_732 : memref<1x128xi32, #tpu.memory_space<vmem>> -> memref<128xi32, #tpu.memory_space<vmem>>
    %dma_wait3A_734 = arith.constant 0 : i32
    %dma_wait3A_735 = arith.constant 0 : i32
    %dma_wait3A_736 = tpu.memref_slice %arg17[%dma_wait3A_734, %dma_wait3A_735] : memref<4096x64xf32, #tpu.memory_space<vmem_shared>> -> memref<4096x64xf32, #tpu.memory_space<vmem_shared>>
    tpu.wait_indirect_dma semaphore(%arg24 : memref<!tpu.dma_semaphore, #tpu.memory_space<semaphore_mem>>) src(%arg15 : memref<128x64xf32, #tpu.memory_space<vmem>>) dst(%dma_wait3A_736 : memref<4096x64xf32, #tpu.memory_space<vmem_shared>>)
    %barrier3A_737 = arith.constant 0 : index
    tpu.barrier barrier_id(%barrier3A_737)
    %mul3A_738 = arith.constant 256 : i32
    %mul3A_739 = arith.muli %arg1, %mul3A_738 : i32
    %mul3A_740 = arith.constant 256 : i32
    %mul3A_741 = arith.muli %arg1, %mul3A_740 : i32
    "tpu.region"() ({
      %run_scoped3A = tpu.sem_alloc : memref<!tpu.dma_semaphore, #tpu.memory_space<semaphore_mem>>
      %dma_start3A_742 = arith.constant 0 : i32
      %dma_start3A_743 = tpu.memref_slice %arg6[%arg0, %mul3A_741, %dma_start3A_742] : memref<2x4096x64xf32, #tpu.memory_space<hbm>> -> memref<1x256x64xf32, #tpu.memory_space<hbm>>
      %dma_start3A_744 = tpu.memref_squeeze %dma_start3A_743 : memref<1x256x64xf32, #tpu.memory_space<hbm>> -> memref<256x64xf32, #tpu.memory_space<hbm>>
      %dma_start3A_745 = arith.constant 0 : i32
      %dma_start3A_746 = tpu.memref_slice %arg17[%mul3A_739, %dma_start3A_745] : memref<4096x64xf32, #tpu.memory_space<vmem_shared>> -> memref<256x64xf32, #tpu.memory_space<vmem_shared>>
      tpu.enqueue_dma source(%dma_start3A_746 : memref<256x64xf32, #tpu.memory_space<vmem_shared>>) target(%dma_start3A_744 : memref<256x64xf32, #tpu.memory_space<hbm>>) target_semaphore(%run_scoped3A : memref<!tpu.dma_semaphore, #tpu.memory_space<semaphore_mem>>)
      %dma_wait3A_747 = arith.constant 0 : i32
      %dma_wait3A_748 = tpu.memref_slice %arg6[%arg0, %mul3A_741, %dma_wait3A_747] : memref<2x4096x64xf32, #tpu.memory_space<hbm>> -> memref<1x256x64xf32, #tpu.memory_space<hbm>>
      %dma_wait3A_749 = tpu.memref_squeeze %dma_wait3A_748 : memref<1x256x64xf32, #tpu.memory_space<hbm>> -> memref<256x64xf32, #tpu.memory_space<hbm>>
      %dma_wait3A_750 = arith.constant 0 : i32
      %dma_wait3A_751 = tpu.memref_slice %arg17[%mul3A_739, %dma_wait3A_750] : memref<4096x64xf32, #tpu.memory_space<vmem_shared>> -> memref<256x64xf32, #tpu.memory_space<vmem_shared>>
      tpu.wait_dma2 semaphore(%run_scoped3A : memref<!tpu.dma_semaphore, #tpu.memory_space<semaphore_mem>>) src(%dma_wait3A_751 : memref<256x64xf32, #tpu.memory_space<vmem_shared>>) dst(%dma_wait3A_749 : memref<256x64xf32, #tpu.memory_space<hbm>>)
      tpu.yield
    }) : () -> ()
    return
  }
}

module attributes {stable_mosaic.version = 14 : i64} {
  func.func @_add_partials_body(%arg0: memref<2x4096x64xf32, #tpu.memory_space<vmem>>, %arg1: memref<4096x64xf32, #tpu.memory_space<vmem>>) attributes {dimension_semantics = [], scalar_prefetch = 0 : i64, scratch_operands = 0 : i64, tpu.core_type = #tpu.core_type<tc>} {
    %get3A = arith.constant 0 : index
    %get3A_0 = arith.constant 0 : index
    %get3A_1 = arith.constant 0 : index
    %get3A_2 = vector.load %arg0[%get3A, %get3A_0, %get3A_1] : memref<2x4096x64xf32, #tpu.memory_space<vmem>>, vector<1x4096x64xf32>
    %get3A_3 = vector.shape_cast %get3A_2 : vector<1x4096x64xf32> to vector<4096x64xf32>
    %get3A_4 = arith.constant 1 : index
    %get3A_5 = arith.constant 0 : index
    %get3A_6 = arith.constant 0 : index
    %get3A_7 = vector.load %arg0[%get3A_4, %get3A_5, %get3A_6] : memref<2x4096x64xf32, #tpu.memory_space<vmem>>, vector<1x4096x64xf32>
    %get3A_8 = vector.shape_cast %get3A_7 : vector<1x4096x64xf32> to vector<4096x64xf32>
    %add3A = arith.addf %get3A_3, %get3A_8 : vector<4096x64xf32>
    %swap3A = arith.constant 0 : index
    %swap3A_9 = arith.constant 0 : index
    %swap3A_10 = vector.load %arg1[%swap3A, %swap3A_9] : memref<4096x64xf32, #tpu.memory_space<vmem>>, vector<4096x64xf32>
    tpu.vector_store %arg1[%swap3A, %swap3A_9], %add3A {strides = array<i32>} : memref<4096x64xf32, #tpu.memory_space<vmem>>, vector<4096x64xf32>,
    return
  }
}

</mosaic_0001>

<sc_bundles>
// kernel: kernel.4.cloned.1.call-start
scs
__scs_entry_jumppad:
0x0: {  	(pc) =	sbr.rel $0x88, $3  }
0x1: {  	(tag) =	ssettag $0x0;
	lr =	simm.s32 $0x1  }
0x2: {  	[smem:$0x3F9D] =	sst lr;
	_ =	strace $0xD0000000  }
0x3: {  	_ = 	snop  }
0x4: {  	_ = 	snop  }
0x5: {  	_ = 	snop  }
0x6: {  	_ = 	snop  }
0x7: {  	_ = 	snop  }
__scs_overlays_trampoline_lowered:
0x8: {  	[smem:$0x3FAC] =	sst s0  }
0x9: {  	[smem:$0x3FAD] =	sst s1  }
0xa: {  	[smem:$0x3FAE] =	sst s2  }
0xb: {  	[smem:$0x3FAF] =	sst s3  }
0xc: {  	[smem:$0x3FB0] =	sst s4  }
0xd: {  	[smem:$0x3FB1] =	sst s5  }
0xe: {  	[smem:$0x3FB2] =	sst s6  }
0xf: {  	[smem:$0x3FB3] =	sst s7  }
0x10: {  	[smem:$0x3FB4] =	sst s8  }
0x11: {  	[smem:$0x3FB5] =	sst s9;
	s0 =	simm.s32 @!p0 $0x0  }
0x12: {  	s1 =	sld [smem:$0x3F9B];
	s0 =	simm.s32 @p0 $0x1  }
0x13: {  	[smem:$0x3FB6] =	sst s0;
	s0 =	simm.s32 @!p1 $0x0  }
0x14: {  	s2 =	sld [smem:$0x3F9A];
	s0 =	simm.s32 @p1 $0x1  }
0x15: {  	[smem:$0x3FB7] =	sst s0;
	s0 =	simm.s32 @!p2 $0x0  }
0x16: {  	s3 =	sld [smem:$0x3FDB];
	s0 =	simm.s32 @p2 $0x1  }
0x17: {  	s4 =	simm.s32 $0x1BF5;
	[smem:$0x3FB9] =	sst s0  }
0x18: {  	s0 =	sld [smem:$0x3F9C];
	_ =	swait.ge [sflag:s4], $0x0  }
0x19: {  	s7 =	sld [smem:$0x3F9D]  }
0x1a: {  	s8 =	sadd.s32 $0xFFFFE003, lr  }
0x1b: {  	s9 =	sadd.s32 $0xFFFFFEF7, lr;
	s5 =	simm.s32 $0xFFFFFFFF;
	p2 =	slt.u32 s8, $0xFFFFF086  }
0x1c: {  	p1 =	slt.u32 s9, $0xF7A;
	s5 =	simm.s32 @!p2 $0x0  }
0x1d: {  	s5 =	simm.s32 @p1 $0x1;
	p0 =	seq.s32 s7, s2  }
0x1e: {  	s7 =	smul.u32 @!p0 $0xF7A, s2;
	p2 =	seq.s32 @!p0 s5, $0x0  }
0x1f: {  	s9 =	smul.u32 $0xF7A, s1;
	s8 =	simm.s32 @!p0 $0x1BF5;
	p2 =	por !p2, p0  }
0x20: {  	[sflag:s8] =	ssyncset.s32 @!p0 $0xFFFFF086;
	s6 =	sadd.s32 @!p0 s3, s7;
	s7 =	simm.s32 @!p0 $0x108  }
0x21: {  	s3 =	sadd.s32 s3, s9;
	s6 =	sadd.s32 @!p0 $0x88, s6;
	s7 =	simm.s32 @p2 $0x1082  }
0x22: {  	[simem:s7], [sflag:s8] =	dma.local @!p0 [hbm:s6], $0xF7A  }
0x23: {  	s9 =	sor.u32 $0xD0000000, s2;
	s6 =	simm.s32 $0x108;
	_ =	swait.ge @!p0 [sflag:s8], $0x0  }
0x24: {  	s3 =	sadd.s32 $0x88, s3;
	s6 =	simm.s32 @!p1 $0x1082;
	[sflag:s4] =	ssyncset.s32 $0xFFFFF086  }
0x25: {  	[simem:s6], [sflag:s4] =	dma.local [hbm:s3], $0xF7A  }
0x26: {  	[smem:$0x3F9D] =	sst s1;
	(tag) =	ssettag s2;
	_ =	strace s9  }
0x27: {  	s1 =	sld [smem:$0x3FAD]  }
0x28: {  	s2 =	sld [smem:$0x3FAE]  }
0x29: {  	s4 =	sld [smem:$0x3FB0]  }
0x2a: {  	p0 =	seq.s32 s5, $0x0;
	s5 =	sld [smem:$0x3FB1]  }
0x2b: {  	s6 =	sld [smem:$0x3FB2]  }
0x2c: {  	s7 =	sld [smem:$0x3FB3]  }
0x2d: {  	s3 =	simm.s32 $0x108;
	s8 =	sld [smem:$0x3FB4]  }
0x2e: {  	s3 =	simm.s32 @!p0 $0x1082;
	s9 =	sld [smem:$0x3FB5]  }
0x2f: {  	lr =	sadd.s32 s0, s3;
	s0 =	sld [smem:$0x3FAC]  }
0x30: {  	s3 =	sld [smem:$0x3FAF]  }
0x31: {  	[smem:$0x3FB8] =	sst s10  }
0x32: {  	s10 =	sld [smem:$0x3FB6];
	_ =	sdelay $0x3  }
0x33: {  	p0 =	seq.s32 s10, $0x1;
	s10 =	sld [smem:$0x3FB8];
	_ =	sdelay $0x3  }
0x34: {  	[smem:$0x3FB8] =	sst s10  }
0x35: {  	s10 =	sld [smem:$0x3FB7];
	_ =	sdelay $0x3  }
0x36: {  	p1 =	seq.s32 s10, $0x1;
	s10 =	sld [smem:$0x3FB8];
	_ =	sdelay $0x3  }
0x37: {  	[smem:$0x3FB8] =	sst s10  }
0x38: {  	s10 =	sld [smem:$0x3FB9]  }
0x39: {  	_ = 	snop;
	(pc) =	sbr.ind lr, $3  }
0x3a: {  	_ = 	snop  }
0x3b: {  	_ = 	snop  }
0x3c: {  	p2 =	seq.s32 s10, $0x1;
	s10 =	sld [smem:$0x3FB8]  }
0x3d: {  	_ =	shalt  }
0x3e: {  	_ =	shalt  }
0x3f: {  	_ =	shalt  }
0x40: {  	_ =	shalt  }
0x41: {  	_ =	shalt  }
0x42: {  	_ =	shalt  }
0x43: {  	_ =	shalt  }
0x44: {  	_ =	shalt  }
0x45: {  	_ =	shalt  }
0x46: {  	_ =	shalt  }
0x47: {  	_ =	shalt  }
0x48: {  	_ =	shalt  }
0x49: {  	_ =	shalt  }
0x4a: {  	_ =	shalt  }
0x4b: {  	_ =	shalt  }
0x4c: {  	_ =	shalt  }
0x4d: {  	_ =	shalt  }
0x4e: {  	_ =	shalt  }
0x4f: {  	_ =	shalt  }
0x50: {  	_ =	shalt  }
0x51: {  	_ =	shalt  }
0x52: {  	_ =	shalt  }
0x53: {  	_ =	shalt  }
0x54: {  	_ =	shalt  }
0x55: {  	_ =	shalt  }
0x56: {  	_ =	shalt  }
0x57: {  	_ =	shalt  }
0x58: {  	_ =	shalt  }
0x59: {  	_ =	shalt  }
0x5a: {  	_ =	shalt  }
0x5b: {  	_ =	shalt  }
0x5c: {  	_ =	shalt  }
0x5d: {  	_ =	shalt  }
0x5e: {  	_ =	shalt  }
0x5f: {  	_ =	shalt  }
0x60: {  	_ =	shalt  }
0x61: {  	_ =	shalt  }
0x62: {  	_ =	shalt  }
0x63: {  	_ =	shalt  }
0x64: {  	_ =	shalt  }
0x65: {  	_ =	shalt  }
0x66: {  	_ =	shalt  }
0x67: {  	_ =	shalt  }
0x68: {  	_ =	shalt  }
0x69: {  	_ =	shalt  }
0x6a: {  	_ =	shalt  }
0x6b: {  	_ =	shalt  }
0x6c: {  	_ =	shalt  }
0x6d: {  	_ =	shalt  }
0x6e: {  	_ =	shalt  }
0x6f: {  	_ =	shalt  }
0x70: {  	_ =	shalt  }
0x71: {  	_ =	shalt  }
0x72: {  	_ =	shalt  }
0x73: {  	_ =	shalt  }
0x74: {  	_ =	shalt  }
0x75: {  	_ =	shalt  }
0x76: {  	_ =	shalt  }
0x77: {  	_ =	shalt  }
0x78: {  	_ =	shalt  }
0x79: {  	_ =	shalt  }
0x7a: {  	_ =	shalt  }
0x7b: {  	_ =	shalt  }
0x7c: {  	_ =	shalt  }
0x7d: {  	_ =	shalt  }
0x7e: {  	_ =	shalt  }
0x7f: {  	_ =	shalt  }
0x80: {  	_ =	shalt  }
0x81: {  	_ =	shalt  }
0x82: {  	_ =	shalt  }
0x83: {  	_ =	shalt  }
0x84: {  	_ =	shalt  }
0x85: {  	_ =	shalt  }
0x86: {  	_ =	shalt  }
0x87: {  	_ =	shalt  }
.Lfunc_end0:
.L_simem_size_0:
called_computation_lowered:
.L_overlay_start_0:
0x88: {  	s2 =	sld [smem:$0x3FD9]  }
0x89: {  	s3 =	sld [smem:$0x3FFE];
	_ =	sdelay $0x1  }
0x8a: {  	s1 =	srdreg.scid  }
0x8b: {  	s0 =	sand.u32 $0x1, s1  }
0x8c: {  	s17 =	sshll.u32 s0, $0xA;
	s2 =	sadd.s32 s3, s2  }
0x8d: {  	s2 =	sadd.s32 s2, s17  }
0x8e: {  	[smem:$0x3FC4] =	sst s2  }
0x8f: {  	_ = 	snop  }
0x90: {  	s2 =	sld [smem:$0x3FD0];
	(tm) =	ssettm $0x1  }
0x91: {  	s18 =	sld [smem:$0x3FFB];
	_ =	sdelay $0x3  }
0x92: {  	_ =	strace s18  }
0x93: {  	s3 =	sld [smem:$0x3FFC];
	_ =	sdelay $0x3  }
0x94: {  	_ =	strace s3  }
0x95: {  	s3 =	sld [smem:$0x3FFD];
	_ =	sdelay $0x3  }
0x96: {  	_ =	strace s3  }
0x97: {  	_ =	strace $0x8FFFFFFF  }
0x98: {  	s19 =	sld [smem:$0x3FDB];
	_ =	sdelay $0x1  }
0x99: {  	s4 =	simm.s32 $_scs_section_size  }
0x9a: {  	s5 =	simm.s32 $_size__tile_overlayer_lowered;
	s6 =	simm.s32 $_tile_overlayer_lowered  }
0x9b: {  	s22 =	simm.s32 $0x1BFF;
	s21 =	sshll.u32 s6, $0x1;
	s3 =	sadd.s32 s4, s19  }
0x9c: {  	s7 =	simm.s32 $0x0;
	s20 =	sshll.u32 s5, $0x1;
	s5 =	sadd.s32 s21, s3  }
0x9d: {  	[timem:s7], [sflag:s22] =	dma.local [hbm:s5], s20  }
0x9e: {  	_ =	swait.ge [sflag:s22], s20  }
0x9f: {  	s4 =	ssub.s32 $0x0, s20;
	[sflag:s22] =	ssyncset.done $0x0  }
0xa0: {  	[sflag:s22] =	ssyncadd.s32 s4;
	_ =	sdelay $0x1  }
0xa1: {  	s23 =	simm.s32 $0x1B8B  }
0xa2: {  	_ =	swait.ge [sflag:s23], $0x1  }
0xa3: {  	[sflag:s23] =	ssyncset.done $0x0  }
0xa4: {  	s25 =	simm.s32 $0x1B8E;
	s24 =	sld [smem:$0x3FFE];
	[sflag:s23] =	ssyncadd.s32 $0xFFFFFFFF  }
0xa5: {  	s26 =	simm.s32 $execute0_lowered;
	[smem:$0x3FD2] =	sst s25  }
0xa6: {  	s5 =	sshll.u32 s26, $0x1;
	_ =	strace $0x80000046;
	[dreg:$0x1] =	wrdreg $0xFFFFFFFF  }
0xa7: {  	s28 =	simm.s32 $_size_execute0_lowered;
	s3 =	sadd.s32 s3, s5;
	[dreg:$0x0] =	wrdreg $0x0  }
0xa8: {  	s5 =	sshll.u32 s28, $0x1;
	[dreg:$0x2] =	wrdreg s3  }
0xa9: {  	[dreg:$0x3] =	wrdreg s5  }
0xaa: {  	[dreg:$0x4] =	wrdreg $0xC0  }
0xab: {  	_ =	task [dreg:s7], $0x5FFFF  }
0xac: {  	[dreg:$0x1] =	wrdreg $0xFFFFFFFF  }
0xad: {  	[dreg:$0x0] =	wrdreg $0x60  }
0xae: {  	[dreg:$0x2] =	wrdreg s24  }
0xaf: {  	[dreg:$0x3] =	wrdreg s2  }
0xb0: {  	[dreg:$0x4] =	wrdreg $0x103000  }
0xb1: {  	[dreg:$0x5] =	wrdreg $0x143000  }
0xb2: {  	[dreg:$0x6] =	wrdreg $0x9  }
0xb3: {  	_ =	task.clear_ibuf [dreg:s7], $0x7FFFF;
	_ =	strace $0x90000046  }
0xb4: {  	s29 =	simm.s32 $0x9;
	_ =	strace $0x80000048  }
0xb5: {  	_ =	swait.ge [sflag:s29], $0x1  }
0xb6: {  	[sflag:s29] =	ssyncadd.s32 $0xFFFFFFFF  }
0xb7: {  	_ =	strace $0x90000048  }
0xb8: {  	_ =	sfence  }
0xb9: {  	s30 =	sld [smem:$0x0];
	_ =	sdelay $0x2  }
0xba: {  	s31 =	sshll.u32 s1, $0xD;
	s1 =	sshrl.u32 s1, $0x2  }
0xbb: {  	s3 =	sand.u32 $0x4000, s31;
	s1 =	sadd.s32 s1, s30  }
0xbc: {  	s0 =	sor.u32 s3, s0;
	s1 =	sshll.u32 s1, $0x11  }
0xbd: {  	s0 =	sor.u32 s1, s0  }
0xbe: {  	s0 =	sadd.s32 $0x8F2B, s0  }
0xbf: {  	[sflag:s0] =	ssyncadd.remote.s32 $0x1  }
0xc0: {  	_ =	sfence.sel $0xFFFF  }
0xc1: {  	[dreg:$0x0] =	wrdreg $0xFFFFFFFF;
	(pc) =	sbr.abs _section_cstart, $3  }
0xc2: {  	[dreg:$0x1] =	wrdreg $0xFFFFFFFF  }
0xc3: {  	_ =	task.clear_ibuf [dreg:s7], $0x2FFFF;
	_ =	strace $0x9FFFFFFF  }
0xc4: {  	(tm) =	ssettm $0x7FFFFFFF  }
0xc5: {  	_ =	shalt  }
tec
execute0_lowered:
.L_overlay_start_1:
0x0: {  	(tag) =	ssettag $0x1  }
0x1: {  	s0 =	rddreg [dreg:$0x0]  }
0x2: {  	s1 =	rddreg [dreg:$0x1]  }
0x3: {  	s2 =	rddreg [dreg:$0x2]  }
0x4: {  	s3 =	rddreg [dreg:$0x3]  }
0x5: {  	s5 =	srdreg.scid;
	s10 =	stileid.u32;
	s4 =	simm.s32 $0x0  }
0x6: {  	s5 =	sand.u32 $0x1, s5;
	s6 =	sshll.u32 s10, $0x1;
	[smem:$0x7FF] =	sst s4  }
0x7: {  	s6 =	sor.u32 s5, s6;
	s8 =	sshll.u32 s5, $0x12;
	s5 =	ssub.s32 $0x2, s5  }
0x8: {  	s22 =	sshll.u32 s10, $0xB;
	s6 =	smul.u32 $0x2A0, s6;
	s24 =	sshrl.u32 s5, $0x1  }
0x9: {  	_ =	strace $0x80000047;
	s1 =	sadd.s32 s1, s22;
	s5 =	ssub.s32 s5, s24  }
0xa: {  	[dreg:$0x14] =	wrdreg s1;
	s9 =	sadd.s32 s6, s0;
	s24 =	smax.u32 s5, $0x1  }
0xb: {  	s25 =	sadd.s32 $0x800, s9;
	[dreg:$0x16] =	wrdreg s24  }
0xc: {  	s7 =	sshll.u32 s10, $0xE;
	s26 =	sadd.s32 $0x5C00, s9;
	[dreg:$0x5] =	wrdreg s25  }
0xd: {  	s6 =	sadd.s32 s7, s2;
	s28 =	sadd.s32 $0xB000, s9;
	[dreg:$0x6] =	wrdreg s26  }
0xe: {  	s9 =	sadd.s32 $0x400, s6;
	[dreg:$0x7] =	wrdreg s28  }
0xf: {  	s31 =	simm.s32 $0x2A00;
	s11 =	sadd.s32 $0x800, s6;
	[dreg:$0x8] =	wrdreg s9  }
0x10: {  	s30 =	simm.s32 $0x6;
	s12 =	sadd.s32 $0xC00, s6;
	[dreg:$0x9] =	wrdreg s11  }
0x11: {  	s23 =	sshll.u32 s10, $0x6;
	s13 =	sadd.s32 $0x1000, s6;
	[dreg:$0xa] =	wrdreg s12  }
0x12: {  	s10 =	simm.s32 $0x80;
	s14 =	sadd.s32 $0x1400, s6;
	[dreg:$0xb] =	wrdreg s13  }
0x13: {  	s22 =	sor.u32 $0x1C07, s23;
	s15 =	sadd.s32 $0x1800, s6;
	[dreg:$0xc] =	wrdreg s14  }
0x14: {  	s8 =	sor.u32 s7, s8;
	s16 =	sadd.s32 $0x1C00, s6;
	[dreg:$0xd] =	wrdreg s15  }
0x15: {  	s1 =	simm.s32 $0x7;
	s17 =	sadd.s32 $0x2000, s6;
	[dreg:$0xe] =	wrdreg s16  }
0x16: {  	s8 =	sshrl.u32 s8, $0x3;
	s18 =	sadd.s32 $0x2400, s6;
	[dreg:$0xf] =	wrdreg s17  }
0x17: {  	s0 =	sadd.s32 s8, s0;
	s19 =	sadd.s32 $0x2800, s6;
	[dreg:$0x10] =	wrdreg s18  }
0x18: {  	s7 =	sadd.s32 s7, s3;
	s20 =	sadd.s32 $0x2C00, s6;
	[dreg:$0x11] =	wrdreg s19  }
0x19: {  	s5 =	simm.s32 $0x1;
	s21 =	sadd.s32 $0x3000, s6;
	[dreg:$0x12] =	wrdreg s20  }
0x1a: {  	s8 =	simm.s32 $0x3;
	s0 =	sadd.s32 $0x10400, s0;
	[dreg:$0x13] =	wrdreg s21  }
0x1b: {  	s29 =	sadd.s32 $0x3C00, s6;
	[dreg:$0x15] =	wrdreg s0;
	s25 =	sshrl.u32 s7, $0x3  }
.Ltmp0:
0x1c: {  	s26 =	sadd.s32 $0x3400, s6;
	s28 =	sadd.s32 $0x3800, s6;
	(pc) =	sbr.rel .LBB2_1-.Ltmp0, $4  }
0x1d: {  	s0 =	simm.s32 $0xFF00;
	s7 =	simm.s32 $0x2;
	s9 =	simm.s32 $0x4  }
0x1e: {  	s11 =	simm.s32 $0x7F00;
	s12 =	simm.s32 $0x9F00;
	[dreg:$0x17] =	wrdreg s25  }
0x1f: {  	s13 =	simm.s32 $0xBF00;
	s14 =	simm.s32 $0xDF00;
	[dreg:$0x18] =	wrdreg s26  }
0x20: {  	v0 =	vimm.f32 $0.0e+00;
	s15 =	simm.s32 $0x5;
	s16 =	simm.s32 $0x0;
	[dreg:$0x19] =	wrdreg s28  }
.LBB2_10:
0x21: {  	_ =	swait.ge [sflag:s9], $0x2000  }
0x22: {  	[sflag:s9] =	ssyncset.done $0x0  }
0x23: {  	[sflag:s9] =	ssyncadd.s32 $0xFFFFE000  }
0x24: {  	_ =	swait.ge [sflag:s15], $0x2000  }
0x25: {  	[sflag:s15] =	ssyncset.done $0x0  }
0x26: {  	[sflag:s15] =	ssyncadd.s32 $0xFFFFE000  }
0x27: {  	_ =	swait.ge [sflag:s30], $0x2000  }
0x28: {  	[sflag:s30] =	ssyncset.done $0x0  }
0x29: {  	[sflag:s30] =	ssyncadd.s32 $0xFFFFE000  }
0x2a: {  	[bflag:$0x0] =	sbarrier.arrive $0xFFFF  }
0x2b: {  	s17 =	sshrl.u32 s6, $0x3;
	s18 =	rddreg [dreg:$0x15]  }
0x2c: {  	[hbm:s18], [sflag:s22] =	dma.local [spmem:s17], $0x800  }
0x2d: {  	_ =	swait.ge [sflag:s1], $0x800  }
0x2e: {  	s16 =	sadd.s32 $0x1, s16;
	s28 =	rddreg [dreg:$0x16]  }
0x2f: {  	p0 =	sne.s32 s16, s28  }
.Ltmp1:
0x30: {  	_ = 	snop;
	(pc) =	sbr.rel @!p0 .LBB2_11-.Ltmp1, $3  }
0x31: {  	_ =	sdelay $0x1  }
0x32: {  	[sflag:s1] =	ssyncset.done $0x0  }
0x33: {  	[sflag:s1] =	ssyncadd.s32 $0xFFFFF800  }
.LBB2_1:
0x34: {  	s17 =	rddreg [dreg:$0x5]  }
0x35: {  	[tilespmem:s4], [sflag:$0x1] =	stream.linear.gather [hbm4b:s17+s4], $0x1500, $0x38;
	[tilespmem:$0x18300] =	vst v63  }
0x36: {  	s23 =	rddreg [dreg:$0x6];
	s19 =	simm.s32 $0x1500  }
0x37: {  	[tilespmem:s19], [sflag:$0x2] =	stream.linear.gather [hbm4b:s23+s4], $0x1500, $0x38;
	[tilespmem:$0x18300] =	vst v63  }
0x38: {  	s24 =	rddreg [dreg:$0x7]  }
0x39: {  	[tilespmem:s31], [sflag:$0x3] =	stream.linear.gather [hbm4b:s24+s4], $0x1500, $0x38;
	[tilespmem:$0x18300] =	vst v63  }
0x3a: {  	[tilespmem:$0xFF00] =	vst v0  }
0x3b: {  	[tilespmem:$0xFF10] =	vst v0  }
0x3c: {  	[tilespmem:$0xFF20] =	vst v0  }
0x3d: {  	[tilespmem:$0xFF30] =	vst v0  }
0x3e: {  	[tilespmem:$0xFF40] =	vst v0  }
0x3f: {  	[tilespmem:$0xFF50] =	vst v0  }
0x40: {  	[tilespmem:$0xFF60] =	vst v0  }
0x41: {  	[tilespmem:$0xFF70] =	vst v0  }
0x42: {  	[tilespmem:$0xFF80] =	vst v0  }
0x43: {  	[tilespmem:$0xFF90] =	vst v0  }
0x44: {  	[tilespmem:$0xFFA0] =	vst v0  }
0x45: {  	[tilespmem:$0xFFB0] =	vst v0  }
0x46: {  	[tilespmem:$0xFFC0] =	vst v0  }
0x47: {  	[tilespmem:$0xFFD0] =	vst v0  }
0x48: {  	[tilespmem:$0xFFE0] =	vst v0  }
0x49: {  	[tilespmem:$0xFFF0] =	vst v0  }
0x4a: {  	[tilespmem:$0x10000] =	vst v0  }
0x4b: {  	[tilespmem:$0x10010] =	vst v0  }
0x4c: {  	[tilespmem:$0x10020] =	vst v0  }
0x4d: {  	[tilespmem:$0x10030] =	vst v0  }
0x4e: {  	[tilespmem:$0x10040] =	vst v0  }
0x4f: {  	[tilespmem:$0x10050] =	vst v0  }
0x50: {  	[tilespmem:$0x10060] =	vst v0  }
0x51: {  	[tilespmem:$0x10070] =	vst v0  }
0x52: {  	[tilespmem:$0x10080] =	vst v0  }
0x53: {  	[tilespmem:$0x10090] =	vst v0  }
0x54: {  	[tilespmem:$0x100A0] =	vst v0  }
0x55: {  	[tilespmem:$0x100B0] =	vst v0  }
0x56: {  	[tilespmem:$0x100C0] =	vst v0  }
0x57: {  	[tilespmem:$0x100D0] =	vst v0  }
0x58: {  	[tilespmem:$0x100E0] =	vst v0  }
0x59: {  	[tilespmem:$0x100F0] =	vst v0  }
0x5a: {  	[tilespmem:$0x10100] =	vst v0  }
0x5b: {  	[tilespmem:$0x10110] =	vst v0  }
0x5c: {  	[tilespmem:$0x10120] =	vst v0  }
0x5d: {  	[tilespmem:$0x10130] =	vst v0  }
0x5e: {  	[tilespmem:$0x10140] =	vst v0  }
0x5f: {  	[tilespmem:$0x10150] =	vst v0  }
0x60: {  	[tilespmem:$0x10160] =	vst v0  }
0x61: {  	[tilespmem:$0x10170] =	vst v0  }
0x62: {  	[tilespmem:$0x10180] =	vst v0  }
0x63: {  	[tilespmem:$0x10190] =	vst v0  }
0x64: {  	[tilespmem:$0x101A0] =	vst v0  }
0x65: {  	[tilespmem:$0x101B0] =	vst v0  }
0x66: {  	[tilespmem:$0x101C0] =	vst v0  }
0x67: {  	[tilespmem:$0x101D0] =	vst v0  }
0x68: {  	[tilespmem:$0x101E0] =	vst v0  }
0x69: {  	[tilespmem:$0x101F0] =	vst v0  }
0x6a: {  	[tilespmem:$0x10200] =	vst v0  }
0x6b: {  	[tilespmem:$0x10210] =	vst v0  }
0x6c: {  	[tilespmem:$0x10220] =	vst v0  }
0x6d: {  	[tilespmem:$0x10230] =	vst v0  }
0x6e: {  	[tilespmem:$0x10240] =	vst v0  }
0x6f: {  	[tilespmem:$0x10250] =	vst v0  }
0x70: {  	[tilespmem:$0x10260] =	vst v0  }
0x71: {  	[tilespmem:$0x10270] =	vst v0  }
0x72: {  	[tilespmem:$0x10280] =	vst v0  }
0x73: {  	[tilespmem:$0x10290] =	vst v0  }
0x74: {  	[tilespmem:$0x102A0] =	vst v0  }
0x75: {  	[tilespmem:$0x102B0] =	vst v0  }
0x76: {  	[tilespmem:$0x102C0] =	vst v0  }
0x77: {  	[tilespmem:$0x102D0] =	vst v0  }
0x78: {  	[tilespmem:$0x102E0] =	vst v0  }
0x79: {  	s25 =	rddreg [dreg:$0x8];
	[tilespmem:$0x102F0] =	vst v0  }
0x7a: {  	[spmem:s6] =	stream.linear.scatter [tilespmem:s0], [sflag:$0x4], $0x400, $0x38;
	[tilespmem:$0x18300] =	vst v63  }
0x7b: {  	s26 =	rddreg [dreg:$0x9]  }
0x7c: {  	[spmem:s25] =	stream.linear.scatter [tilespmem:s0], [sflag:$0x4], $0x400, $0x38;
	[tilespmem:$0x18300] =	vst v63  }
0x7d: {  	s28 =	rddreg [dreg:$0xa]  }
0x7e: {  	[spmem:s26] =	stream.linear.scatter [tilespmem:s0], [sflag:$0x4], $0x400, $0x38;
	[tilespmem:$0x18300] =	vst v63  }
0x7f: {  	s18 =	rddreg [dreg:$0xb]  }
0x80: {  	[spmem:s28] =	stream.linear.scatter [tilespmem:s0], [sflag:$0x4], $0x400, $0x38;
	[tilespmem:$0x18300] =	vst v63  }
0x81: {  	s20 =	rddreg [dreg:$0xc]  }
0x82: {  	[spmem:s18] =	stream.linear.scatter [tilespmem:s0], [sflag:$0x4], $0x400, $0x38;
	[tilespmem:$0x18300] =	vst v63  }
0x83: {  	s21 =	rddreg [dreg:$0xd]  }
0x84: {  	[spmem:s20] =	stream.linear.scatter [tilespmem:s0], [sflag:$0x4], $0x400, $0x38;
	[tilespmem:$0x18300] =	vst v63  }
0x85: {  	s23 =	rddreg [dreg:$0xe]  }
0x86: {  	[spmem:s21] =	stream.linear.scatter [tilespmem:s0], [sflag:$0x4], $0x400, $0x38;
	[tilespmem:$0x18300] =	vst v63  }
0x87: {  	s24 =	rddreg [dreg:$0xf]  }
0x88: {  	[spmem:s23] =	stream.linear.scatter [tilespmem:s0], [sflag:$0x4], $0x400, $0x38;
	[tilespmem:$0x18300] =	vst v63  }
0x89: {  	s25 =	rddreg [dreg:$0x10]  }
0x8a: {  	[spmem:s24] =	stream.linear.scatter [tilespmem:s0], [sflag:$0x4], $0x400, $0x38;
	[tilespmem:$0x18300] =	vst v63  }
0x8b: {  	s26 =	rddreg [dreg:$0x11]  }
0x8c: {  	[spmem:s25] =	stream.linear.scatter [tilespmem:s0], [sflag:$0x4], $0x400, $0x38;
	[tilespmem:$0x18300] =	vst v63  }
0x8d: {  	s28 =	rddreg [dreg:$0x12]  }
0x8e: {  	[spmem:s26] =	stream.linear.scatter [tilespmem:s0], [sflag:$0x4], $0x400, $0x38;
	[tilespmem:$0x18300] =	vst v63  }
0x8f: {  	s18 =	rddreg [dreg:$0x13]  }
0x90: {  	[spmem:s28] =	stream.linear.scatter [tilespmem:s0], [sflag:$0x4], $0x400, $0x38;
	[tilespmem:$0x18300] =	vst v63  }
0x91: {  	s20 =	rddreg [dreg:$0x18]  }
0x92: {  	[spmem:s18] =	stream.linear.scatter [tilespmem:s0], [sflag:$0x4], $0x400, $0x38;
	[tilespmem:$0x18300] =	vst v63  }
0x93: {  	s21 =	rddreg [dreg:$0x19]  }
0x94: {  	[spmem:s20] =	stream.linear.scatter [tilespmem:s0], [sflag:$0x4], $0x400, $0x38;
	[tilespmem:$0x18300] =	vst v63  }
0x95: {  	s23 =	rddreg [dreg:$0x14]  }
0x96: {  	[spmem:s21] =	stream.linear.scatter [tilespmem:s0], [sflag:$0x4], $0x400, $0x38;
	[tilespmem:$0x18300] =	vst v63  }
0x97: {  	s18 =	rddreg [dreg:$0x17]  }
0x98: {  	[spmem:s29] =	stream.linear.scatter [tilespmem:s0], [sflag:$0x4], $0x400, $0x38;
	[tilespmem:$0x18300] =	vst v63  }
0x99: {  	[spmem:s18], [sflag:s22] =	dma.local [hbm:s23], $0x800  }
0x9a: {  	_ =	swait.ge [sflag:s1], $0x800  }
0x9b: {  	[sflag:s1] =	ssyncset.done $0x0  }
0x9c: {  	[sflag:s1] =	ssyncadd.s32 $0xFFFFF800  }
0x9d: {  	_ =	swait.ge [sflag:s5], $0x1500  }
0x9e: {  	[sflag:s5] =	ssyncset.done $0x0  }
0x9f: {  	[sflag:s5] =	ssyncadd.s32 $0xFFFFEB00  }
0xa0: {  	_ =	swait.ge [sflag:s7], $0x1500  }
0xa1: {  	[sflag:s7] =	ssyncset.done $0x0  }
0xa2: {  	[sflag:s7] =	ssyncadd.s32 $0xFFFFEB00  }
0xa3: {  	_ =	swait.ge [sflag:s8], $0x1500  }
0xa4: {  	[sflag:s8] =	ssyncset.done $0x0  }
0xa5: {  	[sflag:s8] =	ssyncadd.s32 $0xFFFFEB00  }
0xa6: {  	_ =	swait.ge [sflag:s9], $0x400  }
0xa7: {  	[sflag:s9] =	ssyncset.done $0x0  }
0xa8: {  	[sflag:s9] =	ssyncadd.s32 $0xFFFFFC00  }
0xa9: {  	_ =	swait.ge [sflag:s9], $0x400  }
0xaa: {  	[sflag:s9] =	ssyncset.done $0x0  }
0xab: {  	[sflag:s9] =	ssyncadd.s32 $0xFFFFFC00  }
0xac: {  	_ =	swait.ge [sflag:s9], $0x400  }
0xad: {  	[sflag:s9] =	ssyncset.done $0x0  }
0xae: {  	[sflag:s9] =	ssyncadd.s32 $0xFFFFFC00  }
0xaf: {  	_ =	swait.ge [sflag:s9], $0x400  }
0xb0: {  	[sflag:s9] =	ssyncset.done $0x0  }
0xb1: {  	[sflag:s9] =	ssyncadd.s32 $0xFFFFFC00  }
0xb2: {  	_ =	swait.ge [sflag:s9], $0x400  }
0xb3: {  	[sflag:s9] =	ssyncset.done $0x0  }
0xb4: {  	[sflag:s9] =	ssyncadd.s32 $0xFFFFFC00  }
0xb5: {  	_ =	swait.ge [sflag:s9], $0x400  }
0xb6: {  	[sflag:s9] =	ssyncset.done $0x0  }
0xb7: {  	[sflag:s9] =	ssyncadd.s32 $0xFFFFFC00  }
0xb8: {  	_ =	swait.ge [sflag:s9], $0x400  }
0xb9: {  	[sflag:s9] =	ssyncset.done $0x0  }
0xba: {  	[sflag:s9] =	ssyncadd.s32 $0xFFFFFC00  }
0xbb: {  	_ =	swait.ge [sflag:s9], $0x400  }
0xbc: {  	[sflag:s9] =	ssyncset.done $0x0  }
0xbd: {  	[sflag:s9] =	ssyncadd.s32 $0xFFFFFC00  }
0xbe: {  	_ =	swait.ge [sflag:s9], $0x400  }
0xbf: {  	[sflag:s9] =	ssyncset.done $0x0  }
0xc0: {  	[sflag:s9] =	ssyncadd.s32 $0xFFFFFC00  }
0xc1: {  	_ =	swait.ge [sflag:s9], $0x400  }
0xc2: {  	[sflag:s9] =	ssyncset.done $0x0  }
0xc3: {  	[sflag:s9] =	ssyncadd.s32 $0xFFFFFC00  }
0xc4: {  	_ =	swait.ge [sflag:s9], $0x400  }
0xc5: {  	[sflag:s9] =	ssyncset.done $0x0  }
0xc6: {  	[sflag:s9] =	ssyncadd.s32 $0xFFFFFC00  }
0xc7: {  	_ =	swait.ge [sflag:s9], $0x400  }
0xc8: {  	[sflag:s9] =	ssyncset.done $0x0  }
0xc9: {  	[sflag:s9] =	ssyncadd.s32 $0xFFFFFC00  }
0xca: {  	_ =	swait.ge [sflag:s9], $0x400  }
0xcb: {  	[sflag:s9] =	ssyncset.done $0x0  }
0xcc: {  	[sflag:s9] =	ssyncadd.s32 $0xFFFFFC00  }
0xcd: {  	_ =	swait.ge [sflag:s9], $0x400  }
0xce: {  	[sflag:s9] =	ssyncset.done $0x0  }
0xcf: {  	[sflag:s9] =	ssyncadd.s32 $0xFFFFFC00  }
0xd0: {  	_ =	swait.ge [sflag:s9], $0x400  }
0xd1: {  	[sflag:s9] =	ssyncset.done $0x0  }
0xd2: {  	[sflag:s9] =	ssyncadd.s32 $0xFFFFFC00  }
0xd3: {  	_ =	swait.ge [sflag:s9], $0x400  }
0xd4: {  	[sflag:s9] =	ssyncset.done $0x0  }
0xd5: {  	[sflag:s9] =	ssyncadd.s32 $0xFFFFFC00  }
0xd6: {  	s24 =	simm.s32 $0x3F00;
	[bflag:$0x0] =	sbarrier.arrive $0xFFFF  }
0xd7: {  	[tilespmem:s24], [sflag:$0x1] =	stream.indirect.gather [spmem:s3], $0x40, s19, s10, $0xb8;
	[tilespmem:$0x18300] =	vst v63  }
0xd8: {  	s25 =	simm.s32 $0x1580;
	s26 =	simm.s32 $0x5F00  }
0xd9: {  	[tilespmem:s26], [sflag:$0x2] =	stream.indirect.gather [spmem:s3], $0x40, s25, s10, $0xb8;
	[tilespmem:$0x18300] =	vst v63  }
0xda: {  	s17 =	simm.s32 $0x0;
	s28 =	simm.s32 $0x1600  }
0xdb: {  	[tilespmem:s11], [sflag:$0x3] =	stream.indirect.gather [spmem:s3], $0x40, s28, s10, $0xb8;
	[tilespmem:$0x18300] =	vst v63  }
.LBB2_2:
0xdc: {  	_ =	swait.ge [sflag:s5], $0x2000  }
0xdd: {  	s18 =	simm.s32 $0x2;
	p0 =	seq.s32 s17, $0x0;
	[sflag:s5] =	ssyncset.done $0x0  }
0xde: {  	v2 =	vmov s18;
	s18 =	simm.s32 @!p0 $0x4;
	[sflag:s5] =	ssyncadd.s32 $0xFFFFE000  }
0xdf: {  	_ =	swait.ge @!p0 [sflag:s18], $0x2000  }
0xe0: {  	[sflag:s18] =	ssyncset.done @!p0 $0x0  }
0xe1: {  	s23 =	simm.s32 $0x3F80;
	[sflag:s18] =	ssyncadd.s32 @!p0 $0xFFFFE000  }
0xe2: {  	v3 =	vld [tilespmem:s23+$0x60]  }
0xe3: {  	s19 =	smul.u32 $0x3, s17;
	v5 =	vld [tilespmem:s23+$0x50]  }
0xe4: {  	s24 =	simm.s32 $0x3;
	v6 =	vld [tilespmem:s23+$0x40]  }
0xe5: {  	v4 =	vmov s24;
	s20 =	sshll.u32 s19, $0x7;
	v7 =	vld [tilespmem:s23+$0xFFFFFF80]  }
0xe6: {  	v4 =	vand.u32 $0x7F, v4;
	v1 =	vmov s20;
	v8 =	vld [tilespmem:s23+$0xFFFFFF90]  }
0xe7: {  	v4 =	vor.u32 v1, v4;
	v9 =	vld [tilespmem:s23+$0xFFFFFFA0]  }
0xe8: {  	v2 =	vand.u32 $0x7E, v2;
	v4 =	vbroadcast v4, $0x0;
	v10 =	vld [tilespmem:s23+$0xFFFFFFB0]  }
0xe9: {  	v2 =	vor.u32 v1, v2;
	v11 =	vld [tilespmem:s23+$0xFFFFFFC0]  }
0xea: {  	s25 =	simm.s32 $0x0;
	v2 =	vbroadcast v2, $0x0;
	v13 =	vld [tilespmem:s23+$0xFFFFFFD0]  }
0xeb: {  	s26 =	simm.s32 $0x1;
	v12 =	vmov s25;
	v15 =	vld [tilespmem:s23+$0xFFFFFFE0]  }
0xec: {  	v14 =	vmov s26;
	v12 =	vand.u32 $0x7C, v12;
	v16 =	vld [tilespmem:s23+$0x70]  }
0xed: {  	v14 =	vand.u32 $0x7D, v14;
	v12 =	vor.u32 v1, v12;
	v17 =	vld [tilespmem:s23+$0xFFFFFFF0]  }
0xee: {  	v14 =	vor.u32 v1, v14;
	v12 =	vbroadcast v12, $0x0;
	v4 =	vld.idx.msk [tilespmem:v4+s31+$0x0], $0xffff  }
0xef: {  	v14 =	vbroadcast v14, $0x0;
	v18 =	vld [tilespmem:s23+$0x0]  }
0xf0: {  	v2 =	vld.idx.msk [tilespmem:v2+s31+$0x0], $0xffff  }
0xf1: {  	v19 =	vld [tilespmem:s23+$0x10]  }
0xf2: {  	v20 =	vld [tilespmem:s23+$0x20]  }
0xf3: {  	v21 =	vld [tilespmem:s23+$0x30];
	v16 =	vmul.f32 v16, v4  }
0xf4: {  	s18 =	simm.s32 $0x9F80;
	v12 =	vld.idx.msk [tilespmem:v12+s31+$0x0], $0xffff;
	v6 =	vmul.f32 v6, v4  }
0xf5: {  	v14 =	vld.idx.msk [tilespmem:v14+s31+$0x0], $0xffff;
	v18 =	vmul.f32 v18, v2;
	[tilespmem:s18+$0x70] =	vst v16  }
0xf6: {  	v62 =	vmul.f32 v19, v2;
	[tilespmem:s18+$0x40] =	vst v6  }
0xf7: {  	v63 =	vmul.f32 v20, v2;
	[tilespmem:s18+$0x0] =	vst v18  }
0xf8: {  	v2 =	vmul.f32 v21, v2;
	[tilespmem:s18+$0x10] =	vst v62  }
0xf9: {  	v5 =	vmul.f32 v5, v4;
	[tilespmem:s18+$0x20] =	vst v63  }
0xfa: {  	v3 =	vmul.f32 v3, v4;
	[tilespmem:s18+$0x30] =	vst v2  }
0xfb: {  	v4 =	vmul.f32 v13, v14;
	[tilespmem:s18+$0x50] =	vst v5  }
0xfc: {  	s28 =	simm.s32 $0x6;
	v2 =	vmul.f32 v11, v14;
	[tilespmem:s18+$0x60] =	vst v3  }
0xfd: {  	v5 =	vmov s28;
	v3 =	vmul.f32 v15, v14;
	[tilespmem:s18+$0xFFFFFFD0] =	vst v4  }
0xfe: {  	v4 =	vmul.f32 v7, v12;
	v5 =	vand.u32 $0x7E, v5;
	[tilespmem:s18+$0xFFFFFFC0] =	vst v2  }
0xff: {  	v2 =	vmul.f32 v17, v14;
	v5 =	vor.u32 v1, v5;
	[tilespmem:s18+$0xFFFFFFE0] =	vst v3  }
0x100: {  	v3 =	vmul.f32 v8, v12;
	[tilespmem:s18+$0xFFFFFF80] =	vst v4;
	v5 =	vbroadcast v5, $0x0  }
0x101: {  	v4 =	vmul.f32 v10, v12;
	[tilespmem:s18+$0xFFFFFFF0] =	vst v2  }
0x102: {  	v2 =	vmul.f32 v9, v12;
	[tilespmem:s18+$0xFFFFFF90] =	vst v3  }
0x103: {  	[tilespmem:s18+$0xFFFFFFB0] =	vst v4  }
0x104: {  	s20 =	simm.s32 $0x4080;
	[tilespmem:s18+$0xFFFFFFA0] =	vst v2  }
0x105: {  	v3 =	vld [tilespmem:s20+$0x60]  }
0x106: {  	s21 =	simm.s32 $0x4;
	s24 =	simm.s32 $0x7;
	s23 =	simm.s32 $0x8;
	v2 =	vld.idx.msk [tilespmem:v5+s31+$0x0], $0xffff  }
.LBB2_3:
0x107: {  	p1 =	sne.s32 s23, $0x7C;
	v4 =	vmov s24;
	v5 =	vld [tilespmem:s20+$0x50]  }
0x108: {  	v4 =	vand.u32 $0x7F, v4;
	v6 =	vld [tilespmem:s20+$0x40]  }
0x109: {  	v4 =	vor.u32 v1, v4;
	v7 =	vld [tilespmem:s20+$0xFFFFFF80]  }
0x10a: {  	v4 =	vbroadcast v4, $0x0;
	v8 =	vld [tilespmem:s20+$0xFFFFFF90]  }
0x10b: {  	v9 =	vld [tilespmem:s20+$0xFFFFFFA0]  }
0x10c: {  	v10 =	vld [tilespmem:s20+$0xFFFFFFB0]  }
0x10d: {  	v11 =	vld [tilespmem:s20+$0xFFFFFFC0]  }
0x10e: {  	v12 =	vmov s21;
	s24 =	sadd.s32 $0x1, s21;
	s21 =	smov.u32 s23;
	v13 =	vld [tilespmem:s20+$0xFFFFFFD0]  }
0x10f: {  	v12 =	vand.u32 $0x7C, v12;
	v14 =	vmov s24;
	v15 =	vld [tilespmem:s20+$0xFFFFFFE0]  }
0x110: {  	v12 =	vor.u32 v1, v12;
	v14 =	vand.u32 $0x7D, v14;
	v4 =	vld.idx.msk [tilespmem:v4+s31+$0x0], $0xffff  }
0x111: {  	v12 =	vbroadcast v12, $0x0;
	v14 =	vor.u32 v1, v14;
	v16 =	vld [tilespmem:s20+$0x70]  }
0x112: {  	v14 =	vbroadcast v14, $0x0;
	v17 =	vld [tilespmem:s20+$0xFFFFFFF0]  }
0x113: {  	v18 =	vld [tilespmem:s20+$0x0]  }
0x114: {  	v19 =	vld [tilespmem:s20+$0x10]  }
0x115: {  	v20 =	vld [tilespmem:s20+$0x20]  }
0x116: {  	v6 =	vmul.f32 v6, v4;
	v21 =	vld [tilespmem:s20+$0x30];
	v16 =	vmul.f32 v16, v4  }
0x117: {  	s18 =	sadd.s32 $0x100, s18;
	v5 =	vmul.f32 v5, v4;
	v3 =	vmul.f32 v3, v4;
	v12 =	vld.idx.msk [tilespmem:v12+s31+$0x0], $0xffff  }
0x118: {  	v4 =	vld.idx.msk [tilespmem:v14+s31+$0x0], $0xffff;
	v14 =	vmul.f32 v18, v2;
	[tilespmem:s18+$0x70] =	vst v16  }
0x119: {  	v16 =	vmul.f32 v19, v2;
	[tilespmem:s18+$0x40] =	vst v6  }
0x11a: {  	[tilespmem:s18+$0x0] =	vst v14;
	v6 =	vmul.f32 v20, v2  }
0x11b: {  	[tilespmem:s18+$0x10] =	vst v16;
	v2 =	vmul.f32 v21, v2  }
0x11c: {  	[tilespmem:s18+$0x20] =	vst v6  }
0x11d: {  	v6 =	vmul.f32 v7, v12;
	v7 =	vmul.f32 v8, v12;
	[tilespmem:s18+$0x30] =	vst v2  }
0x11e: {  	s24 =	sadd.s32 $0x2, s23;
	v2 =	vmul.f32 v11, v4;
	v8 =	vmul.f32 v13, v4;
	[tilespmem:s18+$0x50] =	vst v5  }
0x11f: {  	v11 =	vmul.f32 v15, v4;
	v4 =	vmul.f32 v17, v4;
	v5 =	vmov s24;
	[tilespmem:s18+$0x60] =	vst v3  }
0x120: {  	v3 =	vand.u32 $0x7E, v5;
	v5 =	vmul.f32 v9, v12;
	v9 =	vmul.f32 v10, v12;
	[tilespmem:s18+$0xFFFFFFC0] =	vst v2  }
0x121: {  	v2 =	vor.u32 v1, v3;
	[tilespmem:s18+$0xFFFFFFD0] =	vst v8  }
0x122: {  	v2 =	vbroadcast v2, $0x0;
	[tilespmem:s18+$0xFFFFFFE0] =	vst v11  }
0x123: {  	[tilespmem:s18+$0xFFFFFFF0] =	vst v4  }
0x124: {  	[tilespmem:s18+$0xFFFFFF80] =	vst v6  }
.Ltmp2:
0x125: {  	[tilespmem:s18+$0xFFFFFF90] =	vst v7;
	(pc) =	sbr.rel @p1 .LBB2_3-.Ltmp2, $4  }
0x126: {  	[tilespmem:s18+$0xFFFFFFA0] =	vst v5  }
0x127: {  	[tilespmem:s18+$0xFFFFFFB0] =	vst v9  }
0x128: {  	s20 =	sadd.s32 $0x100, s20;
	v2 =	vld.idx.msk [tilespmem:v2+s31+$0x0], $0xffff  }
0x129: {  	s23 =	sadd.s32 $0x4, s23;
	s24 =	sadd.s32 $0x3, s21;
	v3 =	vld [tilespmem:s20+$0x60]  }
0x12a: {  	v5 =	vld [tilespmem:s20+$0x50]  }
0x12b: {  	v6 =	vld [tilespmem:s20+$0x40]  }
0x12c: {  	v7 =	vld [tilespmem:s20+$0xFFFFFF80]  }
0x12d: {  	v8 =	vld [tilespmem:s20+$0xFFFFFF90]  }
0x12e: {  	v9 =	vld [tilespmem:s20+$0xFFFFFFA0]  }
0x12f: {  	v4 =	vmov s24;
	v10 =	vld [tilespmem:s20+$0xFFFFFFB0]  }
0x130: {  	v11 =	vld [tilespmem:s20+$0xFFFFFFC0];
	v4 =	vand.u32 $0x7F, v4  }
0x131: {  	v12 =	vmov s21;
	s23 =	sadd.s32 $0x1, s21;
	v13 =	vld [tilespmem:s20+$0xFFFFFFD0];
	v4 =	vor.u32 v1, v4  }
0x132: {  	v15 =	vld [tilespmem:s20+$0xFFFFFFE0];
	v12 =	vand.u32 $0x7C, v12;
	v14 =	vmov s23;
	v4 =	vbroadcast v4, $0x0  }
0x133: {  	v44 =	vld [tilespmem:s20+$0x70];
	v12 =	vor.u32 v1, v12;
	v14 =	vand.u32 $0x7D, v14  }
0x134: {  	v17 =	vld [tilespmem:s20+$0x0];
	v12 =	vbroadcast v12, $0x0;
	v1 =	vor.u32 v1, v14  }
0x135: {  	v18 =	vld [tilespmem:s20+$0x10];
	v1 =	vbroadcast v1, $0x0  }
0x136: {  	v19 =	vld [tilespmem:s20+$0x20]  }
0x137: {  	v20 =	vld [tilespmem:s20+$0x30]  }
0x138: {  	v4 =	vld.idx.msk [tilespmem:v4+s31+$0x0], $0xffff  }
0x139: {  	v16 =	vld [tilespmem:s20+$0xFFFFFFF0];
	v17 =	vmul.f32 v17, v2  }
0x13a: {  	s18 =	sadd.s32 $0x100, s18;
	v45 =	vmul.f32 v18, v2;
	v12 =	vld.idx.msk [tilespmem:v12+s31+$0x0], $0xffff  }
0x13b: {  	v46 =	vmul.f32 v19, v2;
	v1 =	vld.idx.msk [tilespmem:v1+s31+$0x0], $0xffff;
	[tilespmem:s18+$0x0] =	vst v17  }
0x13c: {  	v2 =	vmul.f32 v20, v2;
	[tilespmem:s18+$0x10] =	vst v45  }
0x13d: {  	[tilespmem:s18+$0x20] =	vst v46;
	v14 =	vmul.f32 v44, v4  }
0x13e: {  	[tilespmem:s18+$0x30] =	vst v2;
	v6 =	vmul.f32 v6, v4  }
0x13f: {  	v5 =	vmul.f32 v5, v4;
	[tilespmem:s18+$0x70] =	vst v14  }
0x140: {  	v3 =	vmul.f32 v3, v4;
	[tilespmem:s18+$0x40] =	vst v6  }
0x141: {  	v2 =	vmul.f32 v11, v1;
	[tilespmem:s18+$0x50] =	vst v5  }
0x142: {  	v4 =	vmul.f32 v13, v1;
	[tilespmem:s18+$0x60] =	vst v3  }
0x143: {  	v3 =	vmul.f32 v15, v1;
	[tilespmem:s18+$0xFFFFFFC0] =	vst v2  }
0x144: {  	v1 =	vmul.f32 v16, v1;
	[tilespmem:s18+$0xFFFFFFD0] =	vst v4  }
0x145: {  	v2 =	vmul.f32 v7, v12;
	[tilespmem:s18+$0xFFFFFFE0] =	vst v3  }
0x146: {  	v3 =	vmul.f32 v8, v12;
	[tilespmem:s18+$0xFFFFFFF0] =	vst v1  }
0x147: {  	v1 =	vmul.f32 v9, v12;
	[tilespmem:s18+$0xFFFFFF80] =	vst v2  }
0x148: {  	s20 =	smul.u32 $0x600, s17;
	v2 =	vmul.f32 v10, v12;
	[tilespmem:s18+$0xFFFFFF90] =	vst v3  }
0x149: {  	p1 =	seq.s32 s17, $0xD;
	s24 =	sadd.s32 $0x1, s19;
	s23 =	simm.s32 $0x2;
	[tilespmem:s18+$0xFFFFFFA0] =	vst v1  }
0x14a: {  	s21 =	sshll.u32 s24, $0x7;
	[tilespmem:s18+$0xFFFFFFB0] =	vst v2;
	s18 =	sshra.s32 s20, $0x2;
	s20 =	sshra.s32 @!p1 s20, $0x2  }
0x14b: {  	v2 =	vmov s23;
	[spmem:s2] =	stream.indirect.scatter.add.f32 [tilespmem:s12], [sflag:$0x4], $0x40, s18, s10, $0xb8;
	[tilespmem:$0x18300] =	vst v63  }
0x14c: {  	s24 =	simm.s32 @!p1 $0x80;
	s25 =	simm.s32 @!p1 $0x3F00;
	v1 =	vmov s21;
	s23 =	sadd.s32 @!p1 $0x1680, s20;
	v2 =	vand.u32 $0x7E, v2  }
0x14d: {  	v2 =	vor.u32 v1, v2;
	[tilespmem:s25], [sflag:$0x1] =	stream.indirect.gather @!p1 [spmem:s3], $0x40, s23, s24, $0xb8;
	[tilespmem:$0x18300] =	vst v63  }
0x14e: {  	v2 =	vbroadcast v2, $0x0;
	_ =	swait.ge [sflag:s7], $0x2000  }
0x14f: {  	[sflag:s7] =	ssyncset.done $0x0  }
0x150: {  	s23 =	simm.s32 @!p0 $0x5;
	[sflag:s7] =	ssyncadd.s32 $0xFFFFE000  }
0x151: {  	_ =	swait.ge @!p0 [sflag:s23], $0x2000  }
0x152: {  	[sflag:s23] =	ssyncset.done @!p0 $0x0  }
0x153: {  	[sflag:s23] =	ssyncadd.s32 @!p0 $0xFFFFE000  }
0x154: {  	s23 =	simm.s32 $0x5F80;
	v2 =	vld.idx.msk [tilespmem:v2+s31+$0x0], $0xffff  }
0x155: {  	v3 =	vld [tilespmem:s23+$0x60]  }
0x156: {  	v5 =	vld [tilespmem:s23+$0x50]  }
0x157: {  	v47 =	vld [tilespmem:s23+$0x40]  }
0x158: {  	v48 =	vld [tilespmem:s23+$0xFFFFFF80]  }
0x159: {  	v49 =	vld [tilespmem:s23+$0xFFFFFF90]  }
0x15a: {  	s25 =	simm.s32 $0x3;
	v50 =	vld [tilespmem:s23+$0xFFFFFFA0]  }
0x15b: {  	v4 =	vmov s25;
	v51 =	vld [tilespmem:s23+$0xFFFFFFB0]  }
0x15c: {  	s26 =	simm.s32 $0x0;
	v4 =	vand.u32 $0x7F, v4;
	v52 =	vld [tilespmem:s23+$0xFFFFFFC0]  }
0x15d: {  	v53 =	vmov s26;
	s25 =	simm.s32 $0x1;
	v4 =	vor.u32 v1, v4;
	v54 =	vld [tilespmem:s23+$0xFFFFFFD0]  }
0x15e: {  	v12 =	vand.u32 $0x7C, v53;
	v55 =	vmov s25;
	v4 =	vbroadcast v4, $0x0;
	v56 =	vld [tilespmem:s23+$0xFFFFFFE0]  }
0x15f: {  	v12 =	vor.u32 v1, v12;
	v14 =	vand.u32 $0x7D, v55;
	v57 =	vld [tilespmem:s23+$0x70]  }
0x160: {  	v12 =	vbroadcast v12, $0x0;
	v14 =	vor.u32 v1, v14;
	v59 =	vld [tilespmem:s23+$0x0]  }
0x161: {  	v14 =	vbroadcast v14, $0x0;
	v60 =	vld [tilespmem:s23+$0x10]  }
0x162: {  	v61 =	vld [tilespmem:s23+$0x20]  }
0x163: {  	v21 =	vld [tilespmem:s23+$0x30]  }
0x164: {  	v4 =	vld.idx.msk [tilespmem:v4+s31+$0x0], $0xffff  }
0x165: {  	v58 =	vld [tilespmem:s23+$0xFFFFFFF0];
	v18 =	vmul.f32 v59, v2  }
0x166: {  	v12 =	vld.idx.msk [tilespmem:v12+s31+$0x0], $0xffff;
	s23 =	simm.s32 $0xBF80;
	v62 =	vmul.f32 v60, v2  }
0x167: {  	v14 =	vld.idx.msk [tilespmem:v14+s31+$0x0], $0xffff;
	v63 =	vmul.f32 v61, v2;
	[tilespmem:s23+$0x0] =	vst v18  }
0x168: {  	v2 =	vmul.f32 v21, v2;
	[tilespmem:s23+$0x10] =	vst v62  }
0x169: {  	[tilespmem:s23+$0x20] =	vst v63;
	v16 =	vmul.f32 v57, v4  }
0x16a: {  	[tilespmem:s23+$0x30] =	vst v2;
	v6 =	vmul.f32 v47, v4  }
0x16b: {  	v5 =	vmul.f32 v5, v4;
	[tilespmem:s23+$0x70] =	vst v16  }
0x16c: {  	v3 =	vmul.f32 v3, v4;
	[tilespmem:s23+$0x40] =	vst v6  }
0x16d: {  	v2 =	vmul.f32 v52, v14;
	[tilespmem:s23+$0x50] =	vst v5  }
0x16e: {  	s26 =	simm.s32 $0x6;
	v4 =	vmul.f32 v54, v14;
	[tilespmem:s23+$0x60] =	vst v3  }
0x16f: {  	v5 =	vmov s26;
	v3 =	vmul.f32 v56, v14;
	[tilespmem:s23+$0xFFFFFFC0] =	vst v2  }
0x170: {  	v5 =	vand.u32 $0x7E, v5;
	v2 =	vmul.f32 v58, v14;
	[tilespmem:s23+$0xFFFFFFD0] =	vst v4  }
0x171: {  	v4 =	vmul.f32 v48, v12;
	v5 =	vor.u32 v1, v5;
	[tilespmem:s23+$0xFFFFFFE0] =	vst v3  }
0x172: {  	v3 =	vmul.f32 v49, v12;
	v5 =	vbroadcast v5, $0x0;
	[tilespmem:s23+$0xFFFFFFF0] =	vst v2  }
0x173: {  	v2 =	vmul.f32 v50, v12;
	[tilespmem:s23+$0xFFFFFF80] =	vst v4  }
0x174: {  	v4 =	vmul.f32 v51, v12;
	[tilespmem:s23+$0xFFFFFF90] =	vst v3  }
0x175: {  	[tilespmem:s23+$0xFFFFFFA0] =	vst v2  }
0x176: {  	s24 =	simm.s32 $0x6080;
	[tilespmem:s23+$0xFFFFFFB0] =	vst v4  }
0x177: {  	v3 =	vld [tilespmem:s24+$0x60]  }
0x178: {  	s28 =	simm.s32 $0x7;
	s25 =	simm.s32 $0x4;
	s26 =	simm.s32 $0x8;
	v2 =	vld.idx.msk [tilespmem:v5+s31+$0x0], $0xffff  }
.LBB2_5:
0x179: {  	p2 =	sne.s32 s26, $0x7C;
	v4 =	vmov s28;
	v5 =	vld [tilespmem:s24+$0x50]  }
0x17a: {  	v4 =	vand.u32 $0x7F, v4;
	v6 =	vld [tilespmem:s24+$0x40]  }
0x17b: {  	v4 =	vor.u32 v1, v4;
	v7 =	vld [tilespmem:s24+$0xFFFFFF80]  }
0x17c: {  	v4 =	vbroadcast v4, $0x0;
	v8 =	vld [tilespmem:s24+$0xFFFFFF90]  }
0x17d: {  	v9 =	vld [tilespmem:s24+$0xFFFFFFA0]  }
0x17e: {  	v10 =	vld [tilespmem:s24+$0xFFFFFFB0]  }
0x17f: {  	v11 =	vld [tilespmem:s24+$0xFFFFFFC0]  }
0x180: {  	v12 =	vmov s25;
	s28 =	sadd.s32 $0x1, s25;
	s25 =	smov.u32 s26;
	v13 =	vld [tilespmem:s24+$0xFFFFFFD0]  }
0x181: {  	v12 =	vand.u32 $0x7C, v12;
	v14 =	vmov s28;
	v15 =	vld [tilespmem:s24+$0xFFFFFFE0]  }
0x182: {  	v12 =	vor.u32 v1, v12;
	v14 =	vand.u32 $0x7D, v14;
	v4 =	vld.idx.msk [tilespmem:v4+s31+$0x0], $0xffff  }
0x183: {  	v12 =	vbroadcast v12, $0x0;
	v14 =	vor.u32 v1, v14;
	v16 =	vld [tilespmem:s24+$0x70]  }
0x184: {  	v14 =	vbroadcast v14, $0x0;
	v17 =	vld [tilespmem:s24+$0xFFFFFFF0]  }
0x185: {  	v18 =	vld [tilespmem:s24+$0x0]  }
0x186: {  	v19 =	vld [tilespmem:s24+$0x10]  }
0x187: {  	v20 =	vld [tilespmem:s24+$0x20]  }
0x188: {  	v6 =	vmul.f32 v6, v4;
	v21 =	vld [tilespmem:s24+$0x30];
	v16 =	vmul.f32 v16, v4  }
0x189: {  	s23 =	sadd.s32 $0x100, s23;
	v5 =	vmul.f32 v5, v4;
	v3 =	vmul.f32 v3, v4;
	v12 =	vld.idx.msk [tilespmem:v12+s31+$0x0], $0xffff  }
0x18a: {  	v4 =	vld.idx.msk [tilespmem:v14+s31+$0x0], $0xffff;
	v14 =	vmul.f32 v18, v2;
	[tilespmem:s23+$0x70] =	vst v16  }
0x18b: {  	v16 =	vmul.f32 v19, v2;
	[tilespmem:s23+$0x40] =	vst v6  }
0x18c: {  	[tilespmem:s23+$0x0] =	vst v14;
	v6 =	vmul.f32 v20, v2  }
0x18d: {  	[tilespmem:s23+$0x10] =	vst v16;
	v2 =	vmul.f32 v21, v2  }
0x18e: {  	[tilespmem:s23+$0x20] =	vst v6  }
0x18f: {  	v6 =	vmul.f32 v7, v12;
	v7 =	vmul.f32 v8, v12;
	[tilespmem:s23+$0x30] =	vst v2  }
0x190: {  	s28 =	sadd.s32 $0x2, s26;
	v2 =	vmul.f32 v11, v4;
	v8 =	vmul.f32 v13, v4;
	[tilespmem:s23+$0x50] =	vst v5  }
0x191: {  	v11 =	vmul.f32 v15, v4;
	v4 =	vmul.f32 v17, v4;
	v5 =	vmov s28;
	[tilespmem:s23+$0x60] =	vst v3  }
0x192: {  	v3 =	vand.u32 $0x7E, v5;
	v5 =	vmul.f32 v9, v12;
	v9 =	vmul.f32 v10, v12;
	[tilespmem:s23+$0xFFFFFFC0] =	vst v2  }
0x193: {  	v2 =	vor.u32 v1, v3;
	[tilespmem:s23+$0xFFFFFFD0] =	vst v8  }
0x194: {  	v2 =	vbroadcast v2, $0x0;
	[tilespmem:s23+$0xFFFFFFE0] =	vst v11  }
0x195: {  	[tilespmem:s23+$0xFFFFFFF0] =	vst v4  }
0x196: {  	[tilespmem:s23+$0xFFFFFF80] =	vst v6  }
.Ltmp3:
0x197: {  	[tilespmem:s23+$0xFFFFFF90] =	vst v7;
	(pc) =	sbr.rel @p2 .LBB2_5-.Ltmp3, $4  }
0x198: {  	[tilespmem:s23+$0xFFFFFFA0] =	vst v5  }
0x199: {  	[tilespmem:s23+$0xFFFFFFB0] =	vst v9  }
0x19a: {  	s24 =	sadd.s32 $0x100, s24;
	v2 =	vld.idx.msk [tilespmem:v2+s31+$0x0], $0xffff  }
0x19b: {  	s26 =	sadd.s32 $0x4, s26;
	s28 =	sadd.s32 $0x3, s25;
	v3 =	vld [tilespmem:s24+$0x60]  }
0x19c: {  	v5 =	vld [tilespmem:s24+$0x50]  }
0x19d: {  	v6 =	vld [tilespmem:s24+$0x40]  }
0x19e: {  	v7 =	vld [tilespmem:s24+$0xFFFFFF80]  }
0x19f: {  	v8 =	vld [tilespmem:s24+$0xFFFFFF90]  }
0x1a0: {  	v9 =	vld [tilespmem:s24+$0xFFFFFFA0]  }
0x1a1: {  	v4 =	vmov s28;
	v10 =	vld [tilespmem:s24+$0xFFFFFFB0]  }
0x1a2: {  	v11 =	vld [tilespmem:s24+$0xFFFFFFC0];
	v4 =	vand.u32 $0x7F, v4  }
0x1a3: {  	v12 =	vmov s25;
	s26 =	sadd.s32 $0x1, s25;
	v13 =	vld [tilespmem:s24+$0xFFFFFFD0];
	v4 =	vor.u32 v1, v4  }
0x1a4: {  	v15 =	vld [tilespmem:s24+$0xFFFFFFE0];
	v12 =	vand.u32 $0x7C, v12;
	v14 =	vmov s26;
	v4 =	vbroadcast v4, $0x0  }
0x1a5: {  	v44 =	vld [tilespmem:s24+$0x70];
	v12 =	vor.u32 v1, v12;
	v14 =	vand.u32 $0x7D, v14  }
0x1a6: {  	v17 =	vld [tilespmem:s24+$0x0];
	v12 =	vbroadcast v12, $0x0;
	v1 =	vor.u32 v1, v14  }
0x1a7: {  	v18 =	vld [tilespmem:s24+$0x10];
	v1 =	vbroadcast v1, $0x0  }
0x1a8: {  	v19 =	vld [tilespmem:s24+$0x20]  }
0x1a9: {  	v20 =	vld [tilespmem:s24+$0x30]  }
0x1aa: {  	v4 =	vld.idx.msk [tilespmem:v4+s31+$0x0], $0xffff  }
0x1ab: {  	v16 =	vld [tilespmem:s24+$0xFFFFFFF0];
	v17 =	vmul.f32 v17, v2  }
0x1ac: {  	s23 =	sadd.s32 $0x100, s23;
	v45 =	vmul.f32 v18, v2;
	v12 =	vld.idx.msk [tilespmem:v12+s31+$0x0], $0xffff  }
0x1ad: {  	v46 =	vmul.f32 v19, v2;
	v1 =	vld.idx.msk [tilespmem:v1+s31+$0x0], $0xffff;
	[tilespmem:s23+$0x0] =	vst v17  }
0x1ae: {  	v2 =	vmul.f32 v20, v2;
	[tilespmem:s23+$0x10] =	vst v45  }
0x1af: {  	[tilespmem:s23+$0x20] =	vst v46;
	v14 =	vmul.f32 v44, v4  }
0x1b0: {  	[tilespmem:s23+$0x30] =	vst v2;
	v6 =	vmul.f32 v6, v4  }
0x1b1: {  	v5 =	vmul.f32 v5, v4;
	[tilespmem:s23+$0x70] =	vst v14  }
0x1b2: {  	v3 =	vmul.f32 v3, v4;
	[tilespmem:s23+$0x40] =	vst v6  }
0x1b3: {  	v2 =	vmul.f32 v11, v1;
	[tilespmem:s23+$0x50] =	vst v5  }
0x1b4: {  	v4 =	vmul.f32 v13, v1;
	[tilespmem:s23+$0x60] =	vst v3  }
0x1b5: {  	v3 =	vmul.f32 v15, v1;
	[tilespmem:s23+$0xFFFFFFC0] =	vst v2  }
0x1b6: {  	v1 =	vmul.f32 v16, v1;
	[tilespmem:s23+$0xFFFFFFD0] =	vst v4  }
0x1b7: {  	v2 =	vmul.f32 v7, v12;
	[tilespmem:s23+$0xFFFFFFE0] =	vst v3  }
0x1b8: {  	v3 =	vmul.f32 v8, v12;
	[tilespmem:s23+$0xFFFFFFF0] =	vst v1  }
0x1b9: {  	v1 =	vmul.f32 v9, v12;
	[tilespmem:s23+$0xFFFFFF80] =	vst v2  }
0x1ba: {  	v2 =	vmul.f32 v10, v12;
	[tilespmem:s23+$0xFFFFFF90] =	vst v3  }
0x1bb: {  	s19 =	sadd.s32 $0x2, s19;
	[tilespmem:s23+$0xFFFFFFA0] =	vst v1  }
0x1bc: {  	s21 =	sand.u32 $0x3FFFFF80, s21;
	s28 =	simm.s32 $0x2;
	s19 =	sshll.u32 s19, $0x7;
	[tilespmem:s23+$0xFFFFFFB0] =	vst v2  }
0x1bd: {  	v2 =	vmov s28;
	[spmem:s2] =	stream.indirect.scatter.add.f32 [tilespmem:s13], [sflag:$0x5], $0x40, s21, s10, $0xb8;
	[tilespmem:$0x18300] =	vst v63  }
0x1be: {  	s20 =	sadd.s32 @!p1 $0x1700, s20;
	v1 =	vmov s19;
	s23 =	simm.s32 @!p1 $0x5F00;
	s21 =	simm.s32 @!p1 $0x80;
	v2 =	vand.u32 $0x7E, v2  }
0x1bf: {  	v2 =	vor.u32 v1, v2;
	[tilespmem:s23], [sflag:$0x2] =	stream.indirect.gather @!p1 [spmem:s3], $0x40, s20, s21, $0xb8;
	[tilespmem:$0x18300] =	vst v63  }
0x1c0: {  	v2 =	vbroadcast v2, $0x0;
	_ =	swait.ge [sflag:s8], $0x2000  }
0x1c1: {  	[sflag:s8] =	ssyncset.done $0x0  }
0x1c2: {  	s20 =	simm.s32 @!p0 $0x6;
	[sflag:s8] =	ssyncadd.s32 $0xFFFFE000  }
0x1c3: {  	_ =	swait.ge @!p0 [sflag:s20], $0x2000  }
0x1c4: {  	[sflag:s20] =	ssyncset.done @!p0 $0x0  }
0x1c5: {  	[sflag:s20] =	ssyncadd.s32 @!p0 $0xFFFFE000  }
0x1c6: {  	s23 =	simm.s32 $0x7F80;
	v2 =	vld.idx.msk [tilespmem:v2+s31+$0x0], $0xffff  }
0x1c7: {  	s24 =	simm.s32 $0x3;
	v3 =	vld [tilespmem:s23+$0x60]  }
0x1c8: {  	v4 =	vmov s24;
	v5 =	vld [tilespmem:s23+$0x50]  }
0x1c9: {  	v4 =	vand.u32 $0x7F, v4;
	v47 =	vld [tilespmem:s23+$0x40]  }
0x1ca: {  	v4 =	vor.u32 v1, v4;
	v48 =	vld [tilespmem:s23+$0xFFFFFF80]  }
0x1cb: {  	v4 =	vbroadcast v4, $0x0;
	v49 =	vld [tilespmem:s23+$0xFFFFFF90]  }
0x1cc: {  	v50 =	vld [tilespmem:s23+$0xFFFFFFA0]  }
0x1cd: {  	v51 =	vld [tilespmem:s23+$0xFFFFFFB0]  }
0x1ce: {  	s25 =	simm.s32 $0x0;
	v52 =	vld [tilespmem:s23+$0xFFFFFFC0]  }
0x1cf: {  	v53 =	vmov s25;
	s26 =	simm.s32 $0x1;
	v54 =	vld [tilespmem:s23+$0xFFFFFFD0]  }
0x1d0: {  	v55 =	vmov s26;
	v12 =	vand.u32 $0x7C, v53;
	v56 =	vld [tilespmem:s23+$0xFFFFFFE0]  }
0x1d1: {  	v14 =	vand.u32 $0x7D, v55;
	v12 =	vor.u32 v1, v12;
	v4 =	vld.idx.msk [tilespmem:v4+s31+$0x0], $0xffff  }
0x1d2: {  	v14 =	vor.u32 v1, v14;
	v12 =	vbroadcast v12, $0x0;
	v57 =	vld [tilespmem:s23+$0x70]  }
0x1d3: {  	v14 =	vbroadcast v14, $0x0;
	v58 =	vld [tilespmem:s23+$0xFFFFFFF0]  }
0x1d4: {  	v59 =	vld [tilespmem:s23+$0x0]  }
0x1d5: {  	v60 =	vld [tilespmem:s23+$0x10]  }
0x1d6: {  	v61 =	vld [tilespmem:s23+$0x20]  }
0x1d7: {  	v21 =	vld [tilespmem:s23+$0x30];
	v16 =	vmul.f32 v57, v4  }
0x1d8: {  	s20 =	simm.s32 $0xDF80;
	v12 =	vld.idx.msk [tilespmem:v12+s31+$0x0], $0xffff;
	v6 =	vmul.f32 v47, v4  }
0x1d9: {  	v14 =	vld.idx.msk [tilespmem:v14+s31+$0x0], $0xffff;
	v18 =	vmul.f32 v59, v2;
	[tilespmem:s20+$0x70] =	vst v16  }
0x1da: {  	v62 =	vmul.f32 v60, v2;
	[tilespmem:s20+$0x40] =	vst v6  }
0x1db: {  	v63 =	vmul.f32 v61, v2;
	[tilespmem:s20+$0x0] =	vst v18  }
0x1dc: {  	v2 =	vmul.f32 v21, v2;
	[tilespmem:s20+$0x10] =	vst v62  }
0x1dd: {  	v5 =	vmul.f32 v5, v4;
	[tilespmem:s20+$0x20] =	vst v63  }
0x1de: {  	v3 =	vmul.f32 v3, v4;
	[tilespmem:s20+$0x30] =	vst v2  }
0x1df: {  	v4 =	vmul.f32 v54, v14;
	[tilespmem:s20+$0x50] =	vst v5  }
0x1e0: {  	s28 =	simm.s32 $0x6;
	v2 =	vmul.f32 v52, v14;
	[tilespmem:s20+$0x60] =	vst v3  }
0x1e1: {  	v5 =	vmov s28;
	v3 =	vmul.f32 v56, v14;
	[tilespmem:s20+$0xFFFFFFD0] =	vst v4  }
0x1e2: {  	v4 =	vmul.f32 v48, v12;
	v5 =	vand.u32 $0x7E, v5;
	[tilespmem:s20+$0xFFFFFFC0] =	vst v2  }
0x1e3: {  	v2 =	vmul.f32 v58, v14;
	v5 =	vor.u32 v1, v5;
	[tilespmem:s20+$0xFFFFFFE0] =	vst v3  }
0x1e4: {  	v3 =	vmul.f32 v49, v12;
	[tilespmem:s20+$0xFFFFFF80] =	vst v4;
	v5 =	vbroadcast v5, $0x0  }
0x1e5: {  	v4 =	vmul.f32 v51, v12;
	[tilespmem:s20+$0xFFFFFFF0] =	vst v2  }
0x1e6: {  	v2 =	vmul.f32 v50, v12;
	[tilespmem:s20+$0xFFFFFF90] =	vst v3  }
0x1e7: {  	[tilespmem:s20+$0xFFFFFFB0] =	vst v4  }
0x1e8: {  	s21 =	simm.s32 $0x8080;
	[tilespmem:s20+$0xFFFFFFA0] =	vst v2  }
0x1e9: {  	v3 =	vld [tilespmem:s21+$0x60]  }
0x1ea: {  	s25 =	simm.s32 $0x7;
	s24 =	simm.s32 $0x8;
	s23 =	simm.s32 $0x4;
	v2 =	vld.idx.msk [tilespmem:v5+s31+$0x0], $0xffff  }
.LBB2_7:
0x1eb: {  	p0 =	sne.s32 s24, $0x7C;
	v4 =	vmov s25;
	v5 =	vld [tilespmem:s21+$0x50]  }
0x1ec: {  	v4 =	vand.u32 $0x7F, v4;
	v6 =	vld [tilespmem:s21+$0x40]  }
0x1ed: {  	v4 =	vor.u32 v1, v4;
	v7 =	vld [tilespmem:s21+$0xFFFFFF80]  }
0x1ee: {  	v4 =	vbroadcast v4, $0x0;
	v8 =	vld [tilespmem:s21+$0xFFFFFF90]  }
0x1ef: {  	v9 =	vld [tilespmem:s21+$0xFFFFFFA0]  }
0x1f0: {  	v10 =	vld [tilespmem:s21+$0xFFFFFFB0]  }
0x1f1: {  	v11 =	vld [tilespmem:s21+$0xFFFFFFC0]  }
0x1f2: {  	v12 =	vmov s23;
	s25 =	sadd.s32 $0x1, s23;
	s23 =	smov.u32 s24;
	v13 =	vld [tilespmem:s21+$0xFFFFFFD0]  }
0x1f3: {  	v12 =	vand.u32 $0x7C, v12;
	v14 =	vmov s25;
	v15 =	vld [tilespmem:s21+$0xFFFFFFE0]  }
0x1f4: {  	v12 =	vor.u32 v1, v12;
	v14 =	vand.u32 $0x7D, v14;
	v4 =	vld.idx.msk [tilespmem:v4+s31+$0x0], $0xffff  }
0x1f5: {  	v12 =	vbroadcast v12, $0x0;
	v14 =	vor.u32 v1, v14;
	v16 =	vld [tilespmem:s21+$0x70]  }
0x1f6: {  	v14 =	vbroadcast v14, $0x0;
	v17 =	vld [tilespmem:s21+$0xFFFFFFF0]  }
0x1f7: {  	v18 =	vld [tilespmem:s21+$0x0]  }
0x1f8: {  	v19 =	vld [tilespmem:s21+$0x10]  }
0x1f9: {  	v20 =	vld [tilespmem:s21+$0x20]  }
0x1fa: {  	v6 =	vmul.f32 v6, v4;
	v21 =	vld [tilespmem:s21+$0x30];
	v16 =	vmul.f32 v16, v4  }
0x1fb: {  	s20 =	sadd.s32 $0x100, s20;
	v5 =	vmul.f32 v5, v4;
	v3 =	vmul.f32 v3, v4;
	v12 =	vld.idx.msk [tilespmem:v12+s31+$0x0], $0xffff  }
0x1fc: {  	v4 =	vld.idx.msk [tilespmem:v14+s31+$0x0], $0xffff;
	v14 =	vmul.f32 v18, v2;
	[tilespmem:s20+$0x70] =	vst v16  }
0x1fd: {  	v16 =	vmul.f32 v19, v2;
	[tilespmem:s20+$0x40] =	vst v6  }
0x1fe: {  	[tilespmem:s20+$0x0] =	vst v14;
	v6 =	vmul.f32 v20, v2  }
0x1ff: {  	[tilespmem:s20+$0x10] =	vst v16;
	v2 =	vmul.f32 v21, v2  }
0x200: {  	[tilespmem:s20+$0x20] =	vst v6  }
0x201: {  	v6 =	vmul.f32 v7, v12;
	v7 =	vmul.f32 v8, v12;
	[tilespmem:s20+$0x30] =	vst v2  }
0x202: {  	s25 =	sadd.s32 $0x2, s24;
	v2 =	vmul.f32 v11, v4;
	v8 =	vmul.f32 v13, v4;
	[tilespmem:s20+$0x50] =	vst v5  }
0x203: {  	v11 =	vmul.f32 v15, v4;
	v4 =	vmul.f32 v17, v4;
	v5 =	vmov s25;
	[tilespmem:s20+$0x60] =	vst v3  }
0x204: {  	v3 =	vand.u32 $0x7E, v5;
	v5 =	vmul.f32 v9, v12;
	v9 =	vmul.f32 v10, v12;
	[tilespmem:s20+$0xFFFFFFC0] =	vst v2  }
0x205: {  	v2 =	vor.u32 v1, v3;
	[tilespmem:s20+$0xFFFFFFD0] =	vst v8  }
0x206: {  	v2 =	vbroadcast v2, $0x0;
	[tilespmem:s20+$0xFFFFFFE0] =	vst v11  }
0x207: {  	[tilespmem:s20+$0xFFFFFFF0] =	vst v4  }
0x208: {  	[tilespmem:s20+$0xFFFFFF80] =	vst v6  }
.Ltmp4:
0x209: {  	[tilespmem:s20+$0xFFFFFF90] =	vst v7;
	(pc) =	sbr.rel @p0 .LBB2_7-.Ltmp4, $4  }
0x20a: {  	[tilespmem:s20+$0xFFFFFFA0] =	vst v5  }
0x20b: {  	[tilespmem:s20+$0xFFFFFFB0] =	vst v9  }
0x20c: {  	s21 =	sadd.s32 $0x100, s21;
	v2 =	vld.idx.msk [tilespmem:v2+s31+$0x0], $0xffff  }
0x20d: {  	s24 =	sadd.s32 $0x4, s24;
	s25 =	sadd.s32 $0x3, s23;
	v3 =	vld [tilespmem:s21+$0x60]  }
0x20e: {  	v5 =	vld [tilespmem:s21+$0x50]  }
0x20f: {  	v6 =	vld [tilespmem:s21+$0x40]  }
0x210: {  	v7 =	vld [tilespmem:s21+$0xFFFFFF80]  }
0x211: {  	v8 =	vld [tilespmem:s21+$0xFFFFFF90]  }
0x212: {  	v9 =	vld [tilespmem:s21+$0xFFFFFFA0]  }
0x213: {  	v4 =	vmov s25;
	v10 =	vld [tilespmem:s21+$0xFFFFFFB0]  }
0x214: {  	v11 =	vld [tilespmem:s21+$0xFFFFFFC0];
	v4 =	vand.u32 $0x7F, v4  }
0x215: {  	v12 =	vmov s23;
	s28 =	sadd.s32 $0x1, s23;
	v13 =	vld [tilespmem:s21+$0xFFFFFFD0];
	v4 =	vor.u32 v1, v4  }
0x216: {  	v15 =	vld [tilespmem:s21+$0xFFFFFFE0];
	v12 =	vand.u32 $0x7C, v12;
	v14 =	vmov s28;
	v4 =	vbroadcast v4, $0x0  }
0x217: {  	v60 =	vld [tilespmem:s21+$0x70];
	v12 =	vor.u32 v1, v12;
	v14 =	vand.u32 $0x7D, v14  }
0x218: {  	v17 =	vld [tilespmem:s21+$0x0];
	v12 =	vbroadcast v12, $0x0;
	v1 =	vor.u32 v1, v14  }
0x219: {  	v18 =	vld [tilespmem:s21+$0x10];
	v1 =	vbroadcast v1, $0x0  }
0x21a: {  	v19 =	vld [tilespmem:s21+$0x20]  }
0x21b: {  	v20 =	vld [tilespmem:s21+$0x30]  }
0x21c: {  	v4 =	vld.idx.msk [tilespmem:v4+s31+$0x0], $0xffff  }
0x21d: {  	v16 =	vld [tilespmem:s21+$0xFFFFFFF0];
	v17 =	vmul.f32 v17, v2  }
0x21e: {  	s20 =	sadd.s32 $0x100, s20;
	v61 =	vmul.f32 v18, v2;
	v12 =	vld.idx.msk [tilespmem:v12+s31+$0x0], $0xffff  }
0x21f: {  	v62 =	vmul.f32 v19, v2;
	v1 =	vld.idx.msk [tilespmem:v1+s31+$0x0], $0xffff;
	[tilespmem:s20+$0x0] =	vst v17  }
0x220: {  	v2 =	vmul.f32 v20, v2;
	[tilespmem:s20+$0x10] =	vst v61  }
0x221: {  	[tilespmem:s20+$0x20] =	vst v62;
	v14 =	vmul.f32 v60, v4  }
0x222: {  	[tilespmem:s20+$0x30] =	vst v2;
	v6 =	vmul.f32 v6, v4  }
0x223: {  	v5 =	vmul.f32 v5, v4;
	[tilespmem:s20+$0x70] =	vst v14  }
0x224: {  	v3 =	vmul.f32 v3, v4;
	[tilespmem:s20+$0x40] =	vst v6  }
0x225: {  	v2 =	vmul.f32 v11, v1;
	[tilespmem:s20+$0x50] =	vst v5  }
0x226: {  	v63 =	vmul.f32 v13, v1;
	[tilespmem:s20+$0x60] =	vst v3  }
0x227: {  	v3 =	vmul.f32 v15, v1;
	[tilespmem:s20+$0xFFFFFFC0] =	vst v2  }
0x228: {  	v1 =	vmul.f32 v16, v1;
	[tilespmem:s20+$0xFFFFFFD0] =	vst v63  }
0x229: {  	v2 =	vmul.f32 v7, v12;
	[tilespmem:s20+$0xFFFFFFE0] =	vst v3  }
0x22a: {  	v3 =	vmul.f32 v8, v12;
	[tilespmem:s20+$0xFFFFFFF0] =	vst v1  }
.Ltmp5:
0x22b: {  	v1 =	vmul.f32 v9, v12;
	[tilespmem:s20+$0xFFFFFF80] =	vst v2;
	(pc) =	sbr.rel @p1 .LBB2_10-.Ltmp5, $4  }
0x22c: {  	v2 =	vmul.f32 v10, v12;
	[tilespmem:s20+$0xFFFFFF90] =	vst v3  }
0x22d: {  	[tilespmem:s20+$0xFFFFFFA0] =	vst v1  }
0x22e: {  	s19 =	sand.u32 $0x3FFFFF80, s19;
	[tilespmem:s20+$0xFFFFFFB0] =	vst v2  }
0x22f: {  	[spmem:s2] =	stream.indirect.scatter.add.f32 [tilespmem:s14], [sflag:$0x6], $0x40, s19, s10, $0xb8;
	[tilespmem:$0x18300] =	vst v63  }
.Ltmp6:
0x230: {  	(pc) =	sbr.rel .LBB2_2-.Ltmp6, $3  }
0x231: {  	_ =	sdelay $0x1  }
0x232: {  	s18 =	sadd.s32 $0x1780, s18;
	s17 =	sadd.s32 $0x1, s17  }
0x233: {  	[tilespmem:s11], [sflag:$0x3] =	stream.indirect.gather [spmem:s3], $0x40, s18, s10, $0xb8;
	[tilespmem:$0x18300] =	vst v63  }
.LBB2_11:
0x234: {  	_ =	sfence.sel $0x180000  }
0x235: {  	[bflag:$0x0] =	sbarrier.arrive $0xFFFF  }
0x236: {  	_ =	strace $0x90000047  }
0x237: {  	s0 =	stileid.u32;
	[bflag:$0x2] =	sbarrier.arrive $0xFFFF  }
0x238: {  	p0 =	sne.s32 s0, $0x0;
	s0 =	rddreg [dreg:$0x4]  }
0x239: {  	s0 =	sadd.s32 @!p0 $0x100000, s0  }
0x23a: {  	[sflag:s0] =	ssyncadd.tile.s32 @!p0 $0x1;
	_ =	shalt  }
.Lfunc_end2:
_tile_overlayer_lowered:
.L_overlay_start_2:
0x23b: {  	(tag) =	ssettag $0x2  }
0x23c: {  	s0 =	rddreg [dreg:$0x0];
	s2 =	stileid.u32  }
0x23d: {  	s1 =	rddreg [dreg:$0x1];
	p0 =	sne.s32 s2, $0x0  }
0x23e: {  	s3 =	rddreg [dreg:$0x2];
	[bflag:$0x3] =	sbarrier.arrive $0xFFFF;
	s2 =	simm.s32 @!p0 $0x1C07  }
0x23f: {  	[timem:s3], [sflag:s2] =	dma.local @!p0 [hbm:s0], s1  }
0x240: {  	s0 =	simm.s32 @!p0 $0x7  }
0x241: {  	_ =	swait.ge @!p0 [sflag:s0], s1  }
0x242: {  	s1 =	ssub.s32 @!p0 $0x0, s1;
	[sflag:s0] =	ssyncset.done @!p0 $0x0  }
0x243: {  	[sflag:s0] =	ssyncadd.s32 @!p0 s1  }
0x244: {  	[bflag:$0x3] =	sbarrier.arrive $0xFFFF  }
0x245: {  	_ =	shalt  }

</sc_bundles>
